<compile_context>
chip_gen: v7x
topology: tpu7x:2x2x1
jax: 0.10.2.dev20260603
libtpu: 0.0.44.dev20260713+nightly
codegen_flags: <defaults>
</compile_context>

<pallas_src>
import functools
import math

import jax
import jax.numpy as jnp
from jax import lax
from jax.experimental import pallas as pl
from jax.experimental.pallas import tpu as pltpu
from jax.experimental.pallas import tpu_sc as plsc

N = 10000
E = 320000
D = 128
ED = 16
BN_EPS = 1e-5

NC = 2
NS = 16
LANE = 16

G = 80
ROWS = E // G
RPS = ROWS // NC
RPT = RPS // NS
NZR = N // NS
NBUF = 2
TRIPS = RPT // NBUF


def _sc_aggregate(x, edge_index, ep):
  mesh = plsc.VectorSubcoreMesh(core_axis_name="c", subcore_axis_name="s")

  @functools.partial(
      pl.kernel,
      out_type=jax.ShapeDtypeStruct((NC, N, D), jnp.float32),
      mesh=mesh,
      compiler_params=pltpu.CompilerParams(use_tc_tiling_on_sc=False),
      scratch_types=[
          pltpu.VMEM_SHARED((N, D), jnp.float32),
          [pltpu.VMEM((2, G), jnp.int32) for _ in range(NBUF)],
          [pltpu.VMEM((G, D), jnp.float32) for _ in range(NBUF)],
          [pltpu.VMEM((G, D), jnp.float32) for _ in range(NBUF)],
          [pltpu.SemaphoreType.DMA for _ in range(NBUF)],
          [pltpu.SemaphoreType.DMA for _ in range(NBUF)],
          [pltpu.SemaphoreType.DMA for _ in range(NBUF)],
          [pltpu.SemaphoreType.DMA for _ in range(NBUF)],
      ],
  )
  def agg_kernel(x_hbm, idx_hbm, ep_hbm, out_hbm,
                 aggr_sh, idx_b, ep_b, rows_b, ix_sem, ep_sem, g_sem, sc_sem):
    c = lax.axis_index("c")
    s = lax.axis_index("s")
    row0 = c * RPS + s * RPT

    def _zrow(r, carry):
      for k in range(D // LANE):
        rows_b[0][r, pl.ds(k * LANE, LANE)] = jnp.zeros((LANE,), jnp.float32)
      return carry
    lax.fori_loop(0, G, _zrow, 0)
    z0 = s * NZR
    nfull = NZR // G
    for q in range(nfull):
      pltpu.sync_copy(rows_b[0], aggr_sh.at[pl.ds(z0 + q * G, G)])
    rem = NZR - nfull * G
    if rem:
      pltpu.sync_copy(rows_b[0].at[pl.ds(0, rem)],
                      aggr_sh.at[pl.ds(z0 + nfull * G, rem)])
    plsc.subcore_barrier()

    def stage1(ci, b):
      r = row0 + ci
      pltpu.async_copy(idx_hbm.at[pl.ds(0, 2), pl.ds(r * G, G)], idx_b[b],
                       ix_sem[b])
      pltpu.async_copy(ep_hbm.at[pl.ds(r * G, G)], ep_b[b], ep_sem[b])

    def stage2(ci, b):
      r = row0 + ci
      pltpu.make_async_copy(idx_hbm.at[pl.ds(0, 2), pl.ds(r * G, G)],
                            idx_b[b], ix_sem[b]).wait()
      pltpu.async_copy(x_hbm.at[idx_b[b].at[0]], rows_b[b], g_sem[b])

    def consume(ci, b):
      r = row0 + ci
      pltpu.make_async_copy(ep_hbm.at[pl.ds(r * G, G)], ep_b[b],
                            ep_sem[b]).wait()
      pltpu.make_async_copy(x_hbm.at[idx_b[b].at[0]], rows_b[b],
                            g_sem[b]).wait()

      pltpu.async_copy(rows_b[b], aggr_sh.at[idx_b[b].at[1]], sc_sem[b],
                       add=True)

    def wait_scatter(b):
      pltpu.make_async_copy(rows_b[b], aggr_sh.at[idx_b[b].at[1]],
                            sc_sem[b]).wait()

    stage1(0, 0)
    stage1(1, 1)
    stage2(0, 0)

    def _pair(t, carry):
      for j in range(NBUF):
        ci = t * NBUF + j

        @pl.when(ci + 1 < RPT)
        def _():
          stage2(ci + 1, (j + 1) % NBUF)

        consume(ci, j)
        wait_scatter(j)

        @pl.when(ci + NBUF < RPT)
        def _():
          stage1(ci + NBUF, j)
      return carry
    lax.fori_loop(0, TRIPS, _pair, 0)
    for ci in range(TRIPS * NBUF, RPT):
      consume(ci, ci % NBUF)
      wait_scatter(ci % NBUF)

    plsc.subcore_barrier()
    pltpu.sync_copy(aggr_sh.at[pl.ds(z0, NZR)],
                    out_hbm.at[c, pl.ds(z0, NZR)])

  return agg_kernel(x, edge_index, ep)


def _edge_proj(edge_attr_t, We, be):
  BE = 3200

  def body(ea_ref, we_ref, be_ref, out_ref):
    out_ref[...] = (lax.dot_general(
        ea_ref[...], we_ref[...],
        dimension_numbers=(((0,), (0,)), ((), ())),
        preferred_element_type=jnp.float32) + be_ref[...])

  return pl.pallas_call(
      body,
      grid=(E // BE,),
      in_specs=[
          pl.BlockSpec((ED, BE), lambda i: (0, i)),
          pl.BlockSpec((ED, D), lambda i: (0, 0)),
          pl.BlockSpec((1, D), lambda i: (0, 0)),
      ],
      out_specs=pl.BlockSpec((BE, D), lambda i: (i, 0)),
      out_shape=jax.ShapeDtypeStruct((E, D), jnp.float32),
  )(edge_attr_t, We, be.reshape(1, D))


def _node_update(x, aggr, Wp, bp):
  BN = 1000

  def body(x_ref, a_ref, w_ref, b_ref, out_ref):
    y = x_ref[...] + a_ref[0] + a_ref[1]
    out_ref[...] = jnp.maximum(
        jnp.dot(y, w_ref[...], preferred_element_type=jnp.float32)
        + b_ref[...], 0.0)

  return pl.pallas_call(
      body,
      grid=(N // BN,),
      in_specs=[
          pl.BlockSpec((BN, D), lambda i: (i, 0)),
          pl.BlockSpec((NC, BN, D), lambda i: (0, i, 0)),
          pl.BlockSpec((D, D), lambda i: (0, 0)),
          pl.BlockSpec((1, D), lambda i: (0, 0)),
      ],
      out_specs=pl.BlockSpec((BN, D), lambda i: (i, 0)),
      out_shape=jax.ShapeDtypeStruct((N, D), jnp.float32),
  )(x, aggr, Wp, bp.reshape(1, D))


def kernel(x, edge_index, edge_attr,
           We0, be0, W0, b0, g0, bt0,
           We1, be1, W1, b1, g1, bt1,
           We2, be2, W2, b2, g2, bt2):
  scale = 1.0 / math.sqrt(1.0 + BN_EPS)

  ea_t = edge_attr.T
  eps = [_edge_proj(ea_t, We, be)
         for We, be in ((We0, be0), (We1, be1), (We2, be2))]

  h = x
  for ep, W, b, g, bt in (
      (eps[0], W0, b0, g0, bt0),
      (eps[1], W1, b1, g1, bt1),
      (eps[2], W2, b2, g2, bt2)):
    aggr = _sc_aggregate(h, edge_index, ep)
    gs = g * scale
    h = _node_update(h, aggr, W * gs[None, :], b * gs + bt)
  return h

# --- scband reference (transcript-rebuilt; emitter-appended) ---
"""Pipeline reference for scband-my-gnn-7258494730826 (READ-ONLY COPY).

The authoritative reference and input builder live on the scoring server;
editing this copy changes nothing except your own understanding.
"""

import jax, jax.numpy as jnp
import numpy as np

N = 10000
E = 320000
D = 128
ED = 16
L = 3
BN_EPS = 1e-5


def setup_inputs(seed: int = 0) -> dict:
    key = jax.random.key(seed)
    ks = jax.random.split(key, 3 + 6 * L)
    inp = {}
    inp["x"] = jax.random.normal(ks[0], (N, D), dtype=jnp.float32)
    inp["edge_index"] = jax.random.randint(ks[1], (2, E), 0, N, dtype=jnp.int32)
    inp["edge_attr"] = jax.random.normal(ks[2], (E, ED), dtype=jnp.float32)
    i = 3
    for l in range(L):
        inp[f"We{l}"] = jax.random.normal(ks[i], (ED, D), dtype=jnp.float32) / np.sqrt(ED)
        inp[f"be{l}"] = jnp.zeros((D,), dtype=jnp.float32)
        inp[f"W{l}"] = jax.random.normal(ks[i + 1], (D, D), dtype=jnp.float32) / np.sqrt(D)
        inp[f"b{l}"] = jnp.zeros((D,), dtype=jnp.float32)
        inp[f"g{l}"] = jnp.ones((D,), dtype=jnp.float32)
        inp[f"bt{l}"] = jnp.zeros((D,), dtype=jnp.float32)
        i += 6
    return inp


def _layer(x, src, dst, edge_attr, We, be, W, b, g, bt):
    # GINEConv (edge_dim projection): message = relu(x_j + Lin(edge_attr))
    m = jax.nn.relu(x[src] + edge_attr @ We + be)
    # sum aggregation at destination nodes
    aggr = jax.ops.segment_sum(m, dst, num_segments=N)
    # update MLP (mlp_layers=1 -> single Linear), eps=0 (train_eps=False)
    out = ((1.0 + 0.0) * x + aggr) @ W + b
    # BatchNorm1d in eval mode: running_mean=0, running_var=1
    out = (out / jnp.sqrt(1.0 + BN_EPS)) * g + bt
    # ReLU; Dropout is identity in eval
    return jax.nn.relu(out)


def reference(x, edge_index, edge_attr,
              We0, be0, W0, b0, g0, bt0,
              We1, be1, W1, b1, g1, bt1,
              We2, be2, W2, b2, g2, bt2):
    src = edge_index[0]
    dst = edge_index[1]
    h = _layer(x, src, dst, edge_attr, We0, be0, W0, b0, g0, bt0)
    h = _layer(h, src, dst, edge_attr, We1, be1, W1, b1, g1, bt1)
    h = _layer(h, src, dst, edge_attr, We2, be2, W2, b2, g2, bt2)
    return h

if __name__ == "__main__":
    import jax
    _d = setup_inputs()
    print(jax.jit(kernel)(*tuple(_d.values())))

</pallas_src>

<mosaic_0001>
#map = affine_map<(d0, d1) -> (0, 0)>
#map1 = affine_map<(d0, d1) -> (0, 0, 0)>
module attributes {stable_mosaic.version = 14 : i64} {
  func.func @agg_kernel(%arg0: i32, %arg1: i32, %arg2: memref<10000x128xf32, #tpu.memory_space<hbm>>, %arg3: memref<2x320000xi32, #tpu.memory_space<hbm>>, %arg4: memref<320000x128xf32, #tpu.memory_space<hbm>>, %arg5: memref<2x10000x128xf32, #tpu.memory_space<hbm>>, %arg6: memref<10000x128xf32, #tpu.memory_space<vmem_shared>>, %arg7: memref<2x80xi32, #tpu.memory_space<vmem>>, %arg8: memref<2x80xi32, #tpu.memory_space<vmem>>, %arg9: memref<80x128xf32, #tpu.memory_space<vmem>>, %arg10: memref<80x128xf32, #tpu.memory_space<vmem>>, %arg11: memref<80x128xf32, #tpu.memory_space<vmem>>, %arg12: memref<80x128xf32, #tpu.memory_space<vmem>>, %arg13: memref<!tpu.dma_semaphore, #tpu.memory_space<semaphore_mem>>, %arg14: memref<!tpu.dma_semaphore, #tpu.memory_space<semaphore_mem>>, %arg15: memref<!tpu.dma_semaphore, #tpu.memory_space<semaphore_mem>>, %arg16: memref<!tpu.dma_semaphore, #tpu.memory_space<semaphore_mem>>, %arg17: memref<!tpu.dma_semaphore, #tpu.memory_space<semaphore_mem>>, %arg18: memref<!tpu.dma_semaphore, #tpu.memory_space<semaphore_mem>>, %arg19: memref<!tpu.dma_semaphore, #tpu.memory_space<semaphore_mem>>, %arg20: memref<!tpu.dma_semaphore, #tpu.memory_space<semaphore_mem>>) attributes {dimension_semantics = [#tpu.dimension_semantics<core_parallel>, #tpu.dimension_semantics<subcore_parallel>], iteration_bounds = array<i64: 2, 16>, scalar_prefetch = 0 : i64, scratch_operands = 15 : i64, tpu.core_type = #tpu.core_type<sc_vector_subcore>, window_params = [{transform_indices = #map}, {transform_indices = #map}, {transform_indices = #map}, {transform_indices = #map1}]} {
    %mul3A = arith.constant 2000 : i32
    %mul3A_0 = arith.muli %arg0, %mul3A : i32
    %mul3A_1 = arith.constant 125 : i32
    %mul3A_2 = arith.muli %arg1, %mul3A_1 : i32
    %add3A = arith.addi %mul3A_0, %mul3A_2 : i32
    %scan3A = arith.constant 0 : i32
    %scan3A_3 = arith.constant 0 : i32
    %scan3A_4 = arith.constant 80 : i32
    %scan3A_5 = arith.addi %scan3A_3, %scan3A_4 : i32
    %scan3A_6 = arith.constant 1 : i32
    scf.for %scan3A_103 = %scan3A_3 to %scan3A_5 step %scan3A_6  : i32 {
      %broadcast_in_dim3A = arith.constant 0.000000e+00 : f32
      %broadcast_in_dim3A_104 = vector.broadcast %broadcast_in_dim3A : f32 to vector<16xf32>
      %swap3A = arith.index_cast %scan3A_103 : i32 to index
      %swap3A_105 = arith.constant 0 : index
      %swap3A_106 = tpu.vector_load %arg11[%swap3A, %swap3A_105] {strides = array<i32>} : memref<80x128xf32, #tpu.memory_space<vmem>>, vector<1x16xf32>,
      %swap3A_107 = vector.shape_cast %swap3A_106 : vector<1x16xf32> to vector<16xf32>
      %swap3A_108 = vector.shape_cast %broadcast_in_dim3A_104 : vector<16xf32> to vector<1x16xf32>
      tpu.vector_store %arg11[%swap3A, %swap3A_105], %swap3A_108 {strides = array<i32>} : memref<80x128xf32, #tpu.memory_space<vmem>>, vector<1x16xf32>,
      %broadcast_in_dim3A_109 = arith.constant 0.000000e+00 : f32
      %broadcast_in_dim3A_110 = vector.broadcast %broadcast_in_dim3A_109 : f32 to vector<16xf32>
      %swap3A_111 = arith.index_cast %scan3A_103 : i32 to index
      %swap3A_112 = arith.constant 16 : index
      %swap3A_113 = tpu.vector_load %arg11[%swap3A_111, %swap3A_112] {strides = array<i32>} : memref<80x128xf32, #tpu.memory_space<vmem>>, vector<1x16xf32>,
      %swap3A_114 = vector.shape_cast %swap3A_113 : vector<1x16xf32> to vector<16xf32>
      %swap3A_115 = vector.shape_cast %broadcast_in_dim3A_110 : vector<16xf32> to vector<1x16xf32>
      tpu.vector_store %arg11[%swap3A_111, %swap3A_112], %swap3A_115 {strides = array<i32>} : memref<80x128xf32, #tpu.memory_space<vmem>>, vector<1x16xf32>,
      %broadcast_in_dim3A_116 = arith.constant 0.000000e+00 : f32
      %broadcast_in_dim3A_117 = vector.broadcast %broadcast_in_dim3A_116 : f32 to vector<16xf32>
      %swap3A_118 = arith.index_cast %scan3A_103 : i32 to index
      %swap3A_119 = arith.constant 32 : index
      %swap3A_120 = tpu.vector_load %arg11[%swap3A_118, %swap3A_119] {strides = array<i32>} : memref<80x128xf32, #tpu.memory_space<vmem>>, vector<1x16xf32>,
      %swap3A_121 = vector.shape_cast %swap3A_120 : vector<1x16xf32> to vector<16xf32>
      %swap3A_122 = vector.shape_cast %broadcast_in_dim3A_117 : vector<16xf32> to vector<1x16xf32>
      tpu.vector_store %arg11[%swap3A_118, %swap3A_119], %swap3A_122 {strides = array<i32>} : memref<80x128xf32, #tpu.memory_space<vmem>>, vector<1x16xf32>,
      %broadcast_in_dim3A_123 = arith.constant 0.000000e+00 : f32
      %broadcast_in_dim3A_124 = vector.broadcast %broadcast_in_dim3A_123 : f32 to vector<16xf32>
      %swap3A_125 = arith.index_cast %scan3A_103 : i32 to index
      %swap3A_126 = arith.constant 48 : index
      %swap3A_127 = tpu.vector_load %arg11[%swap3A_125, %swap3A_126] {strides = array<i32>} : memref<80x128xf32, #tpu.memory_space<vmem>>, vector<1x16xf32>,
      %swap3A_128 = vector.shape_cast %swap3A_127 : vector<1x16xf32> to vector<16xf32>
      %swap3A_129 = vector.shape_cast %broadcast_in_dim3A_124 : vector<16xf32> to vector<1x16xf32>
      tpu.vector_store %arg11[%swap3A_125, %swap3A_126], %swap3A_129 {strides = array<i32>} : memref<80x128xf32, #tpu.memory_space<vmem>>, vector<1x16xf32>,
      %broadcast_in_dim3A_130 = arith.constant 0.000000e+00 : f32
      %broadcast_in_dim3A_131 = vector.broadcast %broadcast_in_dim3A_130 : f32 to vector<16xf32>
      %swap3A_132 = arith.index_cast %scan3A_103 : i32 to index
      %swap3A_133 = arith.constant 64 : index
      %swap3A_134 = tpu.vector_load %arg11[%swap3A_132, %swap3A_133] {strides = array<i32>} : memref<80x128xf32, #tpu.memory_space<vmem>>, vector<1x16xf32>,
      %swap3A_135 = vector.shape_cast %swap3A_134 : vector<1x16xf32> to vector<16xf32>
      %swap3A_136 = vector.shape_cast %broadcast_in_dim3A_131 : vector<16xf32> to vector<1x16xf32>
      tpu.vector_store %arg11[%swap3A_132, %swap3A_133], %swap3A_136 {strides = array<i32>} : memref<80x128xf32, #tpu.memory_space<vmem>>, vector<1x16xf32>,
      %broadcast_in_dim3A_137 = arith.constant 0.000000e+00 : f32
      %broadcast_in_dim3A_138 = vector.broadcast %broadcast_in_dim3A_137 : f32 to vector<16xf32>
      %swap3A_139 = arith.index_cast %scan3A_103 : i32 to index
      %swap3A_140 = arith.constant 80 : index
      %swap3A_141 = tpu.vector_load %arg11[%swap3A_139, %swap3A_140] {strides = array<i32>} : memref<80x128xf32, #tpu.memory_space<vmem>>, vector<1x16xf32>,
      %swap3A_142 = vector.shape_cast %swap3A_141 : vector<1x16xf32> to vector<16xf32>
      %swap3A_143 = vector.shape_cast %broadcast_in_dim3A_138 : vector<16xf32> to vector<1x16xf32>
      tpu.vector_store %arg11[%swap3A_139, %swap3A_140], %swap3A_143 {strides = array<i32>} : memref<80x128xf32, #tpu.memory_space<vmem>>, vector<1x16xf32>,
      %broadcast_in_dim3A_144 = arith.constant 0.000000e+00 : f32
      %broadcast_in_dim3A_145 = vector.broadcast %broadcast_in_dim3A_144 : f32 to vector<16xf32>
      %swap3A_146 = arith.index_cast %scan3A_103 : i32 to index
      %swap3A_147 = arith.constant 96 : index
      %swap3A_148 = tpu.vector_load %arg11[%swap3A_146, %swap3A_147] {strides = array<i32>} : memref<80x128xf32, #tpu.memory_space<vmem>>, vector<1x16xf32>,
      %swap3A_149 = vector.shape_cast %swap3A_148 : vector<1x16xf32> to vector<16xf32>
      %swap3A_150 = vector.shape_cast %broadcast_in_dim3A_145 : vector<16xf32> to vector<1x16xf32>
      tpu.vector_store %arg11[%swap3A_146, %swap3A_147], %swap3A_150 {strides = array<i32>} : memref<80x128xf32, #tpu.memory_space<vmem>>, vector<1x16xf32>,
      %broadcast_in_dim3A_151 = arith.constant 0.000000e+00 : f32
      %broadcast_in_dim3A_152 = vector.broadcast %broadcast_in_dim3A_151 : f32 to vector<16xf32>
      %swap3A_153 = arith.index_cast %scan3A_103 : i32 to index
      %swap3A_154 = arith.constant 112 : index
      %swap3A_155 = tpu.vector_load %arg11[%swap3A_153, %swap3A_154] {strides = array<i32>} : memref<80x128xf32, #tpu.memory_space<vmem>>, vector<1x16xf32>,
      %swap3A_156 = vector.shape_cast %swap3A_155 : vector<1x16xf32> to vector<16xf32>
      %swap3A_157 = vector.shape_cast %broadcast_in_dim3A_152 : vector<16xf32> to vector<1x16xf32>
      tpu.vector_store %arg11[%swap3A_153, %swap3A_154], %swap3A_157 {strides = array<i32>} : memref<80x128xf32, #tpu.memory_space<vmem>>, vector<1x16xf32>,
    }
    %scan3A_7 = arith.constant 80 : i32
    %mul3A_8 = arith.constant 625 : i32
    %mul3A_9 = arith.muli %arg1, %mul3A_8 : i32
    %add3A_10 = arith.constant 0 : i32
    %add3A_11 = arith.addi %mul3A_9, %add3A_10 : i32
    "tpu.region"() ({
      %run_scoped3A = tpu.sem_alloc : memref<!tpu.dma_semaphore, #tpu.memory_space<semaphore_mem>>
      %dma_start3A_103 = arith.constant 0 : i32
      %dma_start3A_104 = tpu.memref_slice %arg6[%add3A_11, %dma_start3A_103] : memref<10000x128xf32, #tpu.memory_space<vmem_shared>> -> memref<80x128xf32, #tpu.memory_space<vmem_shared>>
      %dma_start3A_105 = arith.constant 0 : i32
      %dma_start3A_106 = tpu.memref_slice %arg6[%add3A_11, %dma_start3A_105] : memref<10000x128xf32, #tpu.memory_space<vmem_shared>> -> memref<80x128xf32, #tpu.memory_space<vmem_shared>>
      tpu.enqueue_dma source(%arg11 : memref<80x128xf32, #tpu.memory_space<vmem>>) target(%dma_start3A_106 : memref<80x128xf32, #tpu.memory_space<vmem_shared>>) target_semaphore(%run_scoped3A : memref<!tpu.dma_semaphore, #tpu.memory_space<semaphore_mem>>)
      %dma_wait3A_107 = arith.constant 0 : i32
      %dma_wait3A_108 = tpu.memref_slice %arg6[%add3A_11, %dma_wait3A_107] : memref<10000x128xf32, #tpu.memory_space<vmem_shared>> -> memref<80x128xf32, #tpu.memory_space<vmem_shared>>
      %dma_wait3A_109 = arith.constant 0 : i32
      %dma_wait3A_110 = tpu.memref_slice %arg6[%add3A_11, %dma_wait3A_109] : memref<10000x128xf32, #tpu.memory_space<vmem_shared>> -> memref<80x128xf32, #tpu.memory_space<vmem_shared>>
      tpu.wait_dma2 semaphore(%run_scoped3A : memref<!tpu.dma_semaphore, #tpu.memory_space<semaphore_mem>>) src(%arg11 : memref<80x128xf32, #tpu.memory_space<vmem>>) dst(%dma_wait3A_110 : memref<80x128xf32, #tpu.memory_space<vmem_shared>>)
      tpu.yield
    }) : () -> ()
    %add3A_12 = arith.constant 80 : i32
    %add3A_13 = arith.addi %mul3A_9, %add3A_12 : i32
    "tpu.region"() ({
      %run_scoped3A = tpu.sem_alloc : memref<!tpu.dma_semaphore, #tpu.memory_space<semaphore_mem>>
      %dma_start3A_103 = arith.constant 0 : i32
      %dma_start3A_104 = tpu.memref_slice %arg6[%add3A_13, %dma_start3A_103] : memref<10000x128xf32, #tpu.memory_space<vmem_shared>> -> memref<80x128xf32, #tpu.memory_space<vmem_shared>>
      %dma_start3A_105 = arith.constant 0 : i32
      %dma_start3A_106 = tpu.memref_slice %arg6[%add3A_13, %dma_start3A_105] : memref<10000x128xf32, #tpu.memory_space<vmem_shared>> -> memref<80x128xf32, #tpu.memory_space<vmem_shared>>
      tpu.enqueue_dma source(%arg11 : memref<80x128xf32, #tpu.memory_space<vmem>>) target(%dma_start3A_106 : memref<80x128xf32, #tpu.memory_space<vmem_shared>>) target_semaphore(%run_scoped3A : memref<!tpu.dma_semaphore, #tpu.memory_space<semaphore_mem>>)
      %dma_wait3A_107 = arith.constant 0 : i32
      %dma_wait3A_108 = tpu.memref_slice %arg6[%add3A_13, %dma_wait3A_107] : memref<10000x128xf32, #tpu.memory_space<vmem_shared>> -> memref<80x128xf32, #tpu.memory_space<vmem_shared>>
      %dma_wait3A_109 = arith.constant 0 : i32
      %dma_wait3A_110 = tpu.memref_slice %arg6[%add3A_13, %dma_wait3A_109] : memref<10000x128xf32, #tpu.memory_space<vmem_shared>> -> memref<80x128xf32, #tpu.memory_space<vmem_shared>>
      tpu.wait_dma2 semaphore(%run_scoped3A : memref<!tpu.dma_semaphore, #tpu.memory_space<semaphore_mem>>) src(%arg11 : memref<80x128xf32, #tpu.memory_space<vmem>>) dst(%dma_wait3A_110 : memref<80x128xf32, #tpu.memory_space<vmem_shared>>)
      tpu.yield
    }) : () -> ()
    %add3A_14 = arith.constant 160 : i32
    %add3A_15 = arith.addi %mul3A_9, %add3A_14 : i32
    "tpu.region"() ({
      %run_scoped3A = tpu.sem_alloc : memref<!tpu.dma_semaphore, #tpu.memory_space<semaphore_mem>>
      %dma_start3A_103 = arith.constant 0 : i32
      %dma_start3A_104 = tpu.memref_slice %arg6[%add3A_15, %dma_start3A_103] : memref<10000x128xf32, #tpu.memory_space<vmem_shared>> -> memref<80x128xf32, #tpu.memory_space<vmem_shared>>
      %dma_start3A_105 = arith.constant 0 : i32
      %dma_start3A_106 = tpu.memref_slice %arg6[%add3A_15, %dma_start3A_105] : memref<10000x128xf32, #tpu.memory_space<vmem_shared>> -> memref<80x128xf32, #tpu.memory_space<vmem_shared>>
      tpu.enqueue_dma source(%arg11 : memref<80x128xf32, #tpu.memory_space<vmem>>) target(%dma_start3A_106 : memref<80x128xf32, #tpu.memory_space<vmem_shared>>) target_semaphore(%run_scoped3A : memref<!tpu.dma_semaphore, #tpu.memory_space<semaphore_mem>>)
      %dma_wait3A_107 = arith.constant 0 : i32
      %dma_wait3A_108 = tpu.memref_slice %arg6[%add3A_15, %dma_wait3A_107] : memref<10000x128xf32, #tpu.memory_space<vmem_shared>> -> memref<80x128xf32, #tpu.memory_space<vmem_shared>>
      %dma_wait3A_109 = arith.constant 0 : i32
      %dma_wait3A_110 = tpu.memref_slice %arg6[%add3A_15, %dma_wait3A_109] : memref<10000x128xf32, #tpu.memory_space<vmem_shared>> -> memref<80x128xf32, #tpu.memory_space<vmem_shared>>
      tpu.wait_dma2 semaphore(%run_scoped3A : memref<!tpu.dma_semaphore, #tpu.memory_space<semaphore_mem>>) src(%arg11 : memref<80x128xf32, #tpu.memory_space<vmem>>) dst(%dma_wait3A_110 : memref<80x128xf32, #tpu.memory_space<vmem_shared>>)
      tpu.yield
    }) : () -> ()
    %add3A_16 = arith.constant 240 : i32
    %add3A_17 = arith.addi %mul3A_9, %add3A_16 : i32
    "tpu.region"() ({
      %run_scoped3A = tpu.sem_alloc : memref<!tpu.dma_semaphore, #tpu.memory_space<semaphore_mem>>
      %dma_start3A_103 = arith.constant 0 : i32
      %dma_start3A_104 = tpu.memref_slice %arg6[%add3A_17, %dma_start3A_103] : memref<10000x128xf32, #tpu.memory_space<vmem_shared>> -> memref<80x128xf32, #tpu.memory_space<vmem_shared>>
      %dma_start3A_105 = arith.constant 0 : i32
      %dma_start3A_106 = tpu.memref_slice %arg6[%add3A_17, %dma_start3A_105] : memref<10000x128xf32, #tpu.memory_space<vmem_shared>> -> memref<80x128xf32, #tpu.memory_space<vmem_shared>>
      tpu.enqueue_dma source(%arg11 : memref<80x128xf32, #tpu.memory_space<vmem>>) target(%dma_start3A_106 : memref<80x128xf32, #tpu.memory_space<vmem_shared>>) target_semaphore(%run_scoped3A : memref<!tpu.dma_semaphore, #tpu.memory_space<semaphore_mem>>)
      %dma_wait3A_107 = arith.constant 0 : i32
      %dma_wait3A_108 = tpu.memref_slice %arg6[%add3A_17, %dma_wait3A_107] : memref<10000x128xf32, #tpu.memory_space<vmem_shared>> -> memref<80x128xf32, #tpu.memory_space<vmem_shared>>
      %dma_wait3A_109 = arith.constant 0 : i32
      %dma_wait3A_110 = tpu.memref_slice %arg6[%add3A_17, %dma_wait3A_109] : memref<10000x128xf32, #tpu.memory_space<vmem_shared>> -> memref<80x128xf32, #tpu.memory_space<vmem_shared>>
      tpu.wait_dma2 semaphore(%run_scoped3A : memref<!tpu.dma_semaphore, #tpu.memory_space<semaphore_mem>>) src(%arg11 : memref<80x128xf32, #tpu.memory_space<vmem>>) dst(%dma_wait3A_110 : memref<80x128xf32, #tpu.memory_space<vmem_shared>>)
      tpu.yield
    }) : () -> ()
    %add3A_18 = arith.constant 320 : i32
    %add3A_19 = arith.addi %mul3A_9, %add3A_18 : i32
    "tpu.region"() ({
      %run_scoped3A = tpu.sem_alloc : memref<!tpu.dma_semaphore, #tpu.memory_space<semaphore_mem>>
      %dma_start3A_103 = arith.constant 0 : i32
      %dma_start3A_104 = tpu.memref_slice %arg6[%add3A_19, %dma_start3A_103] : memref<10000x128xf32, #tpu.memory_space<vmem_shared>> -> memref<80x128xf32, #tpu.memory_space<vmem_shared>>
      %dma_start3A_105 = arith.constant 0 : i32
      %dma_start3A_106 = tpu.memref_slice %arg6[%add3A_19, %dma_start3A_105] : memref<10000x128xf32, #tpu.memory_space<vmem_shared>> -> memref<80x128xf32, #tpu.memory_space<vmem_shared>>
      tpu.enqueue_dma source(%arg11 : memref<80x128xf32, #tpu.memory_space<vmem>>) target(%dma_start3A_106 : memref<80x128xf32, #tpu.memory_space<vmem_shared>>) target_semaphore(%run_scoped3A : memref<!tpu.dma_semaphore, #tpu.memory_space<semaphore_mem>>)
      %dma_wait3A_107 = arith.constant 0 : i32
      %dma_wait3A_108 = tpu.memref_slice %arg6[%add3A_19, %dma_wait3A_107] : memref<10000x128xf32, #tpu.memory_space<vmem_shared>> -> memref<80x128xf32, #tpu.memory_space<vmem_shared>>
      %dma_wait3A_109 = arith.constant 0 : i32
      %dma_wait3A_110 = tpu.memref_slice %arg6[%add3A_19, %dma_wait3A_109] : memref<10000x128xf32, #tpu.memory_space<vmem_shared>> -> memref<80x128xf32, #tpu.memory_space<vmem_shared>>
      tpu.wait_dma2 semaphore(%run_scoped3A : memref<!tpu.dma_semaphore, #tpu.memory_space<semaphore_mem>>) src(%arg11 : memref<80x128xf32, #tpu.memory_space<vmem>>) dst(%dma_wait3A_110 : memref<80x128xf32, #tpu.memory_space<vmem_shared>>)
      tpu.yield
    }) : () -> ()
    %add3A_20 = arith.constant 400 : i32
    %add3A_21 = arith.addi %mul3A_9, %add3A_20 : i32
    "tpu.region"() ({
      %run_scoped3A = tpu.sem_alloc : memref<!tpu.dma_semaphore, #tpu.memory_space<semaphore_mem>>
      %dma_start3A_103 = arith.constant 0 : i32
      %dma_start3A_104 = tpu.memref_slice %arg6[%add3A_21, %dma_start3A_103] : memref<10000x128xf32, #tpu.memory_space<vmem_shared>> -> memref<80x128xf32, #tpu.memory_space<vmem_shared>>
      %dma_start3A_105 = arith.constant 0 : i32
      %dma_start3A_106 = tpu.memref_slice %arg6[%add3A_21, %dma_start3A_105] : memref<10000x128xf32, #tpu.memory_space<vmem_shared>> -> memref<80x128xf32, #tpu.memory_space<vmem_shared>>
      tpu.enqueue_dma source(%arg11 : memref<80x128xf32, #tpu.memory_space<vmem>>) target(%dma_start3A_106 : memref<80x128xf32, #tpu.memory_space<vmem_shared>>) target_semaphore(%run_scoped3A : memref<!tpu.dma_semaphore, #tpu.memory_space<semaphore_mem>>)
      %dma_wait3A_107 = arith.constant 0 : i32
      %dma_wait3A_108 = tpu.memref_slice %arg6[%add3A_21, %dma_wait3A_107] : memref<10000x128xf32, #tpu.memory_space<vmem_shared>> -> memref<80x128xf32, #tpu.memory_space<vmem_shared>>
      %dma_wait3A_109 = arith.constant 0 : i32
      %dma_wait3A_110 = tpu.memref_slice %arg6[%add3A_21, %dma_wait3A_109] : memref<10000x128xf32, #tpu.memory_space<vmem_shared>> -> memref<80x128xf32, #tpu.memory_space<vmem_shared>>
      tpu.wait_dma2 semaphore(%run_scoped3A : memref<!tpu.dma_semaphore, #tpu.memory_space<semaphore_mem>>) src(%arg11 : memref<80x128xf32, #tpu.memory_space<vmem>>) dst(%dma_wait3A_110 : memref<80x128xf32, #tpu.memory_space<vmem_shared>>)
      tpu.yield
    }) : () -> ()
    %add3A_22 = arith.constant 480 : i32
    %add3A_23 = arith.addi %mul3A_9, %add3A_22 : i32
    "tpu.region"() ({
      %run_scoped3A = tpu.sem_alloc : memref<!tpu.dma_semaphore, #tpu.memory_space<semaphore_mem>>
      %dma_start3A_103 = arith.constant 0 : i32
      %dma_start3A_104 = tpu.memref_slice %arg6[%add3A_23, %dma_start3A_103] : memref<10000x128xf32, #tpu.memory_space<vmem_shared>> -> memref<80x128xf32, #tpu.memory_space<vmem_shared>>
      %dma_start3A_105 = arith.constant 0 : i32
      %dma_start3A_106 = tpu.memref_slice %arg6[%add3A_23, %dma_start3A_105] : memref<10000x128xf32, #tpu.memory_space<vmem_shared>> -> memref<80x128xf32, #tpu.memory_space<vmem_shared>>
      tpu.enqueue_dma source(%arg11 : memref<80x128xf32, #tpu.memory_space<vmem>>) target(%dma_start3A_106 : memref<80x128xf32, #tpu.memory_space<vmem_shared>>) target_semaphore(%run_scoped3A : memref<!tpu.dma_semaphore, #tpu.memory_space<semaphore_mem>>)
      %dma_wait3A_107 = arith.constant 0 : i32
      %dma_wait3A_108 = tpu.memref_slice %arg6[%add3A_23, %dma_wait3A_107] : memref<10000x128xf32, #tpu.memory_space<vmem_shared>> -> memref<80x128xf32, #tpu.memory_space<vmem_shared>>
      %dma_wait3A_109 = arith.constant 0 : i32
      %dma_wait3A_110 = tpu.memref_slice %arg6[%add3A_23, %dma_wait3A_109] : memref<10000x128xf32, #tpu.memory_space<vmem_shared>> -> memref<80x128xf32, #tpu.memory_space<vmem_shared>>
      tpu.wait_dma2 semaphore(%run_scoped3A : memref<!tpu.dma_semaphore, #tpu.memory_space<semaphore_mem>>) src(%arg11 : memref<80x128xf32, #tpu.memory_space<vmem>>) dst(%dma_wait3A_110 : memref<80x128xf32, #tpu.memory_space<vmem_shared>>)
      tpu.yield
    }) : () -> ()
    %add3A_24 = arith.constant 560 : i32
    %add3A_25 = arith.addi %mul3A_9, %add3A_24 : i32
    "tpu.region"() ({
      %run_scoped3A = tpu.sem_alloc : memref<!tpu.dma_semaphore, #tpu.memory_space<semaphore_mem>>
      %dma_start3A_103 = arith.constant 0 : i32
      %dma_start3A_104 = arith.constant 0 : i32
      %dma_start3A_105 = tpu.memref_slice %arg11[%dma_start3A_103, %dma_start3A_104] : memref<80x128xf32, #tpu.memory_space<vmem>> -> memref<65x128xf32, #tpu.memory_space<vmem>>
      %dma_start3A_106 = arith.constant 0 : i32
      %dma_start3A_107 = tpu.memref_slice %arg6[%add3A_25, %dma_start3A_106] : memref<10000x128xf32, #tpu.memory_space<vmem_shared>> -> memref<65x128xf32, #tpu.memory_space<vmem_shared>>
      %dma_start3A_108 = arith.constant 0 : i32
      %dma_start3A_109 = tpu.memref_slice %arg6[%add3A_25, %dma_start3A_108] : memref<10000x128xf32, #tpu.memory_space<vmem_shared>> -> memref<65x128xf32, #tpu.memory_space<vmem_shared>>
      %dma_start3A_110 = arith.constant 0 : i32
      %dma_start3A_111 = arith.constant 0 : i32
      %dma_start3A_112 = tpu.memref_slice %arg11[%dma_start3A_110, %dma_start3A_111] : memref<80x128xf32, #tpu.memory_space<vmem>> -> memref<65x128xf32, #tpu.memory_space<vmem>>
      tpu.enqueue_dma source(%dma_start3A_112 : memref<65x128xf32, #tpu.memory_space<vmem>>) target(%dma_start3A_109 : memref<65x128xf32, #tpu.memory_space<vmem_shared>>) target_semaphore(%run_scoped3A : memref<!tpu.dma_semaphore, #tpu.memory_space<semaphore_mem>>)
      %dma_wait3A_113 = arith.constant 0 : i32
      %dma_wait3A_114 = arith.constant 0 : i32
      %dma_wait3A_115 = tpu.memref_slice %arg11[%dma_wait3A_113, %dma_wait3A_114] : memref<80x128xf32, #tpu.memory_space<vmem>> -> memref<65x128xf32, #tpu.memory_space<vmem>>
      %dma_wait3A_116 = arith.constant 0 : i32
      %dma_wait3A_117 = tpu.memref_slice %arg6[%add3A_25, %dma_wait3A_116] : memref<10000x128xf32, #tpu.memory_space<vmem_shared>> -> memref<65x128xf32, #tpu.memory_space<vmem_shared>>
      %dma_wait3A_118 = arith.constant 0 : i32
      %dma_wait3A_119 = tpu.memref_slice %arg6[%add3A_25, %dma_wait3A_118] : memref<10000x128xf32, #tpu.memory_space<vmem_shared>> -> memref<65x128xf32, #tpu.memory_space<vmem_shared>>
      %dma_wait3A_120 = arith.constant 0 : i32
      %dma_wait3A_121 = arith.constant 0 : i32
      %dma_wait3A_122 = tpu.memref_slice %arg11[%dma_wait3A_120, %dma_wait3A_121] : memref<80x128xf32, #tpu.memory_space<vmem>> -> memref<65x128xf32, #tpu.memory_space<vmem>>
      tpu.wait_dma2 semaphore(%run_scoped3A : memref<!tpu.dma_semaphore, #tpu.memory_space<semaphore_mem>>) src(%dma_wait3A_122 : memref<65x128xf32, #tpu.memory_space<vmem>>) dst(%dma_wait3A_119 : memref<65x128xf32, #tpu.memory_space<vmem_shared>>)
      tpu.yield
    }) : () -> ()
    %barrier3A = arith.constant 0 : index
    tpu.barrier barrier_id(%barrier3A)
    %add3A_26 = arith.constant 0 : i32
    %add3A_27 = arith.addi %add3A, %add3A_26 : i32
    %mul3A_28 = arith.constant 80 : i32
    %mul3A_29 = arith.muli %add3A_27, %mul3A_28 : i32
    %dma_start3A = arith.constant 0 : i32
    %dma_start3A_30 = tpu.memref_slice %arg3[%dma_start3A, %mul3A_29] : memref<2x320000xi32, #tpu.memory_space<hbm>> -> memref<2x80xi32, #tpu.memory_space<hbm>>
    %dma_start3A_31 = arith.constant 0 : i32
    %dma_start3A_32 = tpu.memref_slice %arg3[%dma_start3A_31, %mul3A_29] : memref<2x320000xi32, #tpu.memory_space<hbm>> -> memref<2x80xi32, #tpu.memory_space<hbm>>
    tpu.enqueue_dma source(%dma_start3A_32 : memref<2x80xi32, #tpu.memory_space<hbm>>) target(%arg7 : memref<2x80xi32, #tpu.memory_space<vmem>>) target_semaphore(%arg13 : memref<!tpu.dma_semaphore, #tpu.memory_space<semaphore_mem>>)
    %mul3A_33 = arith.constant 80 : i32
    %mul3A_34 = arith.muli %add3A_27, %mul3A_33 : i32
    %dma_start3A_35 = arith.constant 0 : i32
    %dma_start3A_36 = tpu.memref_slice %arg4[%mul3A_34, %dma_start3A_35] : memref<320000x128xf32, #tpu.memory_space<hbm>> -> memref<80x128xf32, #tpu.memory_space<hbm>>
    %dma_start3A_37 = arith.constant 0 : i32
    %dma_start3A_38 = tpu.memref_slice %arg4[%mul3A_34, %dma_start3A_37] : memref<320000x128xf32, #tpu.memory_space<hbm>> -> memref<80x128xf32, #tpu.memory_space<hbm>>
    tpu.enqueue_dma source(%dma_start3A_38 : memref<80x128xf32, #tpu.memory_space<hbm>>) target(%arg9 : memref<80x128xf32, #tpu.memory_space<vmem>>) target_semaphore(%arg15 : memref<!tpu.dma_semaphore, #tpu.memory_space<semaphore_mem>>)
    %add3A_39 = arith.constant 1 : i32
    %add3A_40 = arith.addi %add3A, %add3A_39 : i32
    %mul3A_41 = arith.constant 80 : i32
    %mul3A_42 = arith.muli %add3A_40, %mul3A_41 : i32
    %dma_start3A_43 = arith.constant 0 : i32
    %dma_start3A_44 = tpu.memref_slice %arg3[%dma_start3A_43, %mul3A_42] : memref<2x320000xi32, #tpu.memory_space<hbm>> -> memref<2x80xi32, #tpu.memory_space<hbm>>
    %dma_start3A_45 = arith.constant 0 : i32
    %dma_start3A_46 = tpu.memref_slice %arg3[%dma_start3A_45, %mul3A_42] : memref<2x320000xi32, #tpu.memory_space<hbm>> -> memref<2x80xi32, #tpu.memory_space<hbm>>
    tpu.enqueue_dma source(%dma_start3A_46 : memref<2x80xi32, #tpu.memory_space<hbm>>) target(%arg8 : memref<2x80xi32, #tpu.memory_space<vmem>>) target_semaphore(%arg14 : memref<!tpu.dma_semaphore, #tpu.memory_space<semaphore_mem>>)
    %mul3A_47 = arith.constant 80 : i32
    %mul3A_48 = arith.muli %add3A_40, %mul3A_47 : i32
    %dma_start3A_49 = arith.constant 0 : i32
    %dma_start3A_50 = tpu.memref_slice %arg4[%mul3A_48, %dma_start3A_49] : memref<320000x128xf32, #tpu.memory_space<hbm>> -> memref<80x128xf32, #tpu.memory_space<hbm>>
    %dma_start3A_51 = arith.constant 0 : i32
    %dma_start3A_52 = tpu.memref_slice %arg4[%mul3A_48, %dma_start3A_51] : memref<320000x128xf32, #tpu.memory_space<hbm>> -> memref<80x128xf32, #tpu.memory_space<hbm>>
    tpu.enqueue_dma source(%dma_start3A_52 : memref<80x128xf32, #tpu.memory_space<hbm>>) target(%arg10 : memref<80x128xf32, #tpu.memory_space<vmem>>) target_semaphore(%arg16 : memref<!tpu.dma_semaphore, #tpu.memory_space<semaphore_mem>>)
    %add3A_53 = arith.constant 0 : i32
    %add3A_54 = arith.addi %add3A, %add3A_53 : i32
    %mul3A_55 = arith.constant 80 : i32
    %mul3A_56 = arith.muli %add3A_54, %mul3A_55 : i32
    %dma_wait3A = arith.constant 0 : i32
    %dma_wait3A_57 = tpu.memref_slice %arg3[%dma_wait3A, %mul3A_56] : memref<2x320000xi32, #tpu.memory_space<hbm>> -> memref<2x80xi32, #tpu.memory_space<hbm>>
    %dma_wait3A_58 = arith.constant 0 : i32
    %dma_wait3A_59 = tpu.memref_slice %arg3[%dma_wait3A_58, %mul3A_56] : memref<2x320000xi32, #tpu.memory_space<hbm>> -> memref<2x80xi32, #tpu.memory_space<hbm>>
    tpu.wait_dma2 semaphore(%arg13 : memref<!tpu.dma_semaphore, #tpu.memory_space<semaphore_mem>>) src(%dma_wait3A_59 : memref<2x80xi32, #tpu.memory_space<hbm>>) dst(%arg7 : memref<2x80xi32, #tpu.memory_space<vmem>>)
    %dma_start3A_60 = arith.constant 0 : i32
    %dma_start3A_61 = arith.constant 0 : i32
    %dma_start3A_62 = tpu.memref_slice %arg7[%dma_start3A_60, %dma_start3A_61] : memref<2x80xi32, #tpu.memory_space<vmem>> -> memref<1x80xi32, #tpu.memory_space<vmem>>
    %dma_start3A_63 = tpu.memref_squeeze %dma_start3A_62 : memref<1x80xi32, #tpu.memory_space<vmem>> -> memref<80xi32, #tpu.memory_space<vmem>>
    %dma_start3A_64 = arith.constant 0 : i32
    %dma_start3A_65 = arith.constant 0 : i32
    %dma_start3A_66 = tpu.memref_slice %arg2[%dma_start3A_64, %dma_start3A_65] : memref<10000x128xf32, #tpu.memory_space<hbm>> -> memref<10000x128xf32, #tpu.memory_space<hbm>>
    tpu.enqueue_indirect_dma source(%dma_start3A_66 : memref<10000x128xf32, #tpu.memory_space<hbm>>) target(%arg11 : memref<80x128xf32, #tpu.memory_space<vmem>>) offsets(%dma_start3A_63 : memref<80xi32, #tpu.memory_space<vmem>>) semaphore(%arg17 : memref<!tpu.dma_semaphore, #tpu.memory_space<semaphore_mem>>)
    %scan3A_67 = arith.constant 0 : i32
    %scan3A_68 = arith.constant 0 : i32
    %scan3A_69 = arith.constant 62 : i32
    %scan3A_70 = arith.addi %scan3A_68, %scan3A_69 : i32
    %scan3A_71 = arith.constant 1 : i32
    scf.for %scan3A_103 = %scan3A_68 to %scan3A_70 step %scan3A_71  : i32 {
      %mul3A_104 = arith.constant 2 : i32
      %mul3A_105 = arith.muli %scan3A_103, %mul3A_104 : i32
      %add3A_106 = arith.constant 0 : i32
      %add3A_107 = arith.addi %mul3A_105, %add3A_106 : i32
      %add3A_108 = arith.constant 1 : i32
      %add3A_109 = arith.addi %add3A_107, %add3A_108 : i32
      %lt3A = arith.constant 125 : i32
      %lt3A_110 = arith.cmpi slt, %add3A_109, %lt3A : i32
      %convert_element_type3A = arith.extui %lt3A_110 : i1 to i32
      %cond3A = arith.constant 0 : i32
      %cond3A_111 = arith.cmpi ne, %convert_element_type3A, %cond3A : i32
      scf.if %cond3A_111 {
        %add3A_193 = arith.constant 1 : i32
        %add3A_194 = arith.addi %add3A_107, %add3A_193 : i32
        %add3A_195 = arith.addi %add3A, %add3A_194 : i32
        %mul3A_196 = arith.constant 80 : i32
        %mul3A_197 = arith.muli %add3A_195, %mul3A_196 : i32
        %dma_wait3A_198 = arith.constant 0 : i32
        %dma_wait3A_199 = tpu.memref_slice %arg3[%dma_wait3A_198, %mul3A_197] : memref<2x320000xi32, #tpu.memory_space<hbm>> -> memref<2x80xi32, #tpu.memory_space<hbm>>
        %dma_wait3A_200 = arith.constant 0 : i32
        %dma_wait3A_201 = tpu.memref_slice %arg3[%dma_wait3A_200, %mul3A_197] : memref<2x320000xi32, #tpu.memory_space<hbm>> -> memref<2x80xi32, #tpu.memory_space<hbm>>
        tpu.wait_dma2 semaphore(%arg14 : memref<!tpu.dma_semaphore, #tpu.memory_space<semaphore_mem>>) src(%dma_wait3A_201 : memref<2x80xi32, #tpu.memory_space<hbm>>) dst(%arg8 : memref<2x80xi32, #tpu.memory_space<vmem>>)
        %dma_start3A_202 = arith.constant 0 : i32
        %dma_start3A_203 = arith.constant 0 : i32
        %dma_start3A_204 = tpu.memref_slice %arg8[%dma_start3A_202, %dma_start3A_203] : memref<2x80xi32, #tpu.memory_space<vmem>> -> memref<1x80xi32, #tpu.memory_space<vmem>>
        %dma_start3A_205 = tpu.memref_squeeze %dma_start3A_204 : memref<1x80xi32, #tpu.memory_space<vmem>> -> memref<80xi32, #tpu.memory_space<vmem>>
        %dma_start3A_206 = arith.constant 0 : i32
        %dma_start3A_207 = arith.constant 0 : i32
        %dma_start3A_208 = tpu.memref_slice %arg2[%dma_start3A_206, %dma_start3A_207] : memref<10000x128xf32, #tpu.memory_space<hbm>> -> memref<10000x128xf32, #tpu.memory_space<hbm>>
        tpu.enqueue_indirect_dma source(%dma_start3A_208 : memref<10000x128xf32, #tpu.memory_space<hbm>>) target(%arg12 : memref<80x128xf32, #tpu.memory_space<vmem>>) offsets(%dma_start3A_205 : memref<80xi32, #tpu.memory_space<vmem>>) semaphore(%arg18 : memref<!tpu.dma_semaphore, #tpu.memory_space<semaphore_mem>>)
      } else {
      }
      %add3A_112 = arith.addi %add3A, %add3A_107 : i32
      %mul3A_113 = arith.constant 80 : i32
      %mul3A_114 = arith.muli %add3A_112, %mul3A_113 : i32
      %dma_wait3A_115 = arith.constant 0 : i32
      %dma_wait3A_116 = tpu.memref_slice %arg4[%mul3A_114, %dma_wait3A_115] : memref<320000x128xf32, #tpu.memory_space<hbm>> -> memref<80x128xf32, #tpu.memory_space<hbm>>
      %dma_wait3A_117 = arith.constant 0 : i32
      %dma_wait3A_118 = tpu.memref_slice %arg4[%mul3A_114, %dma_wait3A_117] : memref<320000x128xf32, #tpu.memory_space<hbm>> -> memref<80x128xf32, #tpu.memory_space<hbm>>
      tpu.wait_dma2 semaphore(%arg15 : memref<!tpu.dma_semaphore, #tpu.memory_space<semaphore_mem>>) src(%dma_wait3A_118 : memref<80x128xf32, #tpu.memory_space<hbm>>) dst(%arg9 : memref<80x128xf32, #tpu.memory_space<vmem>>)
      %dma_wait3A_119 = arith.constant 0 : i32
      %dma_wait3A_120 = arith.constant 0 : i32
      %dma_wait3A_121 = tpu.memref_slice %arg7[%dma_wait3A_119, %dma_wait3A_120] : memref<2x80xi32, #tpu.memory_space<vmem>> -> memref<1x80xi32, #tpu.memory_space<vmem>>
      %dma_wait3A_122 = tpu.memref_squeeze %dma_wait3A_121 : memref<1x80xi32, #tpu.memory_space<vmem>> -> memref<80xi32, #tpu.memory_space<vmem>>
      %dma_wait3A_123 = arith.constant 0 : i32
      %dma_wait3A_124 = arith.constant 0 : i32
      %dma_wait3A_125 = tpu.memref_slice %arg2[%dma_wait3A_123, %dma_wait3A_124] : memref<10000x128xf32, #tpu.memory_space<hbm>> -> memref<10000x128xf32, #tpu.memory_space<hbm>>
      tpu.wait_indirect_dma semaphore(%arg17 : memref<!tpu.dma_semaphore, #tpu.memory_space<semaphore_mem>>) src(%dma_wait3A_125 : memref<10000x128xf32, #tpu.memory_space<hbm>>) dst(%arg11 : memref<80x128xf32, #tpu.memory_space<vmem>>)
      %dma_start3A_126 = arith.constant 1 : i32
      %dma_start3A_127 = arith.constant 0 : i32
      %dma_start3A_128 = tpu.memref_slice %arg7[%dma_start3A_126, %dma_start3A_127] : memref<2x80xi32, #tpu.memory_space<vmem>> -> memref<1x80xi32, #tpu.memory_space<vmem>>
      %dma_start3A_129 = tpu.memref_squeeze %dma_start3A_128 : memref<1x80xi32, #tpu.memory_space<vmem>> -> memref<80xi32, #tpu.memory_space<vmem>>
      %dma_start3A_130 = arith.constant 0 : i32
      %dma_start3A_131 = arith.constant 0 : i32
      %dma_start3A_132 = tpu.memref_slice %arg6[%dma_start3A_130, %dma_start3A_131] : memref<10000x128xf32, #tpu.memory_space<vmem_shared>> -> memref<10000x128xf32, #tpu.memory_space<vmem_shared>>
      tpu.enqueue_indirect_dma source(%arg11 : memref<80x128xf32, #tpu.memory_space<vmem>>) target(%dma_start3A_132 : memref<10000x128xf32, #tpu.memory_space<vmem_shared>>) offsets(%dma_start3A_129 : memref<80xi32, #tpu.memory_space<vmem>>) semaphore(%arg19 : memref<!tpu.dma_semaphore, #tpu.memory_space<semaphore_mem>>) {add = true}
      %dma_wait3A_133 = arith.constant 1 : i32
      %dma_wait3A_134 = arith.constant 0 : i32
      %dma_wait3A_135 = tpu.memref_slice %arg7[%dma_wait3A_133, %dma_wait3A_134] : memref<2x80xi32, #tpu.memory_space<vmem>> -> memref<1x80xi32, #tpu.memory_space<vmem>>
      %dma_wait3A_136 = tpu.memref_squeeze %dma_wait3A_135 : memref<1x80xi32, #tpu.memory_space<vmem>> -> memref<80xi32, #tpu.memory_space<vmem>>
      %dma_wait3A_137 = arith.constant 0 : i32
      %dma_wait3A_138 = arith.constant 0 : i32
      %dma_wait3A_139 = tpu.memref_slice %arg6[%dma_wait3A_137, %dma_wait3A_138] : memref<10000x128xf32, #tpu.memory_space<vmem_shared>> -> memref<10000x128xf32, #tpu.memory_space<vmem_shared>>
      tpu.wait_indirect_dma semaphore(%arg19 : memref<!tpu.dma_semaphore, #tpu.memory_space<semaphore_mem>>) src(%arg11 : memref<80x128xf32, #tpu.memory_space<vmem>>) dst(%dma_wait3A_139 : memref<10000x128xf32, #tpu.memory_space<vmem_shared>>)
      %add3A_140 = arith.constant 2 : i32
      %add3A_141 = arith.addi %add3A_107, %add3A_140 : i32
      %lt3A_142 = arith.constant 125 : i32
      %lt3A_143 = arith.cmpi slt, %add3A_141, %lt3A_142 : i32
      %convert_element_type3A_144 = arith.extui %lt3A_143 : i1 to i32
      %cond3A_145 = arith.constant 0 : i32
      %cond3A_146 = arith.cmpi ne, %convert_element_type3A_144, %cond3A_145 : i32
      scf.if %cond3A_146 {
        %add3A_193 = arith.constant 2 : i32
        %add3A_194 = arith.addi %add3A_107, %add3A_193 : i32
        %add3A_195 = arith.addi %add3A, %add3A_194 : i32
        %mul3A_196 = arith.constant 80 : i32
        %mul3A_197 = arith.muli %add3A_195, %mul3A_196 : i32
        %dma_start3A_198 = arith.constant 0 : i32
        %dma_start3A_199 = tpu.memref_slice %arg3[%dma_start3A_198, %mul3A_197] : memref<2x320000xi32, #tpu.memory_space<hbm>> -> memref<2x80xi32, #tpu.memory_space<hbm>>
        %dma_start3A_200 = arith.constant 0 : i32
        %dma_start3A_201 = tpu.memref_slice %arg3[%dma_start3A_200, %mul3A_197] : memref<2x320000xi32, #tpu.memory_space<hbm>> -> memref<2x80xi32, #tpu.memory_space<hbm>>
        tpu.enqueue_dma source(%dma_start3A_201 : memref<2x80xi32, #tpu.memory_space<hbm>>) target(%arg7 : memref<2x80xi32, #tpu.memory_space<vmem>>) target_semaphore(%arg13 : memref<!tpu.dma_semaphore, #tpu.memory_space<semaphore_mem>>)
        %mul3A_202 = arith.constant 80 : i32
        %mul3A_203 = arith.muli %add3A_195, %mul3A_202 : i32
        %dma_start3A_204 = arith.constant 0 : i32
        %dma_start3A_205 = tpu.memref_slice %arg4[%mul3A_203, %dma_start3A_204] : memref<320000x128xf32, #tpu.memory_space<hbm>> -> memref<80x128xf32, #tpu.memory_space<hbm>>
        %dma_start3A_206 = arith.constant 0 : i32
        %dma_start3A_207 = tpu.memref_slice %arg4[%mul3A_203, %dma_start3A_206] : memref<320000x128xf32, #tpu.memory_space<hbm>> -> memref<80x128xf32, #tpu.memory_space<hbm>>
        tpu.enqueue_dma source(%dma_start3A_207 : memref<80x128xf32, #tpu.memory_space<hbm>>) target(%arg9 : memref<80x128xf32, #tpu.memory_space<vmem>>) target_semaphore(%arg15 : memref<!tpu.dma_semaphore, #tpu.memory_space<semaphore_mem>>)
      } else {
      }
      %mul3A_147 = arith.constant 2 : i32
      %mul3A_148 = arith.muli %scan3A_103, %mul3A_147 : i32
      %add3A_149 = arith.constant 1 : i32
      %add3A_150 = arith.addi %mul3A_148, %add3A_149 : i32
      %add3A_151 = arith.constant 1 : i32
      %add3A_152 = arith.addi %add3A_150, %add3A_151 : i32
      %lt3A_153 = arith.constant 125 : i32
      %lt3A_154 = arith.cmpi slt, %add3A_152, %lt3A_153 : i32
      %convert_element_type3A_155 = arith.extui %lt3A_154 : i1 to i32
      %cond3A_156 = arith.constant 0 : i32
      %cond3A_157 = arith.cmpi ne, %convert_element_type3A_155, %cond3A_156 : i32
      scf.if %cond3A_157 {
        %add3A_193 = arith.constant 1 : i32
        %add3A_194 = arith.addi %add3A_150, %add3A_193 : i32
        %add3A_195 = arith.addi %add3A, %add3A_194 : i32
        %mul3A_196 = arith.constant 80 : i32
        %mul3A_197 = arith.muli %add3A_195, %mul3A_196 : i32
        %dma_wait3A_198 = arith.constant 0 : i32
        %dma_wait3A_199 = tpu.memref_slice %arg3[%dma_wait3A_198, %mul3A_197] : memref<2x320000xi32, #tpu.memory_space<hbm>> -> memref<2x80xi32, #tpu.memory_space<hbm>>
        %dma_wait3A_200 = arith.constant 0 : i32
        %dma_wait3A_201 = tpu.memref_slice %arg3[%dma_wait3A_200, %mul3A_197] : memref<2x320000xi32, #tpu.memory_space<hbm>> -> memref<2x80xi32, #tpu.memory_space<hbm>>
        tpu.wait_dma2 semaphore(%arg13 : memref<!tpu.dma_semaphore, #tpu.memory_space<semaphore_mem>>) src(%dma_wait3A_201 : memref<2x80xi32, #tpu.memory_space<hbm>>) dst(%arg7 : memref<2x80xi32, #tpu.memory_space<vmem>>)
        %dma_start3A_202 = arith.constant 0 : i32
        %dma_start3A_203 = arith.constant 0 : i32
        %dma_start3A_204 = tpu.memref_slice %arg7[%dma_start3A_202, %dma_start3A_203] : memref<2x80xi32, #tpu.memory_space<vmem>> -> memref<1x80xi32, #tpu.memory_space<vmem>>
        %dma_start3A_205 = tpu.memref_squeeze %dma_start3A_204 : memref<1x80xi32, #tpu.memory_space<vmem>> -> memref<80xi32, #tpu.memory_space<vmem>>
        %dma_start3A_206 = arith.constant 0 : i32
        %dma_start3A_207 = arith.constant 0 : i32
        %dma_start3A_208 = tpu.memref_slice %arg2[%dma_start3A_206, %dma_start3A_207] : memref<10000x128xf32, #tpu.memory_space<hbm>> -> memref<10000x128xf32, #tpu.memory_space<hbm>>
        tpu.enqueue_indirect_dma source(%dma_start3A_208 : memref<10000x128xf32, #tpu.memory_space<hbm>>) target(%arg11 : memref<80x128xf32, #tpu.memory_space<vmem>>) offsets(%dma_start3A_205 : memref<80xi32, #tpu.memory_space<vmem>>) semaphore(%arg17 : memref<!tpu.dma_semaphore, #tpu.memory_space<semaphore_mem>>)
      } else {
      }
      %add3A_158 = arith.addi %add3A, %add3A_150 : i32
      %mul3A_159 = arith.constant 80 : i32
      %mul3A_160 = arith.muli %add3A_158, %mul3A_159 : i32
      %dma_wait3A_161 = arith.constant 0 : i32
      %dma_wait3A_162 = tpu.memref_slice %arg4[%mul3A_160, %dma_wait3A_161] : memref<320000x128xf32, #tpu.memory_space<hbm>> -> memref<80x128xf32, #tpu.memory_space<hbm>>
      %dma_wait3A_163 = arith.constant 0 : i32
      %dma_wait3A_164 = tpu.memref_slice %arg4[%mul3A_160, %dma_wait3A_163] : memref<320000x128xf32, #tpu.memory_space<hbm>> -> memref<80x128xf32, #tpu.memory_space<hbm>>
      tpu.wait_dma2 semaphore(%arg16 : memref<!tpu.dma_semaphore, #tpu.memory_space<semaphore_mem>>) src(%dma_wait3A_164 : memref<80x128xf32, #tpu.memory_space<hbm>>) dst(%arg10 : memref<80x128xf32, #tpu.memory_space<vmem>>)
      %dma_wait3A_165 = arith.constant 0 : i32
      %dma_wait3A_166 = arith.constant 0 : i32
      %dma_wait3A_167 = tpu.memref_slice %arg8[%dma_wait3A_165, %dma_wait3A_166] : memref<2x80xi32, #tpu.memory_space<vmem>> -> memref<1x80xi32, #tpu.memory_space<vmem>>
      %dma_wait3A_168 = tpu.memref_squeeze %dma_wait3A_167 : memref<1x80xi32, #tpu.memory_space<vmem>> -> memref<80xi32, #tpu.memory_space<vmem>>
      %dma_wait3A_169 = arith.constant 0 : i32
      %dma_wait3A_170 = arith.constant 0 : i32
      %dma_wait3A_171 = tpu.memref_slice %arg2[%dma_wait3A_169, %dma_wait3A_170] : memref<10000x128xf32, #tpu.memory_space<hbm>> -> memref<10000x128xf32, #tpu.memory_space<hbm>>
      tpu.wait_indirect_dma semaphore(%arg18 : memref<!tpu.dma_semaphore, #tpu.memory_space<semaphore_mem>>) src(%dma_wait3A_171 : memref<10000x128xf32, #tpu.memory_space<hbm>>) dst(%arg12 : memref<80x128xf32, #tpu.memory_space<vmem>>)
      %dma_start3A_172 = arith.constant 1 : i32
      %dma_start3A_173 = arith.constant 0 : i32
      %dma_start3A_174 = tpu.memref_slice %arg8[%dma_start3A_172, %dma_start3A_173] : memref<2x80xi32, #tpu.memory_space<vmem>> -> memref<1x80xi32, #tpu.memory_space<vmem>>
      %dma_start3A_175 = tpu.memref_squeeze %dma_start3A_174 : memref<1x80xi32, #tpu.memory_space<vmem>> -> memref<80xi32, #tpu.memory_space<vmem>>
      %dma_start3A_176 = arith.constant 0 : i32
      %dma_start3A_177 = arith.constant 0 : i32
      %dma_start3A_178 = tpu.memref_slice %arg6[%dma_start3A_176, %dma_start3A_177] : memref<10000x128xf32, #tpu.memory_space<vmem_shared>> -> memref<10000x128xf32, #tpu.memory_space<vmem_shared>>
      tpu.enqueue_indirect_dma source(%arg12 : memref<80x128xf32, #tpu.memory_space<vmem>>) target(%dma_start3A_178 : memref<10000x128xf32, #tpu.memory_space<vmem_shared>>) offsets(%dma_start3A_175 : memref<80xi32, #tpu.memory_space<vmem>>) semaphore(%arg20 : memref<!tpu.dma_semaphore, #tpu.memory_space<semaphore_mem>>) {add = true}
      %dma_wait3A_179 = arith.constant 1 : i32
      %dma_wait3A_180 = arith.constant 0 : i32
      %dma_wait3A_181 = tpu.memref_slice %arg8[%dma_wait3A_179, %dma_wait3A_180] : memref<2x80xi32, #tpu.memory_space<vmem>> -> memref<1x80xi32, #tpu.memory_space<vmem>>
      %dma_wait3A_182 = tpu.memref_squeeze %dma_wait3A_181 : memref<1x80xi32, #tpu.memory_space<vmem>> -> memref<80xi32, #tpu.memory_space<vmem>>
      %dma_wait3A_183 = arith.constant 0 : i32
      %dma_wait3A_184 = arith.constant 0 : i32
      %dma_wait3A_185 = tpu.memref_slice %arg6[%dma_wait3A_183, %dma_wait3A_184] : memref<10000x128xf32, #tpu.memory_space<vmem_shared>> -> memref<10000x128xf32, #tpu.memory_space<vmem_shared>>
      tpu.wait_indirect_dma semaphore(%arg20 : memref<!tpu.dma_semaphore, #tpu.memory_space<semaphore_mem>>) src(%arg12 : memref<80x128xf32, #tpu.memory_space<vmem>>) dst(%dma_wait3A_185 : memref<10000x128xf32, #tpu.memory_space<vmem_shared>>)
      %add3A_186 = arith.constant 2 : i32
      %add3A_187 = arith.addi %add3A_150, %add3A_186 : i32
      %lt3A_188 = arith.constant 125 : i32
      %lt3A_189 = arith.cmpi slt, %add3A_187, %lt3A_188 : i32
      %convert_element_type3A_190 = arith.extui %lt3A_189 : i1 to i32
      %cond3A_191 = arith.constant 0 : i32
      %cond3A_192 = arith.cmpi ne, %convert_element_type3A_190, %cond3A_191 : i32
      scf.if %cond3A_192 {
        %add3A_193 = arith.constant 2 : i32
        %add3A_194 = arith.addi %add3A_150, %add3A_193 : i32
        %add3A_195 = arith.addi %add3A, %add3A_194 : i32
        %mul3A_196 = arith.constant 80 : i32
        %mul3A_197 = arith.muli %add3A_195, %mul3A_196 : i32
        %dma_start3A_198 = arith.constant 0 : i32
        %dma_start3A_199 = tpu.memref_slice %arg3[%dma_start3A_198, %mul3A_197] : memref<2x320000xi32, #tpu.memory_space<hbm>> -> memref<2x80xi32, #tpu.memory_space<hbm>>
        %dma_start3A_200 = arith.constant 0 : i32
        %dma_start3A_201 = tpu.memref_slice %arg3[%dma_start3A_200, %mul3A_197] : memref<2x320000xi32, #tpu.memory_space<hbm>> -> memref<2x80xi32, #tpu.memory_space<hbm>>
        tpu.enqueue_dma source(%dma_start3A_201 : memref<2x80xi32, #tpu.memory_space<hbm>>) target(%arg8 : memref<2x80xi32, #tpu.memory_space<vmem>>) target_semaphore(%arg14 : memref<!tpu.dma_semaphore, #tpu.memory_space<semaphore_mem>>)
        %mul3A_202 = arith.constant 80 : i32
        %mul3A_203 = arith.muli %add3A_195, %mul3A_202 : i32
        %dma_start3A_204 = arith.constant 0 : i32
        %dma_start3A_205 = tpu.memref_slice %arg4[%mul3A_203, %dma_start3A_204] : memref<320000x128xf32, #tpu.memory_space<hbm>> -> memref<80x128xf32, #tpu.memory_space<hbm>>
        %dma_start3A_206 = arith.constant 0 : i32
        %dma_start3A_207 = tpu.memref_slice %arg4[%mul3A_203, %dma_start3A_206] : memref<320000x128xf32, #tpu.memory_space<hbm>> -> memref<80x128xf32, #tpu.memory_space<hbm>>
        tpu.enqueue_dma source(%dma_start3A_207 : memref<80x128xf32, #tpu.memory_space<hbm>>) target(%arg10 : memref<80x128xf32, #tpu.memory_space<vmem>>) target_semaphore(%arg16 : memref<!tpu.dma_semaphore, #tpu.memory_space<semaphore_mem>>)
      } else {
      }
    }
    %scan3A_72 = arith.constant 62 : i32
    %add3A_73 = arith.constant 124 : i32
    %add3A_74 = arith.addi %add3A, %add3A_73 : i32
    %mul3A_75 = arith.constant 80 : i32
    %mul3A_76 = arith.muli %add3A_74, %mul3A_75 : i32
    %dma_wait3A_77 = arith.constant 0 : i32
    %dma_wait3A_78 = tpu.memref_slice %arg4[%mul3A_76, %dma_wait3A_77] : memref<320000x128xf32, #tpu.memory_space<hbm>> -> memref<80x128xf32, #tpu.memory_space<hbm>>
    %dma_wait3A_79 = arith.constant 0 : i32
    %dma_wait3A_80 = tpu.memref_slice %arg4[%mul3A_76, %dma_wait3A_79] : memref<320000x128xf32, #tpu.memory_space<hbm>> -> memref<80x128xf32, #tpu.memory_space<hbm>>
    tpu.wait_dma2 semaphore(%arg15 : memref<!tpu.dma_semaphore, #tpu.memory_space<semaphore_mem>>) src(%dma_wait3A_80 : memref<80x128xf32, #tpu.memory_space<hbm>>) dst(%arg9 : memref<80x128xf32, #tpu.memory_space<vmem>>)
    %dma_wait3A_81 = arith.constant 0 : i32
    %dma_wait3A_82 = arith.constant 0 : i32
    %dma_wait3A_83 = tpu.memref_slice %arg7[%dma_wait3A_81, %dma_wait3A_82] : memref<2x80xi32, #tpu.memory_space<vmem>> -> memref<1x80xi32, #tpu.memory_space<vmem>>
    %dma_wait3A_84 = tpu.memref_squeeze %dma_wait3A_83 : memref<1x80xi32, #tpu.memory_space<vmem>> -> memref<80xi32, #tpu.memory_space<vmem>>
    %dma_wait3A_85 = arith.constant 0 : i32
    %dma_wait3A_86 = arith.constant 0 : i32
    %dma_wait3A_87 = tpu.memref_slice %arg2[%dma_wait3A_85, %dma_wait3A_86] : memref<10000x128xf32, #tpu.memory_space<hbm>> -> memref<10000x128xf32, #tpu.memory_space<hbm>>
    tpu.wait_indirect_dma semaphore(%arg17 : memref<!tpu.dma_semaphore, #tpu.memory_space<semaphore_mem>>) src(%dma_wait3A_87 : memref<10000x128xf32, #tpu.memory_space<hbm>>) dst(%arg11 : memref<80x128xf32, #tpu.memory_space<vmem>>)
    %dma_start3A_88 = arith.constant 1 : i32
    %dma_start3A_89 = arith.constant 0 : i32
    %dma_start3A_90 = tpu.memref_slice %arg7[%dma_start3A_88, %dma_start3A_89] : memref<2x80xi32, #tpu.memory_space<vmem>> -> memref<1x80xi32, #tpu.memory_space<vmem>>
    %dma_start3A_91 = tpu.memref_squeeze %dma_start3A_90 : memref<1x80xi32, #tpu.memory_space<vmem>> -> memref<80xi32, #tpu.memory_space<vmem>>
    %dma_start3A_92 = arith.constant 0 : i32
    %dma_start3A_93 = arith.constant 0 : i32
    %dma_start3A_94 = tpu.memref_slice %arg6[%dma_start3A_92, %dma_start3A_93] : memref<10000x128xf32, #tpu.memory_space<vmem_shared>> -> memref<10000x128xf32, #tpu.memory_space<vmem_shared>>
    tpu.enqueue_indirect_dma source(%arg11 : memref<80x128xf32, #tpu.memory_space<vmem>>) target(%dma_start3A_94 : memref<10000x128xf32, #tpu.memory_space<vmem_shared>>) offsets(%dma_start3A_91 : memref<80xi32, #tpu.memory_space<vmem>>) semaphore(%arg19 : memref<!tpu.dma_semaphore, #tpu.memory_space<semaphore_mem>>) {add = true}
    %dma_wait3A_95 = arith.constant 1 : i32
    %dma_wait3A_96 = arith.constant 0 : i32
    %dma_wait3A_97 = tpu.memref_slice %arg7[%dma_wait3A_95, %dma_wait3A_96] : memref<2x80xi32, #tpu.memory_space<vmem>> -> memref<1x80xi32, #tpu.memory_space<vmem>>
    %dma_wait3A_98 = tpu.memref_squeeze %dma_wait3A_97 : memref<1x80xi32, #tpu.memory_space<vmem>> -> memref<80xi32, #tpu.memory_space<vmem>>
    %dma_wait3A_99 = arith.constant 0 : i32
    %dma_wait3A_100 = arith.constant 0 : i32
    %dma_wait3A_101 = tpu.memref_slice %arg6[%dma_wait3A_99, %dma_wait3A_100] : memref<10000x128xf32, #tpu.memory_space<vmem_shared>> -> memref<10000x128xf32, #tpu.memory_space<vmem_shared>>
    tpu.wait_indirect_dma semaphore(%arg19 : memref<!tpu.dma_semaphore, #tpu.memory_space<semaphore_mem>>) src(%arg11 : memref<80x128xf32, #tpu.memory_space<vmem>>) dst(%dma_wait3A_101 : memref<10000x128xf32, #tpu.memory_space<vmem_shared>>)
    %barrier3A_102 = arith.constant 0 : index
    tpu.barrier barrier_id(%barrier3A_102)
    "tpu.region"() ({
      %run_scoped3A = tpu.sem_alloc : memref<!tpu.dma_semaphore, #tpu.memory_space<semaphore_mem>>
      %dma_start3A_103 = arith.constant 0 : i32
      %dma_start3A_104 = tpu.memref_slice %arg5[%arg0, %mul3A_9, %dma_start3A_103] : memref<2x10000x128xf32, #tpu.memory_space<hbm>> -> memref<1x625x128xf32, #tpu.memory_space<hbm>>
      %dma_start3A_105 = tpu.memref_squeeze %dma_start3A_104 : memref<1x625x128xf32, #tpu.memory_space<hbm>> -> memref<625x128xf32, #tpu.memory_space<hbm>>
      %dma_start3A_106 = arith.constant 0 : i32
      %dma_start3A_107 = tpu.memref_slice %arg6[%mul3A_9, %dma_start3A_106] : memref<10000x128xf32, #tpu.memory_space<vmem_shared>> -> memref<625x128xf32, #tpu.memory_space<vmem_shared>>
      tpu.enqueue_dma source(%dma_start3A_107 : memref<625x128xf32, #tpu.memory_space<vmem_shared>>) target(%dma_start3A_105 : memref<625x128xf32, #tpu.memory_space<hbm>>) target_semaphore(%run_scoped3A : memref<!tpu.dma_semaphore, #tpu.memory_space<semaphore_mem>>)
      %dma_wait3A_108 = arith.constant 0 : i32
      %dma_wait3A_109 = tpu.memref_slice %arg5[%arg0, %mul3A_9, %dma_wait3A_108] : memref<2x10000x128xf32, #tpu.memory_space<hbm>> -> memref<1x625x128xf32, #tpu.memory_space<hbm>>
      %dma_wait3A_110 = tpu.memref_squeeze %dma_wait3A_109 : memref<1x625x128xf32, #tpu.memory_space<hbm>> -> memref<625x128xf32, #tpu.memory_space<hbm>>
      %dma_wait3A_111 = arith.constant 0 : i32
      %dma_wait3A_112 = tpu.memref_slice %arg6[%mul3A_9, %dma_wait3A_111] : memref<10000x128xf32, #tpu.memory_space<vmem_shared>> -> memref<625x128xf32, #tpu.memory_space<vmem_shared>>
      tpu.wait_dma2 semaphore(%run_scoped3A : memref<!tpu.dma_semaphore, #tpu.memory_space<semaphore_mem>>) src(%dma_wait3A_112 : memref<625x128xf32, #tpu.memory_space<vmem_shared>>) dst(%dma_wait3A_110 : memref<625x128xf32, #tpu.memory_space<hbm>>)
      tpu.yield
    }) : () -> ()
    return
  }
}

#map = affine_map<(d0, d1) -> (0, 0)>
#map1 = affine_map<(d0, d1) -> (0, 0, 0)>
module attributes {stable_mosaic.version = 14 : i64} {
  func.func @agg_kernel(%arg0: i32, %arg1: i32, %arg2: memref<10000x128xf32, #tpu.memory_space<hbm>>, %arg3: memref<2x320000xi32, #tpu.memory_space<hbm>>, %arg4: memref<320000x128xf32, #tpu.memory_space<hbm>>, %arg5: memref<2x10000x128xf32, #tpu.memory_space<hbm>>, %arg6: memref<10000x128xf32, #tpu.memory_space<vmem_shared>>, %arg7: memref<2x80xi32, #tpu.memory_space<vmem>>, %arg8: memref<2x80xi32, #tpu.memory_space<vmem>>, %arg9: memref<80x128xf32, #tpu.memory_space<vmem>>, %arg10: memref<80x128xf32, #tpu.memory_space<vmem>>, %arg11: memref<80x128xf32, #tpu.memory_space<vmem>>, %arg12: memref<80x128xf32, #tpu.memory_space<vmem>>, %arg13: memref<!tpu.dma_semaphore, #tpu.memory_space<semaphore_mem>>, %arg14: memref<!tpu.dma_semaphore, #tpu.memory_space<semaphore_mem>>, %arg15: memref<!tpu.dma_semaphore, #tpu.memory_space<semaphore_mem>>, %arg16: memref<!tpu.dma_semaphore, #tpu.memory_space<semaphore_mem>>, %arg17: memref<!tpu.dma_semaphore, #tpu.memory_space<semaphore_mem>>, %arg18: memref<!tpu.dma_semaphore, #tpu.memory_space<semaphore_mem>>, %arg19: memref<!tpu.dma_semaphore, #tpu.memory_space<semaphore_mem>>, %arg20: memref<!tpu.dma_semaphore, #tpu.memory_space<semaphore_mem>>) attributes {dimension_semantics = [#tpu.dimension_semantics<core_parallel>, #tpu.dimension_semantics<subcore_parallel>], iteration_bounds = array<i64: 2, 16>, scalar_prefetch = 0 : i64, scratch_operands = 15 : i64, tpu.core_type = #tpu.core_type<sc_vector_subcore>, window_params = [{transform_indices = #map}, {transform_indices = #map}, {transform_indices = #map}, {transform_indices = #map1}]} {
    %mul3A = arith.constant 2000 : i32
    %mul3A_0 = arith.muli %arg0, %mul3A : i32
    %mul3A_1 = arith.constant 125 : i32
    %mul3A_2 = arith.muli %arg1, %mul3A_1 : i32
    %add3A = arith.addi %mul3A_0, %mul3A_2 : i32
    %scan3A = arith.constant 0 : i32
    %scan3A_3 = arith.constant 0 : i32
    %scan3A_4 = arith.constant 80 : i32
    %scan3A_5 = arith.addi %scan3A_3, %scan3A_4 : i32
    %scan3A_6 = arith.constant 1 : i32
    scf.for %scan3A_103 = %scan3A_3 to %scan3A_5 step %scan3A_6  : i32 {
      %broadcast_in_dim3A = arith.constant 0.000000e+00 : f32
      %broadcast_in_dim3A_104 = vector.broadcast %broadcast_in_dim3A : f32 to vector<16xf32>
      %swap3A = arith.index_cast %scan3A_103 : i32 to index
      %swap3A_105 = arith.constant 0 : index
      %swap3A_106 = tpu.vector_load %arg11[%swap3A, %swap3A_105] {strides = array<i32>} : memref<80x128xf32, #tpu.memory_space<vmem>>, vector<1x16xf32>,
      %swap3A_107 = vector.shape_cast %swap3A_106 : vector<1x16xf32> to vector<16xf32>
      %swap3A_108 = vector.shape_cast %broadcast_in_dim3A_104 : vector<16xf32> to vector<1x16xf32>
      tpu.vector_store %arg11[%swap3A, %swap3A_105], %swap3A_108 {strides = array<i32>} : memref<80x128xf32, #tpu.memory_space<vmem>>, vector<1x16xf32>,
      %broadcast_in_dim3A_109 = arith.constant 0.000000e+00 : f32
      %broadcast_in_dim3A_110 = vector.broadcast %broadcast_in_dim3A_109 : f32 to vector<16xf32>
      %swap3A_111 = arith.index_cast %scan3A_103 : i32 to index
      %swap3A_112 = arith.constant 16 : index
      %swap3A_113 = tpu.vector_load %arg11[%swap3A_111, %swap3A_112] {strides = array<i32>} : memref<80x128xf32, #tpu.memory_space<vmem>>, vector<1x16xf32>,
      %swap3A_114 = vector.shape_cast %swap3A_113 : vector<1x16xf32> to vector<16xf32>
      %swap3A_115 = vector.shape_cast %broadcast_in_dim3A_110 : vector<16xf32> to vector<1x16xf32>
      tpu.vector_store %arg11[%swap3A_111, %swap3A_112], %swap3A_115 {strides = array<i32>} : memref<80x128xf32, #tpu.memory_space<vmem>>, vector<1x16xf32>,
      %broadcast_in_dim3A_116 = arith.constant 0.000000e+00 : f32
      %broadcast_in_dim3A_117 = vector.broadcast %broadcast_in_dim3A_116 : f32 to vector<16xf32>
      %swap3A_118 = arith.index_cast %scan3A_103 : i32 to index
      %swap3A_119 = arith.constant 32 : index
      %swap3A_120 = tpu.vector_load %arg11[%swap3A_118, %swap3A_119] {strides = array<i32>} : memref<80x128xf32, #tpu.memory_space<vmem>>, vector<1x16xf32>,
      %swap3A_121 = vector.shape_cast %swap3A_120 : vector<1x16xf32> to vector<16xf32>
      %swap3A_122 = vector.shape_cast %broadcast_in_dim3A_117 : vector<16xf32> to vector<1x16xf32>
      tpu.vector_store %arg11[%swap3A_118, %swap3A_119], %swap3A_122 {strides = array<i32>} : memref<80x128xf32, #tpu.memory_space<vmem>>, vector<1x16xf32>,
      %broadcast_in_dim3A_123 = arith.constant 0.000000e+00 : f32
      %broadcast_in_dim3A_124 = vector.broadcast %broadcast_in_dim3A_123 : f32 to vector<16xf32>
      %swap3A_125 = arith.index_cast %scan3A_103 : i32 to index
      %swap3A_126 = arith.constant 48 : index
      %swap3A_127 = tpu.vector_load %arg11[%swap3A_125, %swap3A_126] {strides = array<i32>} : memref<80x128xf32, #tpu.memory_space<vmem>>, vector<1x16xf32>,
      %swap3A_128 = vector.shape_cast %swap3A_127 : vector<1x16xf32> to vector<16xf32>
      %swap3A_129 = vector.shape_cast %broadcast_in_dim3A_124 : vector<16xf32> to vector<1x16xf32>
      tpu.vector_store %arg11[%swap3A_125, %swap3A_126], %swap3A_129 {strides = array<i32>} : memref<80x128xf32, #tpu.memory_space<vmem>>, vector<1x16xf32>,
      %broadcast_in_dim3A_130 = arith.constant 0.000000e+00 : f32
      %broadcast_in_dim3A_131 = vector.broadcast %broadcast_in_dim3A_130 : f32 to vector<16xf32>
      %swap3A_132 = arith.index_cast %scan3A_103 : i32 to index
      %swap3A_133 = arith.constant 64 : index
      %swap3A_134 = tpu.vector_load %arg11[%swap3A_132, %swap3A_133] {strides = array<i32>} : memref<80x128xf32, #tpu.memory_space<vmem>>, vector<1x16xf32>,
      %swap3A_135 = vector.shape_cast %swap3A_134 : vector<1x16xf32> to vector<16xf32>
      %swap3A_136 = vector.shape_cast %broadcast_in_dim3A_131 : vector<16xf32> to vector<1x16xf32>
      tpu.vector_store %arg11[%swap3A_132, %swap3A_133], %swap3A_136 {strides = array<i32>} : memref<80x128xf32, #tpu.memory_space<vmem>>, vector<1x16xf32>,
      %broadcast_in_dim3A_137 = arith.constant 0.000000e+00 : f32
      %broadcast_in_dim3A_138 = vector.broadcast %broadcast_in_dim3A_137 : f32 to vector<16xf32>
      %swap3A_139 = arith.index_cast %scan3A_103 : i32 to index
      %swap3A_140 = arith.constant 80 : index
      %swap3A_141 = tpu.vector_load %arg11[%swap3A_139, %swap3A_140] {strides = array<i32>} : memref<80x128xf32, #tpu.memory_space<vmem>>, vector<1x16xf32>,
      %swap3A_142 = vector.shape_cast %swap3A_141 : vector<1x16xf32> to vector<16xf32>
      %swap3A_143 = vector.shape_cast %broadcast_in_dim3A_138 : vector<16xf32> to vector<1x16xf32>
      tpu.vector_store %arg11[%swap3A_139, %swap3A_140], %swap3A_143 {strides = array<i32>} : memref<80x128xf32, #tpu.memory_space<vmem>>, vector<1x16xf32>,
      %broadcast_in_dim3A_144 = arith.constant 0.000000e+00 : f32
      %broadcast_in_dim3A_145 = vector.broadcast %broadcast_in_dim3A_144 : f32 to vector<16xf32>
      %swap3A_146 = arith.index_cast %scan3A_103 : i32 to index
      %swap3A_147 = arith.constant 96 : index
      %swap3A_148 = tpu.vector_load %arg11[%swap3A_146, %swap3A_147] {strides = array<i32>} : memref<80x128xf32, #tpu.memory_space<vmem>>, vector<1x16xf32>,
      %swap3A_149 = vector.shape_cast %swap3A_148 : vector<1x16xf32> to vector<16xf32>
      %swap3A_150 = vector.shape_cast %broadcast_in_dim3A_145 : vector<16xf32> to vector<1x16xf32>
      tpu.vector_store %arg11[%swap3A_146, %swap3A_147], %swap3A_150 {strides = array<i32>} : memref<80x128xf32, #tpu.memory_space<vmem>>, vector<1x16xf32>,
      %broadcast_in_dim3A_151 = arith.constant 0.000000e+00 : f32
      %broadcast_in_dim3A_152 = vector.broadcast %broadcast_in_dim3A_151 : f32 to vector<16xf32>
      %swap3A_153 = arith.index_cast %scan3A_103 : i32 to index
      %swap3A_154 = arith.constant 112 : index
      %swap3A_155 = tpu.vector_load %arg11[%swap3A_153, %swap3A_154] {strides = array<i32>} : memref<80x128xf32, #tpu.memory_space<vmem>>, vector<1x16xf32>,
      %swap3A_156 = vector.shape_cast %swap3A_155 : vector<1x16xf32> to vector<16xf32>
      %swap3A_157 = vector.shape_cast %broadcast_in_dim3A_152 : vector<16xf32> to vector<1x16xf32>
      tpu.vector_store %arg11[%swap3A_153, %swap3A_154], %swap3A_157 {strides = array<i32>} : memref<80x128xf32, #tpu.memory_space<vmem>>, vector<1x16xf32>,
    }
    %scan3A_7 = arith.constant 80 : i32
    %mul3A_8 = arith.constant 625 : i32
    %mul3A_9 = arith.muli %arg1, %mul3A_8 : i32
    %add3A_10 = arith.constant 0 : i32
    %add3A_11 = arith.addi %mul3A_9, %add3A_10 : i32
    "tpu.region"() ({
      %run_scoped3A = tpu.sem_alloc : memref<!tpu.dma_semaphore, #tpu.memory_space<semaphore_mem>>
      %dma_start3A_103 = arith.constant 0 : i32
      %dma_start3A_104 = tpu.memref_slice %arg6[%add3A_11, %dma_start3A_103] : memref<10000x128xf32, #tpu.memory_space<vmem_shared>> -> memref<80x128xf32, #tpu.memory_space<vmem_shared>>
      %dma_start3A_105 = arith.constant 0 : i32
      %dma_start3A_106 = tpu.memref_slice %arg6[%add3A_11, %dma_start3A_105] : memref<10000x128xf32, #tpu.memory_space<vmem_shared>> -> memref<80x128xf32, #tpu.memory_space<vmem_shared>>
      tpu.enqueue_dma source(%arg11 : memref<80x128xf32, #tpu.memory_space<vmem>>) target(%dma_start3A_106 : memref<80x128xf32, #tpu.memory_space<vmem_shared>>) target_semaphore(%run_scoped3A : memref<!tpu.dma_semaphore, #tpu.memory_space<semaphore_mem>>)
      %dma_wait3A_107 = arith.constant 0 : i32
      %dma_wait3A_108 = tpu.memref_slice %arg6[%add3A_11, %dma_wait3A_107] : memref<10000x128xf32, #tpu.memory_space<vmem_shared>> -> memref<80x128xf32, #tpu.memory_space<vmem_shared>>
      %dma_wait3A_109 = arith.constant 0 : i32
      %dma_wait3A_110 = tpu.memref_slice %arg6[%add3A_11, %dma_wait3A_109] : memref<10000x128xf32, #tpu.memory_space<vmem_shared>> -> memref<80x128xf32, #tpu.memory_space<vmem_shared>>
      tpu.wait_dma2 semaphore(%run_scoped3A : memref<!tpu.dma_semaphore, #tpu.memory_space<semaphore_mem>>) src(%arg11 : memref<80x128xf32, #tpu.memory_space<vmem>>) dst(%dma_wait3A_110 : memref<80x128xf32, #tpu.memory_space<vmem_shared>>)
      tpu.yield
    }) : () -> ()
    %add3A_12 = arith.constant 80 : i32
    %add3A_13 = arith.addi %mul3A_9, %add3A_12 : i32
    "tpu.region"() ({
      %run_scoped3A = tpu.sem_alloc : memref<!tpu.dma_semaphore, #tpu.memory_space<semaphore_mem>>
      %dma_start3A_103 = arith.constant 0 : i32
      %dma_start3A_104 = tpu.memref_slice %arg6[%add3A_13, %dma_start3A_103] : memref<10000x128xf32, #tpu.memory_space<vmem_shared>> -> memref<80x128xf32, #tpu.memory_space<vmem_shared>>
      %dma_start3A_105 = arith.constant 0 : i32
      %dma_start3A_106 = tpu.memref_slice %arg6[%add3A_13, %dma_start3A_105] : memref<10000x128xf32, #tpu.memory_space<vmem_shared>> -> memref<80x128xf32, #tpu.memory_space<vmem_shared>>
      tpu.enqueue_dma source(%arg11 : memref<80x128xf32, #tpu.memory_space<vmem>>) target(%dma_start3A_106 : memref<80x128xf32, #tpu.memory_space<vmem_shared>>) target_semaphore(%run_scoped3A : memref<!tpu.dma_semaphore, #tpu.memory_space<semaphore_mem>>)
      %dma_wait3A_107 = arith.constant 0 : i32
      %dma_wait3A_108 = tpu.memref_slice %arg6[%add3A_13, %dma_wait3A_107] : memref<10000x128xf32, #tpu.memory_space<vmem_shared>> -> memref<80x128xf32, #tpu.memory_space<vmem_shared>>
      %dma_wait3A_109 = arith.constant 0 : i32
      %dma_wait3A_110 = tpu.memref_slice %arg6[%add3A_13, %dma_wait3A_109] : memref<10000x128xf32, #tpu.memory_space<vmem_shared>> -> memref<80x128xf32, #tpu.memory_space<vmem_shared>>
      tpu.wait_dma2 semaphore(%run_scoped3A : memref<!tpu.dma_semaphore, #tpu.memory_space<semaphore_mem>>) src(%arg11 : memref<80x128xf32, #tpu.memory_space<vmem>>) dst(%dma_wait3A_110 : memref<80x128xf32, #tpu.memory_space<vmem_shared>>)
      tpu.yield
    }) : () -> ()
    %add3A_14 = arith.constant 160 : i32
    %add3A_15 = arith.addi %mul3A_9, %add3A_14 : i32
    "tpu.region"() ({
      %run_scoped3A = tpu.sem_alloc : memref<!tpu.dma_semaphore, #tpu.memory_space<semaphore_mem>>
      %dma_start3A_103 = arith.constant 0 : i32
      %dma_start3A_104 = tpu.memref_slice %arg6[%add3A_15, %dma_start3A_103] : memref<10000x128xf32, #tpu.memory_space<vmem_shared>> -> memref<80x128xf32, #tpu.memory_space<vmem_shared>>
      %dma_start3A_105 = arith.constant 0 : i32
      %dma_start3A_106 = tpu.memref_slice %arg6[%add3A_15, %dma_start3A_105] : memref<10000x128xf32, #tpu.memory_space<vmem_shared>> -> memref<80x128xf32, #tpu.memory_space<vmem_shared>>
      tpu.enqueue_dma source(%arg11 : memref<80x128xf32, #tpu.memory_space<vmem>>) target(%dma_start3A_106 : memref<80x128xf32, #tpu.memory_space<vmem_shared>>) target_semaphore(%run_scoped3A : memref<!tpu.dma_semaphore, #tpu.memory_space<semaphore_mem>>)
      %dma_wait3A_107 = arith.constant 0 : i32
      %dma_wait3A_108 = tpu.memref_slice %arg6[%add3A_15, %dma_wait3A_107] : memref<10000x128xf32, #tpu.memory_space<vmem_shared>> -> memref<80x128xf32, #tpu.memory_space<vmem_shared>>
      %dma_wait3A_109 = arith.constant 0 : i32
      %dma_wait3A_110 = tpu.memref_slice %arg6[%add3A_15, %dma_wait3A_109] : memref<10000x128xf32, #tpu.memory_space<vmem_shared>> -> memref<80x128xf32, #tpu.memory_space<vmem_shared>>
      tpu.wait_dma2 semaphore(%run_scoped3A : memref<!tpu.dma_semaphore, #tpu.memory_space<semaphore_mem>>) src(%arg11 : memref<80x128xf32, #tpu.memory_space<vmem>>) dst(%dma_wait3A_110 : memref<80x128xf32, #tpu.memory_space<vmem_shared>>)
      tpu.yield
    }) : () -> ()
    %add3A_16 = arith.constant 240 : i32
    %add3A_17 = arith.addi %mul3A_9, %add3A_16 : i32
    "tpu.region"() ({
      %run_scoped3A = tpu.sem_alloc : memref<!tpu.dma_semaphore, #tpu.memory_space<semaphore_mem>>
      %dma_start3A_103 = arith.constant 0 : i32
      %dma_start3A_104 = tpu.memref_slice %arg6[%add3A_17, %dma_start3A_103] : memref<10000x128xf32, #tpu.memory_space<vmem_shared>> -> memref<80x128xf32, #tpu.memory_space<vmem_shared>>
      %dma_start3A_105 = arith.constant 0 : i32
      %dma_start3A_106 = tpu.memref_slice %arg6[%add3A_17, %dma_start3A_105] : memref<10000x128xf32, #tpu.memory_space<vmem_shared>> -> memref<80x128xf32, #tpu.memory_space<vmem_shared>>
      tpu.enqueue_dma source(%arg11 : memref<80x128xf32, #tpu.memory_space<vmem>>) target(%dma_start3A_106 : memref<80x128xf32, #tpu.memory_space<vmem_shared>>) target_semaphore(%run_scoped3A : memref<!tpu.dma_semaphore, #tpu.memory_space<semaphore_mem>>)
      %dma_wait3A_107 = arith.constant 0 : i32
      %dma_wait3A_108 = tpu.memref_slice %arg6[%add3A_17, %dma_wait3A_107] : memref<10000x128xf32, #tpu.memory_space<vmem_shared>> -> memref<80x128xf32, #tpu.memory_space<vmem_shared>>
      %dma_wait3A_109 = arith.constant 0 : i32
      %dma_wait3A_110 = tpu.memref_slice %arg6[%add3A_17, %dma_wait3A_109] : memref<10000x128xf32, #tpu.memory_space<vmem_shared>> -> memref<80x128xf32, #tpu.memory_space<vmem_shared>>
      tpu.wait_dma2 semaphore(%run_scoped3A : memref<!tpu.dma_semaphore, #tpu.memory_space<semaphore_mem>>) src(%arg11 : memref<80x128xf32, #tpu.memory_space<vmem>>) dst(%dma_wait3A_110 : memref<80x128xf32, #tpu.memory_space<vmem_shared>>)
      tpu.yield
    }) : () -> ()
    %add3A_18 = arith.constant 320 : i32
    %add3A_19 = arith.addi %mul3A_9, %add3A_18 : i32
    "tpu.region"() ({
      %run_scoped3A = tpu.sem_alloc : memref<!tpu.dma_semaphore, #tpu.memory_space<semaphore_mem>>
      %dma_start3A_103 = arith.constant 0 : i32
      %dma_start3A_104 = tpu.memref_slice %arg6[%add3A_19, %dma_start3A_103] : memref<10000x128xf32, #tpu.memory_space<vmem_shared>> -> memref<80x128xf32, #tpu.memory_space<vmem_shared>>
      %dma_start3A_105 = arith.constant 0 : i32
      %dma_start3A_106 = tpu.memref_slice %arg6[%add3A_19, %dma_start3A_105] : memref<10000x128xf32, #tpu.memory_space<vmem_shared>> -> memref<80x128xf32, #tpu.memory_space<vmem_shared>>
      tpu.enqueue_dma source(%arg11 : memref<80x128xf32, #tpu.memory_space<vmem>>) target(%dma_start3A_106 : memref<80x128xf32, #tpu.memory_space<vmem_shared>>) target_semaphore(%run_scoped3A : memref<!tpu.dma_semaphore, #tpu.memory_space<semaphore_mem>>)
      %dma_wait3A_107 = arith.constant 0 : i32
      %dma_wait3A_108 = tpu.memref_slice %arg6[%add3A_19, %dma_wait3A_107] : memref<10000x128xf32, #tpu.memory_space<vmem_shared>> -> memref<80x128xf32, #tpu.memory_space<vmem_shared>>
      %dma_wait3A_109 = arith.constant 0 : i32
      %dma_wait3A_110 = tpu.memref_slice %arg6[%add3A_19, %dma_wait3A_109] : memref<10000x128xf32, #tpu.memory_space<vmem_shared>> -> memref<80x128xf32, #tpu.memory_space<vmem_shared>>
      tpu.wait_dma2 semaphore(%run_scoped3A : memref<!tpu.dma_semaphore, #tpu.memory_space<semaphore_mem>>) src(%arg11 : memref<80x128xf32, #tpu.memory_space<vmem>>) dst(%dma_wait3A_110 : memref<80x128xf32, #tpu.memory_space<vmem_shared>>)
      tpu.yield
    }) : () -> ()
    %add3A_20 = arith.constant 400 : i32
    %add3A_21 = arith.addi %mul3A_9, %add3A_20 : i32
    "tpu.region"() ({
      %run_scoped3A = tpu.sem_alloc : memref<!tpu.dma_semaphore, #tpu.memory_space<semaphore_mem>>
      %dma_start3A_103 = arith.constant 0 : i32
      %dma_start3A_104 = tpu.memref_slice %arg6[%add3A_21, %dma_start3A_103] : memref<10000x128xf32, #tpu.memory_space<vmem_shared>> -> memref<80x128xf32, #tpu.memory_space<vmem_shared>>
      %dma_start3A_105 = arith.constant 0 : i32
      %dma_start3A_106 = tpu.memref_slice %arg6[%add3A_21, %dma_start3A_105] : memref<10000x128xf32, #tpu.memory_space<vmem_shared>> -> memref<80x128xf32, #tpu.memory_space<vmem_shared>>
      tpu.enqueue_dma source(%arg11 : memref<80x128xf32, #tpu.memory_space<vmem>>) target(%dma_start3A_106 : memref<80x128xf32, #tpu.memory_space<vmem_shared>>) target_semaphore(%run_scoped3A : memref<!tpu.dma_semaphore, #tpu.memory_space<semaphore_mem>>)
      %dma_wait3A_107 = arith.constant 0 : i32
      %dma_wait3A_108 = tpu.memref_slice %arg6[%add3A_21, %dma_wait3A_107] : memref<10000x128xf32, #tpu.memory_space<vmem_shared>> -> memref<80x128xf32, #tpu.memory_space<vmem_shared>>
      %dma_wait3A_109 = arith.constant 0 : i32
      %dma_wait3A_110 = tpu.memref_slice %arg6[%add3A_21, %dma_wait3A_109] : memref<10000x128xf32, #tpu.memory_space<vmem_shared>> -> memref<80x128xf32, #tpu.memory_space<vmem_shared>>
      tpu.wait_dma2 semaphore(%run_scoped3A : memref<!tpu.dma_semaphore, #tpu.memory_space<semaphore_mem>>) src(%arg11 : memref<80x128xf32, #tpu.memory_space<vmem>>) dst(%dma_wait3A_110 : memref<80x128xf32, #tpu.memory_space<vmem_shared>>)
      tpu.yield
    }) : () -> ()
    %add3A_22 = arith.constant 480 : i32
    %add3A_23 = arith.addi %mul3A_9, %add3A_22 : i32
    "tpu.region"() ({
      %run_scoped3A = tpu.sem_alloc : memref<!tpu.dma_semaphore, #tpu.memory_space<semaphore_mem>>
      %dma_start3A_103 = arith.constant 0 : i32
      %dma_start3A_104 = tpu.memref_slice %arg6[%add3A_23, %dma_start3A_103] : memref<10000x128xf32, #tpu.memory_space<vmem_shared>> -> memref<80x128xf32, #tpu.memory_space<vmem_shared>>
      %dma_start3A_105 = arith.constant 0 : i32
      %dma_start3A_106 = tpu.memref_slice %arg6[%add3A_23, %dma_start3A_105] : memref<10000x128xf32, #tpu.memory_space<vmem_shared>> -> memref<80x128xf32, #tpu.memory_space<vmem_shared>>
      tpu.enqueue_dma source(%arg11 : memref<80x128xf32, #tpu.memory_space<vmem>>) target(%dma_start3A_106 : memref<80x128xf32, #tpu.memory_space<vmem_shared>>) target_semaphore(%run_scoped3A : memref<!tpu.dma_semaphore, #tpu.memory_space<semaphore_mem>>)
      %dma_wait3A_107 = arith.constant 0 : i32
      %dma_wait3A_108 = tpu.memref_slice %arg6[%add3A_23, %dma_wait3A_107] : memref<10000x128xf32, #tpu.memory_space<vmem_shared>> -> memref<80x128xf32, #tpu.memory_space<vmem_shared>>
      %dma_wait3A_109 = arith.constant 0 : i32
      %dma_wait3A_110 = tpu.memref_slice %arg6[%add3A_23, %dma_wait3A_109] : memref<10000x128xf32, #tpu.memory_space<vmem_shared>> -> memref<80x128xf32, #tpu.memory_space<vmem_shared>>
      tpu.wait_dma2 semaphore(%run_scoped3A : memref<!tpu.dma_semaphore, #tpu.memory_space<semaphore_mem>>) src(%arg11 : memref<80x128xf32, #tpu.memory_space<vmem>>) dst(%dma_wait3A_110 : memref<80x128xf32, #tpu.memory_space<vmem_shared>>)
      tpu.yield
    }) : () -> ()
    %add3A_24 = arith.constant 560 : i32
    %add3A_25 = arith.addi %mul3A_9, %add3A_24 : i32
    "tpu.region"() ({
      %run_scoped3A = tpu.sem_alloc : memref<!tpu.dma_semaphore, #tpu.memory_space<semaphore_mem>>
      %dma_start3A_103 = arith.constant 0 : i32
      %dma_start3A_104 = arith.constant 0 : i32
      %dma_start3A_105 = tpu.memref_slice %arg11[%dma_start3A_103, %dma_start3A_104] : memref<80x128xf32, #tpu.memory_space<vmem>> -> memref<65x128xf32, #tpu.memory_space<vmem>>
      %dma_start3A_106 = arith.constant 0 : i32
      %dma_start3A_107 = tpu.memref_slice %arg6[%add3A_25, %dma_start3A_106] : memref<10000x128xf32, #tpu.memory_space<vmem_shared>> -> memref<65x128xf32, #tpu.memory_space<vmem_shared>>
      %dma_start3A_108 = arith.constant 0 : i32
      %dma_start3A_109 = tpu.memref_slice %arg6[%add3A_25, %dma_start3A_108] : memref<10000x128xf32, #tpu.memory_space<vmem_shared>> -> memref<65x128xf32, #tpu.memory_space<vmem_shared>>
      %dma_start3A_110 = arith.constant 0 : i32
      %dma_start3A_111 = arith.constant 0 : i32
      %dma_start3A_112 = tpu.memref_slice %arg11[%dma_start3A_110, %dma_start3A_111] : memref<80x128xf32, #tpu.memory_space<vmem>> -> memref<65x128xf32, #tpu.memory_space<vmem>>
      tpu.enqueue_dma source(%dma_start3A_112 : memref<65x128xf32, #tpu.memory_space<vmem>>) target(%dma_start3A_109 : memref<65x128xf32, #tpu.memory_space<vmem_shared>>) target_semaphore(%run_scoped3A : memref<!tpu.dma_semaphore, #tpu.memory_space<semaphore_mem>>)
      %dma_wait3A_113 = arith.constant 0 : i32
      %dma_wait3A_114 = arith.constant 0 : i32
      %dma_wait3A_115 = tpu.memref_slice %arg11[%dma_wait3A_113, %dma_wait3A_114] : memref<80x128xf32, #tpu.memory_space<vmem>> -> memref<65x128xf32, #tpu.memory_space<vmem>>
      %dma_wait3A_116 = arith.constant 0 : i32
      %dma_wait3A_117 = tpu.memref_slice %arg6[%add3A_25, %dma_wait3A_116] : memref<10000x128xf32, #tpu.memory_space<vmem_shared>> -> memref<65x128xf32, #tpu.memory_space<vmem_shared>>
      %dma_wait3A_118 = arith.constant 0 : i32
      %dma_wait3A_119 = tpu.memref_slice %arg6[%add3A_25, %dma_wait3A_118] : memref<10000x128xf32, #tpu.memory_space<vmem_shared>> -> memref<65x128xf32, #tpu.memory_space<vmem_shared>>
      %dma_wait3A_120 = arith.constant 0 : i32
      %dma_wait3A_121 = arith.constant 0 : i32
      %dma_wait3A_122 = tpu.memref_slice %arg11[%dma_wait3A_120, %dma_wait3A_121] : memref<80x128xf32, #tpu.memory_space<vmem>> -> memref<65x128xf32, #tpu.memory_space<vmem>>
      tpu.wait_dma2 semaphore(%run_scoped3A : memref<!tpu.dma_semaphore, #tpu.memory_space<semaphore_mem>>) src(%dma_wait3A_122 : memref<65x128xf32, #tpu.memory_space<vmem>>) dst(%dma_wait3A_119 : memref<65x128xf32, #tpu.memory_space<vmem_shared>>)
      tpu.yield
    }) : () -> ()
    %barrier3A = arith.constant 0 : index
    tpu.barrier barrier_id(%barrier3A)
    %add3A_26 = arith.constant 0 : i32
    %add3A_27 = arith.addi %add3A, %add3A_26 : i32
    %mul3A_28 = arith.constant 80 : i32
    %mul3A_29 = arith.muli %add3A_27, %mul3A_28 : i32
    %dma_start3A = arith.constant 0 : i32
    %dma_start3A_30 = tpu.memref_slice %arg3[%dma_start3A, %mul3A_29] : memref<2x320000xi32, #tpu.memory_space<hbm>> -> memref<2x80xi32, #tpu.memory_space<hbm>>
    %dma_start3A_31 = arith.constant 0 : i32
    %dma_start3A_32 = tpu.memref_slice %arg3[%dma_start3A_31, %mul3A_29] : memref<2x320000xi32, #tpu.memory_space<hbm>> -> memref<2x80xi32, #tpu.memory_space<hbm>>
    tpu.enqueue_dma source(%dma_start3A_32 : memref<2x80xi32, #tpu.memory_space<hbm>>) target(%arg7 : memref<2x80xi32, #tpu.memory_space<vmem>>) target_semaphore(%arg13 : memref<!tpu.dma_semaphore, #tpu.memory_space<semaphore_mem>>)
    %mul3A_33 = arith.constant 80 : i32
    %mul3A_34 = arith.muli %add3A_27, %mul3A_33 : i32
    %dma_start3A_35 = arith.constant 0 : i32
    %dma_start3A_36 = tpu.memref_slice %arg4[%mul3A_34, %dma_start3A_35] : memref<320000x128xf32, #tpu.memory_space<hbm>> -> memref<80x128xf32, #tpu.memory_space<hbm>>
    %dma_start3A_37 = arith.constant 0 : i32
    %dma_start3A_38 = tpu.memref_slice %arg4[%mul3A_34, %dma_start3A_37] : memref<320000x128xf32, #tpu.memory_space<hbm>> -> memref<80x128xf32, #tpu.memory_space<hbm>>
    tpu.enqueue_dma source(%dma_start3A_38 : memref<80x128xf32, #tpu.memory_space<hbm>>) target(%arg9 : memref<80x128xf32, #tpu.memory_space<vmem>>) target_semaphore(%arg15 : memref<!tpu.dma_semaphore, #tpu.memory_space<semaphore_mem>>)
    %add3A_39 = arith.constant 1 : i32
    %add3A_40 = arith.addi %add3A, %add3A_39 : i32
    %mul3A_41 = arith.constant 80 : i32
    %mul3A_42 = arith.muli %add3A_40, %mul3A_41 : i32
    %dma_start3A_43 = arith.constant 0 : i32
    %dma_start3A_44 = tpu.memref_slice %arg3[%dma_start3A_43, %mul3A_42] : memref<2x320000xi32, #tpu.memory_space<hbm>> -> memref<2x80xi32, #tpu.memory_space<hbm>>
    %dma_start3A_45 = arith.constant 0 : i32
    %dma_start3A_46 = tpu.memref_slice %arg3[%dma_start3A_45, %mul3A_42] : memref<2x320000xi32, #tpu.memory_space<hbm>> -> memref<2x80xi32, #tpu.memory_space<hbm>>
    tpu.enqueue_dma source(%dma_start3A_46 : memref<2x80xi32, #tpu.memory_space<hbm>>) target(%arg8 : memref<2x80xi32, #tpu.memory_space<vmem>>) target_semaphore(%arg14 : memref<!tpu.dma_semaphore, #tpu.memory_space<semaphore_mem>>)
    %mul3A_47 = arith.constant 80 : i32
    %mul3A_48 = arith.muli %add3A_40, %mul3A_47 : i32
    %dma_start3A_49 = arith.constant 0 : i32
    %dma_start3A_50 = tpu.memref_slice %arg4[%mul3A_48, %dma_start3A_49] : memref<320000x128xf32, #tpu.memory_space<hbm>> -> memref<80x128xf32, #tpu.memory_space<hbm>>
    %dma_start3A_51 = arith.constant 0 : i32
    %dma_start3A_52 = tpu.memref_slice %arg4[%mul3A_48, %dma_start3A_51] : memref<320000x128xf32, #tpu.memory_space<hbm>> -> memref<80x128xf32, #tpu.memory_space<hbm>>
    tpu.enqueue_dma source(%dma_start3A_52 : memref<80x128xf32, #tpu.memory_space<hbm>>) target(%arg10 : memref<80x128xf32, #tpu.memory_space<vmem>>) target_semaphore(%arg16 : memref<!tpu.dma_semaphore, #tpu.memory_space<semaphore_mem>>)
    %add3A_53 = arith.constant 0 : i32
    %add3A_54 = arith.addi %add3A, %add3A_53 : i32
    %mul3A_55 = arith.constant 80 : i32
    %mul3A_56 = arith.muli %add3A_54, %mul3A_55 : i32
    %dma_wait3A = arith.constant 0 : i32
    %dma_wait3A_57 = tpu.memref_slice %arg3[%dma_wait3A, %mul3A_56] : memref<2x320000xi32, #tpu.memory_space<hbm>> -> memref<2x80xi32, #tpu.memory_space<hbm>>
    %dma_wait3A_58 = arith.constant 0 : i32
    %dma_wait3A_59 = tpu.memref_slice %arg3[%dma_wait3A_58, %mul3A_56] : memref<2x320000xi32, #tpu.memory_space<hbm>> -> memref<2x80xi32, #tpu.memory_space<hbm>>
    tpu.wait_dma2 semaphore(%arg13 : memref<!tpu.dma_semaphore, #tpu.memory_space<semaphore_mem>>) src(%dma_wait3A_59 : memref<2x80xi32, #tpu.memory_space<hbm>>) dst(%arg7 : memref<2x80xi32, #tpu.memory_space<vmem>>)
    %dma_start3A_60 = arith.constant 0 : i32
    %dma_start3A_61 = arith.constant 0 : i32
    %dma_start3A_62 = tpu.memref_slice %arg7[%dma_start3A_60, %dma_start3A_61] : memref<2x80xi32, #tpu.memory_space<vmem>> -> memref<1x80xi32, #tpu.memory_space<vmem>>
    %dma_start3A_63 = tpu.memref_squeeze %dma_start3A_62 : memref<1x80xi32, #tpu.memory_space<vmem>> -> memref<80xi32, #tpu.memory_space<vmem>>
    %dma_start3A_64 = arith.constant 0 : i32
    %dma_start3A_65 = arith.constant 0 : i32
    %dma_start3A_66 = tpu.memref_slice %arg2[%dma_start3A_64, %dma_start3A_65] : memref<10000x128xf32, #tpu.memory_space<hbm>> -> memref<10000x128xf32, #tpu.memory_space<hbm>>
    tpu.enqueue_indirect_dma source(%dma_start3A_66 : memref<10000x128xf32, #tpu.memory_space<hbm>>) target(%arg11 : memref<80x128xf32, #tpu.memory_space<vmem>>) offsets(%dma_start3A_63 : memref<80xi32, #tpu.memory_space<vmem>>) semaphore(%arg17 : memref<!tpu.dma_semaphore, #tpu.memory_space<semaphore_mem>>)
    %scan3A_67 = arith.constant 0 : i32
    %scan3A_68 = arith.constant 0 : i32
    %scan3A_69 = arith.constant 62 : i32
    %scan3A_70 = arith.addi %scan3A_68, %scan3A_69 : i32
    %scan3A_71 = arith.constant 1 : i32
    scf.for %scan3A_103 = %scan3A_68 to %scan3A_70 step %scan3A_71  : i32 {
      %mul3A_104 = arith.constant 2 : i32
      %mul3A_105 = arith.muli %scan3A_103, %mul3A_104 : i32
      %add3A_106 = arith.constant 0 : i32
      %add3A_107 = arith.addi %mul3A_105, %add3A_106 : i32
      %add3A_108 = arith.constant 1 : i32
      %add3A_109 = arith.addi %add3A_107, %add3A_108 : i32
      %lt3A = arith.constant 125 : i32
      %lt3A_110 = arith.cmpi slt, %add3A_109, %lt3A : i32
      %convert_element_type3A = arith.extui %lt3A_110 : i1 to i32
      %cond3A = arith.constant 0 : i32
      %cond3A_111 = arith.cmpi ne, %convert_element_type3A, %cond3A : i32
      scf.if %cond3A_111 {
        %add3A_193 = arith.constant 1 : i32
        %add3A_194 = arith.addi %add3A_107, %add3A_193 : i32
        %add3A_195 = arith.addi %add3A, %add3A_194 : i32
        %mul3A_196 = arith.constant 80 : i32
        %mul3A_197 = arith.muli %add3A_195, %mul3A_196 : i32
        %dma_wait3A_198 = arith.constant 0 : i32
        %dma_wait3A_199 = tpu.memref_slice %arg3[%dma_wait3A_198, %mul3A_197] : memref<2x320000xi32, #tpu.memory_space<hbm>> -> memref<2x80xi32, #tpu.memory_space<hbm>>
        %dma_wait3A_200 = arith.constant 0 : i32
        %dma_wait3A_201 = tpu.memref_slice %arg3[%dma_wait3A_200, %mul3A_197] : memref<2x320000xi32, #tpu.memory_space<hbm>> -> memref<2x80xi32, #tpu.memory_space<hbm>>
        tpu.wait_dma2 semaphore(%arg14 : memref<!tpu.dma_semaphore, #tpu.memory_space<semaphore_mem>>) src(%dma_wait3A_201 : memref<2x80xi32, #tpu.memory_space<hbm>>) dst(%arg8 : memref<2x80xi32, #tpu.memory_space<vmem>>)
        %dma_start3A_202 = arith.constant 0 : i32
        %dma_start3A_203 = arith.constant 0 : i32
        %dma_start3A_204 = tpu.memref_slice %arg8[%dma_start3A_202, %dma_start3A_203] : memref<2x80xi32, #tpu.memory_space<vmem>> -> memref<1x80xi32, #tpu.memory_space<vmem>>
        %dma_start3A_205 = tpu.memref_squeeze %dma_start3A_204 : memref<1x80xi32, #tpu.memory_space<vmem>> -> memref<80xi32, #tpu.memory_space<vmem>>
        %dma_start3A_206 = arith.constant 0 : i32
        %dma_start3A_207 = arith.constant 0 : i32
        %dma_start3A_208 = tpu.memref_slice %arg2[%dma_start3A_206, %dma_start3A_207] : memref<10000x128xf32, #tpu.memory_space<hbm>> -> memref<10000x128xf32, #tpu.memory_space<hbm>>
        tpu.enqueue_indirect_dma source(%dma_start3A_208 : memref<10000x128xf32, #tpu.memory_space<hbm>>) target(%arg12 : memref<80x128xf32, #tpu.memory_space<vmem>>) offsets(%dma_start3A_205 : memref<80xi32, #tpu.memory_space<vmem>>) semaphore(%arg18 : memref<!tpu.dma_semaphore, #tpu.memory_space<semaphore_mem>>)
      } else {
      }
      %add3A_112 = arith.addi %add3A, %add3A_107 : i32
      %mul3A_113 = arith.constant 80 : i32
      %mul3A_114 = arith.muli %add3A_112, %mul3A_113 : i32
      %dma_wait3A_115 = arith.constant 0 : i32
      %dma_wait3A_116 = tpu.memref_slice %arg4[%mul3A_114, %dma_wait3A_115] : memref<320000x128xf32, #tpu.memory_space<hbm>> -> memref<80x128xf32, #tpu.memory_space<hbm>>
      %dma_wait3A_117 = arith.constant 0 : i32
      %dma_wait3A_118 = tpu.memref_slice %arg4[%mul3A_114, %dma_wait3A_117] : memref<320000x128xf32, #tpu.memory_space<hbm>> -> memref<80x128xf32, #tpu.memory_space<hbm>>
      tpu.wait_dma2 semaphore(%arg15 : memref<!tpu.dma_semaphore, #tpu.memory_space<semaphore_mem>>) src(%dma_wait3A_118 : memref<80x128xf32, #tpu.memory_space<hbm>>) dst(%arg9 : memref<80x128xf32, #tpu.memory_space<vmem>>)
      %dma_wait3A_119 = arith.constant 0 : i32
      %dma_wait3A_120 = arith.constant 0 : i32
      %dma_wait3A_121 = tpu.memref_slice %arg7[%dma_wait3A_119, %dma_wait3A_120] : memref<2x80xi32, #tpu.memory_space<vmem>> -> memref<1x80xi32, #tpu.memory_space<vmem>>
      %dma_wait3A_122 = tpu.memref_squeeze %dma_wait3A_121 : memref<1x80xi32, #tpu.memory_space<vmem>> -> memref<80xi32, #tpu.memory_space<vmem>>
      %dma_wait3A_123 = arith.constant 0 : i32
      %dma_wait3A_124 = arith.constant 0 : i32
      %dma_wait3A_125 = tpu.memref_slice %arg2[%dma_wait3A_123, %dma_wait3A_124] : memref<10000x128xf32, #tpu.memory_space<hbm>> -> memref<10000x128xf32, #tpu.memory_space<hbm>>
      tpu.wait_indirect_dma semaphore(%arg17 : memref<!tpu.dma_semaphore, #tpu.memory_space<semaphore_mem>>) src(%dma_wait3A_125 : memref<10000x128xf32, #tpu.memory_space<hbm>>) dst(%arg11 : memref<80x128xf32, #tpu.memory_space<vmem>>)
      %dma_start3A_126 = arith.constant 1 : i32
      %dma_start3A_127 = arith.constant 0 : i32
      %dma_start3A_128 = tpu.memref_slice %arg7[%dma_start3A_126, %dma_start3A_127] : memref<2x80xi32, #tpu.memory_space<vmem>> -> memref<1x80xi32, #tpu.memory_space<vmem>>
      %dma_start3A_129 = tpu.memref_squeeze %dma_start3A_128 : memref<1x80xi32, #tpu.memory_space<vmem>> -> memref<80xi32, #tpu.memory_space<vmem>>
      %dma_start3A_130 = arith.constant 0 : i32
      %dma_start3A_131 = arith.constant 0 : i32
      %dma_start3A_132 = tpu.memref_slice %arg6[%dma_start3A_130, %dma_start3A_131] : memref<10000x128xf32, #tpu.memory_space<vmem_shared>> -> memref<10000x128xf32, #tpu.memory_space<vmem_shared>>
      tpu.enqueue_indirect_dma source(%arg11 : memref<80x128xf32, #tpu.memory_space<vmem>>) target(%dma_start3A_132 : memref<10000x128xf32, #tpu.memory_space<vmem_shared>>) offsets(%dma_start3A_129 : memref<80xi32, #tpu.memory_space<vmem>>) semaphore(%arg19 : memref<!tpu.dma_semaphore, #tpu.memory_space<semaphore_mem>>) {add = true}
      %dma_wait3A_133 = arith.constant 1 : i32
      %dma_wait3A_134 = arith.constant 0 : i32
      %dma_wait3A_135 = tpu.memref_slice %arg7[%dma_wait3A_133, %dma_wait3A_134] : memref<2x80xi32, #tpu.memory_space<vmem>> -> memref<1x80xi32, #tpu.memory_space<vmem>>
      %dma_wait3A_136 = tpu.memref_squeeze %dma_wait3A_135 : memref<1x80xi32, #tpu.memory_space<vmem>> -> memref<80xi32, #tpu.memory_space<vmem>>
      %dma_wait3A_137 = arith.constant 0 : i32
      %dma_wait3A_138 = arith.constant 0 : i32
      %dma_wait3A_139 = tpu.memref_slice %arg6[%dma_wait3A_137, %dma_wait3A_138] : memref<10000x128xf32, #tpu.memory_space<vmem_shared>> -> memref<10000x128xf32, #tpu.memory_space<vmem_shared>>
      tpu.wait_indirect_dma semaphore(%arg19 : memref<!tpu.dma_semaphore, #tpu.memory_space<semaphore_mem>>) src(%arg11 : memref<80x128xf32, #tpu.memory_space<vmem>>) dst(%dma_wait3A_139 : memref<10000x128xf32, #tpu.memory_space<vmem_shared>>)
      %add3A_140 = arith.constant 2 : i32
      %add3A_141 = arith.addi %add3A_107, %add3A_140 : i32
      %lt3A_142 = arith.constant 125 : i32
      %lt3A_143 = arith.cmpi slt, %add3A_141, %lt3A_142 : i32
      %convert_element_type3A_144 = arith.extui %lt3A_143 : i1 to i32
      %cond3A_145 = arith.constant 0 : i32
      %cond3A_146 = arith.cmpi ne, %convert_element_type3A_144, %cond3A_145 : i32
      scf.if %cond3A_146 {
        %add3A_193 = arith.constant 2 : i32
        %add3A_194 = arith.addi %add3A_107, %add3A_193 : i32
        %add3A_195 = arith.addi %add3A, %add3A_194 : i32
        %mul3A_196 = arith.constant 80 : i32
        %mul3A_197 = arith.muli %add3A_195, %mul3A_196 : i32
        %dma_start3A_198 = arith.constant 0 : i32
        %dma_start3A_199 = tpu.memref_slice %arg3[%dma_start3A_198, %mul3A_197] : memref<2x320000xi32, #tpu.memory_space<hbm>> -> memref<2x80xi32, #tpu.memory_space<hbm>>
        %dma_start3A_200 = arith.constant 0 : i32
        %dma_start3A_201 = tpu.memref_slice %arg3[%dma_start3A_200, %mul3A_197] : memref<2x320000xi32, #tpu.memory_space<hbm>> -> memref<2x80xi32, #tpu.memory_space<hbm>>
        tpu.enqueue_dma source(%dma_start3A_201 : memref<2x80xi32, #tpu.memory_space<hbm>>) target(%arg7 : memref<2x80xi32, #tpu.memory_space<vmem>>) target_semaphore(%arg13 : memref<!tpu.dma_semaphore, #tpu.memory_space<semaphore_mem>>)
        %mul3A_202 = arith.constant 80 : i32
        %mul3A_203 = arith.muli %add3A_195, %mul3A_202 : i32
        %dma_start3A_204 = arith.constant 0 : i32
        %dma_start3A_205 = tpu.memref_slice %arg4[%mul3A_203, %dma_start3A_204] : memref<320000x128xf32, #tpu.memory_space<hbm>> -> memref<80x128xf32, #tpu.memory_space<hbm>>
        %dma_start3A_206 = arith.constant 0 : i32
        %dma_start3A_207 = tpu.memref_slice %arg4[%mul3A_203, %dma_start3A_206] : memref<320000x128xf32, #tpu.memory_space<hbm>> -> memref<80x128xf32, #tpu.memory_space<hbm>>
        tpu.enqueue_dma source(%dma_start3A_207 : memref<80x128xf32, #tpu.memory_space<hbm>>) target(%arg9 : memref<80x128xf32, #tpu.memory_space<vmem>>) target_semaphore(%arg15 : memref<!tpu.dma_semaphore, #tpu.memory_space<semaphore_mem>>)
      } else {
      }
      %mul3A_147 = arith.constant 2 : i32
      %mul3A_148 = arith.muli %scan3A_103, %mul3A_147 : i32
      %add3A_149 = arith.constant 1 : i32
      %add3A_150 = arith.addi %mul3A_148, %add3A_149 : i32
      %add3A_151 = arith.constant 1 : i32
      %add3A_152 = arith.addi %add3A_150, %add3A_151 : i32
      %lt3A_153 = arith.constant 125 : i32
      %lt3A_154 = arith.cmpi slt, %add3A_152, %lt3A_153 : i32
      %convert_element_type3A_155 = arith.extui %lt3A_154 : i1 to i32
      %cond3A_156 = arith.constant 0 : i32
      %cond3A_157 = arith.cmpi ne, %convert_element_type3A_155, %cond3A_156 : i32
      scf.if %cond3A_157 {
        %add3A_193 = arith.constant 1 : i32
        %add3A_194 = arith.addi %add3A_150, %add3A_193 : i32
        %add3A_195 = arith.addi %add3A, %add3A_194 : i32
        %mul3A_196 = arith.constant 80 : i32
        %mul3A_197 = arith.muli %add3A_195, %mul3A_196 : i32
        %dma_wait3A_198 = arith.constant 0 : i32
        %dma_wait3A_199 = tpu.memref_slice %arg3[%dma_wait3A_198, %mul3A_197] : memref<2x320000xi32, #tpu.memory_space<hbm>> -> memref<2x80xi32, #tpu.memory_space<hbm>>
        %dma_wait3A_200 = arith.constant 0 : i32
        %dma_wait3A_201 = tpu.memref_slice %arg3[%dma_wait3A_200, %mul3A_197] : memref<2x320000xi32, #tpu.memory_space<hbm>> -> memref<2x80xi32, #tpu.memory_space<hbm>>
        tpu.wait_dma2 semaphore(%arg13 : memref<!tpu.dma_semaphore, #tpu.memory_space<semaphore_mem>>) src(%dma_wait3A_201 : memref<2x80xi32, #tpu.memory_space<hbm>>) dst(%arg7 : memref<2x80xi32, #tpu.memory_space<vmem>>)
        %dma_start3A_202 = arith.constant 0 : i32
        %dma_start3A_203 = arith.constant 0 : i32
        %dma_start3A_204 = tpu.memref_slice %arg7[%dma_start3A_202, %dma_start3A_203] : memref<2x80xi32, #tpu.memory_space<vmem>> -> memref<1x80xi32, #tpu.memory_space<vmem>>
        %dma_start3A_205 = tpu.memref_squeeze %dma_start3A_204 : memref<1x80xi32, #tpu.memory_space<vmem>> -> memref<80xi32, #tpu.memory_space<vmem>>
        %dma_start3A_206 = arith.constant 0 : i32
        %dma_start3A_207 = arith.constant 0 : i32
        %dma_start3A_208 = tpu.memref_slice %arg2[%dma_start3A_206, %dma_start3A_207] : memref<10000x128xf32, #tpu.memory_space<hbm>> -> memref<10000x128xf32, #tpu.memory_space<hbm>>
        tpu.enqueue_indirect_dma source(%dma_start3A_208 : memref<10000x128xf32, #tpu.memory_space<hbm>>) target(%arg11 : memref<80x128xf32, #tpu.memory_space<vmem>>) offsets(%dma_start3A_205 : memref<80xi32, #tpu.memory_space<vmem>>) semaphore(%arg17 : memref<!tpu.dma_semaphore, #tpu.memory_space<semaphore_mem>>)
      } else {
      }
      %add3A_158 = arith.addi %add3A, %add3A_150 : i32
      %mul3A_159 = arith.constant 80 : i32
      %mul3A_160 = arith.muli %add3A_158, %mul3A_159 : i32
      %dma_wait3A_161 = arith.constant 0 : i32
      %dma_wait3A_162 = tpu.memref_slice %arg4[%mul3A_160, %dma_wait3A_161] : memref<320000x128xf32, #tpu.memory_space<hbm>> -> memref<80x128xf32, #tpu.memory_space<hbm>>
      %dma_wait3A_163 = arith.constant 0 : i32
      %dma_wait3A_164 = tpu.memref_slice %arg4[%mul3A_160, %dma_wait3A_163] : memref<320000x128xf32, #tpu.memory_space<hbm>> -> memref<80x128xf32, #tpu.memory_space<hbm>>
      tpu.wait_dma2 semaphore(%arg16 : memref<!tpu.dma_semaphore, #tpu.memory_space<semaphore_mem>>) src(%dma_wait3A_164 : memref<80x128xf32, #tpu.memory_space<hbm>>) dst(%arg10 : memref<80x128xf32, #tpu.memory_space<vmem>>)
      %dma_wait3A_165 = arith.constant 0 : i32
      %dma_wait3A_166 = arith.constant 0 : i32
      %dma_wait3A_167 = tpu.memref_slice %arg8[%dma_wait3A_165, %dma_wait3A_166] : memref<2x80xi32, #tpu.memory_space<vmem>> -> memref<1x80xi32, #tpu.memory_space<vmem>>
      %dma_wait3A_168 = tpu.memref_squeeze %dma_wait3A_167 : memref<1x80xi32, #tpu.memory_space<vmem>> -> memref<80xi32, #tpu.memory_space<vmem>>
      %dma_wait3A_169 = arith.constant 0 : i32
      %dma_wait3A_170 = arith.constant 0 : i32
      %dma_wait3A_171 = tpu.memref_slice %arg2[%dma_wait3A_169, %dma_wait3A_170] : memref<10000x128xf32, #tpu.memory_space<hbm>> -> memref<10000x128xf32, #tpu.memory_space<hbm>>
      tpu.wait_indirect_dma semaphore(%arg18 : memref<!tpu.dma_semaphore, #tpu.memory_space<semaphore_mem>>) src(%dma_wait3A_171 : memref<10000x128xf32, #tpu.memory_space<hbm>>) dst(%arg12 : memref<80x128xf32, #tpu.memory_space<vmem>>)
      %dma_start3A_172 = arith.constant 1 : i32
      %dma_start3A_173 = arith.constant 0 : i32
      %dma_start3A_174 = tpu.memref_slice %arg8[%dma_start3A_172, %dma_start3A_173] : memref<2x80xi32, #tpu.memory_space<vmem>> -> memref<1x80xi32, #tpu.memory_space<vmem>>
      %dma_start3A_175 = tpu.memref_squeeze %dma_start3A_174 : memref<1x80xi32, #tpu.memory_space<vmem>> -> memref<80xi32, #tpu.memory_space<vmem>>
      %dma_start3A_176 = arith.constant 0 : i32
      %dma_start3A_177 = arith.constant 0 : i32
      %dma_start3A_178 = tpu.memref_slice %arg6[%dma_start3A_176, %dma_start3A_177] : memref<10000x128xf32, #tpu.memory_space<vmem_shared>> -> memref<10000x128xf32, #tpu.memory_space<vmem_shared>>
      tpu.enqueue_indirect_dma source(%arg12 : memref<80x128xf32, #tpu.memory_space<vmem>>) target(%dma_start3A_178 : memref<10000x128xf32, #tpu.memory_space<vmem_shared>>) offsets(%dma_start3A_175 : memref<80xi32, #tpu.memory_space<vmem>>) semaphore(%arg20 : memref<!tpu.dma_semaphore, #tpu.memory_space<semaphore_mem>>) {add = true}
      %dma_wait3A_179 = arith.constant 1 : i32
      %dma_wait3A_180 = arith.constant 0 : i32
      %dma_wait3A_181 = tpu.memref_slice %arg8[%dma_wait3A_179, %dma_wait3A_180] : memref<2x80xi32, #tpu.memory_space<vmem>> -> memref<1x80xi32, #tpu.memory_space<vmem>>
      %dma_wait3A_182 = tpu.memref_squeeze %dma_wait3A_181 : memref<1x80xi32, #tpu.memory_space<vmem>> -> memref<80xi32, #tpu.memory_space<vmem>>
      %dma_wait3A_183 = arith.constant 0 : i32
      %dma_wait3A_184 = arith.constant 0 : i32
      %dma_wait3A_185 = tpu.memref_slice %arg6[%dma_wait3A_183, %dma_wait3A_184] : memref<10000x128xf32, #tpu.memory_space<vmem_shared>> -> memref<10000x128xf32, #tpu.memory_space<vmem_shared>>
      tpu.wait_indirect_dma semaphore(%arg20 : memref<!tpu.dma_semaphore, #tpu.memory_space<semaphore_mem>>) src(%arg12 : memref<80x128xf32, #tpu.memory_space<vmem>>) dst(%dma_wait3A_185 : memref<10000x128xf32, #tpu.memory_space<vmem_shared>>)
      %add3A_186 = arith.constant 2 : i32
      %add3A_187 = arith.addi %add3A_150, %add3A_186 : i32
      %lt3A_188 = arith.constant 125 : i32
      %lt3A_189 = arith.cmpi slt, %add3A_187, %lt3A_188 : i32
      %convert_element_type3A_190 = arith.extui %lt3A_189 : i1 to i32
      %cond3A_191 = arith.constant 0 : i32
      %cond3A_192 = arith.cmpi ne, %convert_element_type3A_190, %cond3A_191 : i32
      scf.if %cond3A_192 {
        %add3A_193 = arith.constant 2 : i32
        %add3A_194 = arith.addi %add3A_150, %add3A_193 : i32
        %add3A_195 = arith.addi %add3A, %add3A_194 : i32
        %mul3A_196 = arith.constant 80 : i32
        %mul3A_197 = arith.muli %add3A_195, %mul3A_196 : i32
        %dma_start3A_198 = arith.constant 0 : i32
        %dma_start3A_199 = tpu.memref_slice %arg3[%dma_start3A_198, %mul3A_197] : memref<2x320000xi32, #tpu.memory_space<hbm>> -> memref<2x80xi32, #tpu.memory_space<hbm>>
        %dma_start3A_200 = arith.constant 0 : i32
        %dma_start3A_201 = tpu.memref_slice %arg3[%dma_start3A_200, %mul3A_197] : memref<2x320000xi32, #tpu.memory_space<hbm>> -> memref<2x80xi32, #tpu.memory_space<hbm>>
        tpu.enqueue_dma source(%dma_start3A_201 : memref<2x80xi32, #tpu.memory_space<hbm>>) target(%arg8 : memref<2x80xi32, #tpu.memory_space<vmem>>) target_semaphore(%arg14 : memref<!tpu.dma_semaphore, #tpu.memory_space<semaphore_mem>>)
        %mul3A_202 = arith.constant 80 : i32
        %mul3A_203 = arith.muli %add3A_195, %mul3A_202 : i32
        %dma_start3A_204 = arith.constant 0 : i32
        %dma_start3A_205 = tpu.memref_slice %arg4[%mul3A_203, %dma_start3A_204] : memref<320000x128xf32, #tpu.memory_space<hbm>> -> memref<80x128xf32, #tpu.memory_space<hbm>>
        %dma_start3A_206 = arith.constant 0 : i32
        %dma_start3A_207 = tpu.memref_slice %arg4[%mul3A_203, %dma_start3A_206] : memref<320000x128xf32, #tpu.memory_space<hbm>> -> memref<80x128xf32, #tpu.memory_space<hbm>>
        tpu.enqueue_dma source(%dma_start3A_207 : memref<80x128xf32, #tpu.memory_space<hbm>>) target(%arg10 : memref<80x128xf32, #tpu.memory_space<vmem>>) target_semaphore(%arg16 : memref<!tpu.dma_semaphore, #tpu.memory_space<semaphore_mem>>)
      } else {
      }
    }
    %scan3A_72 = arith.constant 62 : i32
    %add3A_73 = arith.constant 124 : i32
    %add3A_74 = arith.addi %add3A, %add3A_73 : i32
    %mul3A_75 = arith.constant 80 : i32
    %mul3A_76 = arith.muli %add3A_74, %mul3A_75 : i32
    %dma_wait3A_77 = arith.constant 0 : i32
    %dma_wait3A_78 = tpu.memref_slice %arg4[%mul3A_76, %dma_wait3A_77] : memref<320000x128xf32, #tpu.memory_space<hbm>> -> memref<80x128xf32, #tpu.memory_space<hbm>>
    %dma_wait3A_79 = arith.constant 0 : i32
    %dma_wait3A_80 = tpu.memref_slice %arg4[%mul3A_76, %dma_wait3A_79] : memref<320000x128xf32, #tpu.memory_space<hbm>> -> memref<80x128xf32, #tpu.memory_space<hbm>>
    tpu.wait_dma2 semaphore(%arg15 : memref<!tpu.dma_semaphore, #tpu.memory_space<semaphore_mem>>) src(%dma_wait3A_80 : memref<80x128xf32, #tpu.memory_space<hbm>>) dst(%arg9 : memref<80x128xf32, #tpu.memory_space<vmem>>)
    %dma_wait3A_81 = arith.constant 0 : i32
    %dma_wait3A_82 = arith.constant 0 : i32
    %dma_wait3A_83 = tpu.memref_slice %arg7[%dma_wait3A_81, %dma_wait3A_82] : memref<2x80xi32, #tpu.memory_space<vmem>> -> memref<1x80xi32, #tpu.memory_space<vmem>>
    %dma_wait3A_84 = tpu.memref_squeeze %dma_wait3A_83 : memref<1x80xi32, #tpu.memory_space<vmem>> -> memref<80xi32, #tpu.memory_space<vmem>>
    %dma_wait3A_85 = arith.constant 0 : i32
    %dma_wait3A_86 = arith.constant 0 : i32
    %dma_wait3A_87 = tpu.memref_slice %arg2[%dma_wait3A_85, %dma_wait3A_86] : memref<10000x128xf32, #tpu.memory_space<hbm>> -> memref<10000x128xf32, #tpu.memory_space<hbm>>
    tpu.wait_indirect_dma semaphore(%arg17 : memref<!tpu.dma_semaphore, #tpu.memory_space<semaphore_mem>>) src(%dma_wait3A_87 : memref<10000x128xf32, #tpu.memory_space<hbm>>) dst(%arg11 : memref<80x128xf32, #tpu.memory_space<vmem>>)
    %dma_start3A_88 = arith.constant 1 : i32
    %dma_start3A_89 = arith.constant 0 : i32
    %dma_start3A_90 = tpu.memref_slice %arg7[%dma_start3A_88, %dma_start3A_89] : memref<2x80xi32, #tpu.memory_space<vmem>> -> memref<1x80xi32, #tpu.memory_space<vmem>>
    %dma_start3A_91 = tpu.memref_squeeze %dma_start3A_90 : memref<1x80xi32, #tpu.memory_space<vmem>> -> memref<80xi32, #tpu.memory_space<vmem>>
    %dma_start3A_92 = arith.constant 0 : i32
    %dma_start3A_93 = arith.constant 0 : i32
    %dma_start3A_94 = tpu.memref_slice %arg6[%dma_start3A_92, %dma_start3A_93] : memref<10000x128xf32, #tpu.memory_space<vmem_shared>> -> memref<10000x128xf32, #tpu.memory_space<vmem_shared>>
    tpu.enqueue_indirect_dma source(%arg11 : memref<80x128xf32, #tpu.memory_space<vmem>>) target(%dma_start3A_94 : memref<10000x128xf32, #tpu.memory_space<vmem_shared>>) offsets(%dma_start3A_91 : memref<80xi32, #tpu.memory_space<vmem>>) semaphore(%arg19 : memref<!tpu.dma_semaphore, #tpu.memory_space<semaphore_mem>>) {add = true}
    %dma_wait3A_95 = arith.constant 1 : i32
    %dma_wait3A_96 = arith.constant 0 : i32
    %dma_wait3A_97 = tpu.memref_slice %arg7[%dma_wait3A_95, %dma_wait3A_96] : memref<2x80xi32, #tpu.memory_space<vmem>> -> memref<1x80xi32, #tpu.memory_space<vmem>>
    %dma_wait3A_98 = tpu.memref_squeeze %dma_wait3A_97 : memref<1x80xi32, #tpu.memory_space<vmem>> -> memref<80xi32, #tpu.memory_space<vmem>>
    %dma_wait3A_99 = arith.constant 0 : i32
    %dma_wait3A_100 = arith.constant 0 : i32
    %dma_wait3A_101 = tpu.memref_slice %arg6[%dma_wait3A_99, %dma_wait3A_100] : memref<10000x128xf32, #tpu.memory_space<vmem_shared>> -> memref<10000x128xf32, #tpu.memory_space<vmem_shared>>
    tpu.wait_indirect_dma semaphore(%arg19 : memref<!tpu.dma_semaphore, #tpu.memory_space<semaphore_mem>>) src(%arg11 : memref<80x128xf32, #tpu.memory_space<vmem>>) dst(%dma_wait3A_101 : memref<10000x128xf32, #tpu.memory_space<vmem_shared>>)
    %barrier3A_102 = arith.constant 0 : index
    tpu.barrier barrier_id(%barrier3A_102)
    "tpu.region"() ({
      %run_scoped3A = tpu.sem_alloc : memref<!tpu.dma_semaphore, #tpu.memory_space<semaphore_mem>>
      %dma_start3A_103 = arith.constant 0 : i32
      %dma_start3A_104 = tpu.memref_slice %arg5[%arg0, %mul3A_9, %dma_start3A_103] : memref<2x10000x128xf32, #tpu.memory_space<hbm>> -> memref<1x625x128xf32, #tpu.memory_space<hbm>>
      %dma_start3A_105 = tpu.memref_squeeze %dma_start3A_104 : memref<1x625x128xf32, #tpu.memory_space<hbm>> -> memref<625x128xf32, #tpu.memory_space<hbm>>
      %dma_start3A_106 = arith.constant 0 : i32
      %dma_start3A_107 = tpu.memref_slice %arg6[%mul3A_9, %dma_start3A_106] : memref<10000x128xf32, #tpu.memory_space<vmem_shared>> -> memref<625x128xf32, #tpu.memory_space<vmem_shared>>
      tpu.enqueue_dma source(%dma_start3A_107 : memref<625x128xf32, #tpu.memory_space<vmem_shared>>) target(%dma_start3A_105 : memref<625x128xf32, #tpu.memory_space<hbm>>) target_semaphore(%run_scoped3A : memref<!tpu.dma_semaphore, #tpu.memory_space<semaphore_mem>>)
      %dma_wait3A_108 = arith.constant 0 : i32
      %dma_wait3A_109 = tpu.memref_slice %arg5[%arg0, %mul3A_9, %dma_wait3A_108] : memref<2x10000x128xf32, #tpu.memory_space<hbm>> -> memref<1x625x128xf32, #tpu.memory_space<hbm>>
      %dma_wait3A_110 = tpu.memref_squeeze %dma_wait3A_109 : memref<1x625x128xf32, #tpu.memory_space<hbm>> -> memref<625x128xf32, #tpu.memory_space<hbm>>
      %dma_wait3A_111 = arith.constant 0 : i32
      %dma_wait3A_112 = tpu.memref_slice %arg6[%mul3A_9, %dma_wait3A_111] : memref<10000x128xf32, #tpu.memory_space<vmem_shared>> -> memref<625x128xf32, #tpu.memory_space<vmem_shared>>
      tpu.wait_dma2 semaphore(%run_scoped3A : memref<!tpu.dma_semaphore, #tpu.memory_space<semaphore_mem>>) src(%dma_wait3A_112 : memref<625x128xf32, #tpu.memory_space<vmem_shared>>) dst(%dma_wait3A_110 : memref<625x128xf32, #tpu.memory_space<hbm>>)
      tpu.yield
    }) : () -> ()
    return
  }
}

#map = affine_map<(d0, d1) -> (0, 0)>
#map1 = affine_map<(d0, d1) -> (0, 0, 0)>
module attributes {stable_mosaic.version = 14 : i64} {
  func.func @agg_kernel(%arg0: i32, %arg1: i32, %arg2: memref<10000x128xf32, #tpu.memory_space<hbm>>, %arg3: memref<2x320000xi32, #tpu.memory_space<hbm>>, %arg4: memref<320000x128xf32, #tpu.memory_space<hbm>>, %arg5: memref<2x10000x128xf32, #tpu.memory_space<hbm>>, %arg6: memref<10000x128xf32, #tpu.memory_space<vmem_shared>>, %arg7: memref<2x80xi32, #tpu.memory_space<vmem>>, %arg8: memref<2x80xi32, #tpu.memory_space<vmem>>, %arg9: memref<80x128xf32, #tpu.memory_space<vmem>>, %arg10: memref<80x128xf32, #tpu.memory_space<vmem>>, %arg11: memref<80x128xf32, #tpu.memory_space<vmem>>, %arg12: memref<80x128xf32, #tpu.memory_space<vmem>>, %arg13: memref<!tpu.dma_semaphore, #tpu.memory_space<semaphore_mem>>, %arg14: memref<!tpu.dma_semaphore, #tpu.memory_space<semaphore_mem>>, %arg15: memref<!tpu.dma_semaphore, #tpu.memory_space<semaphore_mem>>, %arg16: memref<!tpu.dma_semaphore, #tpu.memory_space<semaphore_mem>>, %arg17: memref<!tpu.dma_semaphore, #tpu.memory_space<semaphore_mem>>, %arg18: memref<!tpu.dma_semaphore, #tpu.memory_space<semaphore_mem>>, %arg19: memref<!tpu.dma_semaphore, #tpu.memory_space<semaphore_mem>>, %arg20: memref<!tpu.dma_semaphore, #tpu.memory_space<semaphore_mem>>) attributes {dimension_semantics = [#tpu.dimension_semantics<core_parallel>, #tpu.dimension_semantics<subcore_parallel>], iteration_bounds = array<i64: 2, 16>, scalar_prefetch = 0 : i64, scratch_operands = 15 : i64, tpu.core_type = #tpu.core_type<sc_vector_subcore>, window_params = [{transform_indices = #map}, {transform_indices = #map}, {transform_indices = #map}, {transform_indices = #map1}]} {
    %mul3A = arith.constant 2000 : i32
    %mul3A_0 = arith.muli %arg0, %mul3A : i32
    %mul3A_1 = arith.constant 125 : i32
    %mul3A_2 = arith.muli %arg1, %mul3A_1 : i32
    %add3A = arith.addi %mul3A_0, %mul3A_2 : i32
    %scan3A = arith.constant 0 : i32
    %scan3A_3 = arith.constant 0 : i32
    %scan3A_4 = arith.constant 80 : i32
    %scan3A_5 = arith.addi %scan3A_3, %scan3A_4 : i32
    %scan3A_6 = arith.constant 1 : i32
    scf.for %scan3A_103 = %scan3A_3 to %scan3A_5 step %scan3A_6  : i32 {
      %broadcast_in_dim3A = arith.constant 0.000000e+00 : f32
      %broadcast_in_dim3A_104 = vector.broadcast %broadcast_in_dim3A : f32 to vector<16xf32>
      %swap3A = arith.index_cast %scan3A_103 : i32 to index
      %swap3A_105 = arith.constant 0 : index
      %swap3A_106 = tpu.vector_load %arg11[%swap3A, %swap3A_105] {strides = array<i32>} : memref<80x128xf32, #tpu.memory_space<vmem>>, vector<1x16xf32>,
      %swap3A_107 = vector.shape_cast %swap3A_106 : vector<1x16xf32> to vector<16xf32>
      %swap3A_108 = vector.shape_cast %broadcast_in_dim3A_104 : vector<16xf32> to vector<1x16xf32>
      tpu.vector_store %arg11[%swap3A, %swap3A_105], %swap3A_108 {strides = array<i32>} : memref<80x128xf32, #tpu.memory_space<vmem>>, vector<1x16xf32>,
      %broadcast_in_dim3A_109 = arith.constant 0.000000e+00 : f32
      %broadcast_in_dim3A_110 = vector.broadcast %broadcast_in_dim3A_109 : f32 to vector<16xf32>
      %swap3A_111 = arith.index_cast %scan3A_103 : i32 to index
      %swap3A_112 = arith.constant 16 : index
      %swap3A_113 = tpu.vector_load %arg11[%swap3A_111, %swap3A_112] {strides = array<i32>} : memref<80x128xf32, #tpu.memory_space<vmem>>, vector<1x16xf32>,
      %swap3A_114 = vector.shape_cast %swap3A_113 : vector<1x16xf32> to vector<16xf32>
      %swap3A_115 = vector.shape_cast %broadcast_in_dim3A_110 : vector<16xf32> to vector<1x16xf32>
      tpu.vector_store %arg11[%swap3A_111, %swap3A_112], %swap3A_115 {strides = array<i32>} : memref<80x128xf32, #tpu.memory_space<vmem>>, vector<1x16xf32>,
      %broadcast_in_dim3A_116 = arith.constant 0.000000e+00 : f32
      %broadcast_in_dim3A_117 = vector.broadcast %broadcast_in_dim3A_116 : f32 to vector<16xf32>
      %swap3A_118 = arith.index_cast %scan3A_103 : i32 to index
      %swap3A_119 = arith.constant 32 : index
      %swap3A_120 = tpu.vector_load %arg11[%swap3A_118, %swap3A_119] {strides = array<i32>} : memref<80x128xf32, #tpu.memory_space<vmem>>, vector<1x16xf32>,
      %swap3A_121 = vector.shape_cast %swap3A_120 : vector<1x16xf32> to vector<16xf32>
      %swap3A_122 = vector.shape_cast %broadcast_in_dim3A_117 : vector<16xf32> to vector<1x16xf32>
      tpu.vector_store %arg11[%swap3A_118, %swap3A_119], %swap3A_122 {strides = array<i32>} : memref<80x128xf32, #tpu.memory_space<vmem>>, vector<1x16xf32>,
      %broadcast_in_dim3A_123 = arith.constant 0.000000e+00 : f32
      %broadcast_in_dim3A_124 = vector.broadcast %broadcast_in_dim3A_123 : f32 to vector<16xf32>
      %swap3A_125 = arith.index_cast %scan3A_103 : i32 to index
      %swap3A_126 = arith.constant 48 : index
      %swap3A_127 = tpu.vector_load %arg11[%swap3A_125, %swap3A_126] {strides = array<i32>} : memref<80x128xf32, #tpu.memory_space<vmem>>, vector<1x16xf32>,
      %swap3A_128 = vector.shape_cast %swap3A_127 : vector<1x16xf32> to vector<16xf32>
      %swap3A_129 = vector.shape_cast %broadcast_in_dim3A_124 : vector<16xf32> to vector<1x16xf32>
      tpu.vector_store %arg11[%swap3A_125, %swap3A_126], %swap3A_129 {strides = array<i32>} : memref<80x128xf32, #tpu.memory_space<vmem>>, vector<1x16xf32>,
      %broadcast_in_dim3A_130 = arith.constant 0.000000e+00 : f32
      %broadcast_in_dim3A_131 = vector.broadcast %broadcast_in_dim3A_130 : f32 to vector<16xf32>
      %swap3A_132 = arith.index_cast %scan3A_103 : i32 to index
      %swap3A_133 = arith.constant 64 : index
      %swap3A_134 = tpu.vector_load %arg11[%swap3A_132, %swap3A_133] {strides = array<i32>} : memref<80x128xf32, #tpu.memory_space<vmem>>, vector<1x16xf32>,
      %swap3A_135 = vector.shape_cast %swap3A_134 : vector<1x16xf32> to vector<16xf32>
      %swap3A_136 = vector.shape_cast %broadcast_in_dim3A_131 : vector<16xf32> to vector<1x16xf32>
      tpu.vector_store %arg11[%swap3A_132, %swap3A_133], %swap3A_136 {strides = array<i32>} : memref<80x128xf32, #tpu.memory_space<vmem>>, vector<1x16xf32>,
      %broadcast_in_dim3A_137 = arith.constant 0.000000e+00 : f32
      %broadcast_in_dim3A_138 = vector.broadcast %broadcast_in_dim3A_137 : f32 to vector<16xf32>
      %swap3A_139 = arith.index_cast %scan3A_103 : i32 to index
      %swap3A_140 = arith.constant 80 : index
      %swap3A_141 = tpu.vector_load %arg11[%swap3A_139, %swap3A_140] {strides = array<i32>} : memref<80x128xf32, #tpu.memory_space<vmem>>, vector<1x16xf32>,
      %swap3A_142 = vector.shape_cast %swap3A_141 : vector<1x16xf32> to vector<16xf32>
      %swap3A_143 = vector.shape_cast %broadcast_in_dim3A_138 : vector<16xf32> to vector<1x16xf32>
      tpu.vector_store %arg11[%swap3A_139, %swap3A_140], %swap3A_143 {strides = array<i32>} : memref<80x128xf32, #tpu.memory_space<vmem>>, vector<1x16xf32>,
      %broadcast_in_dim3A_144 = arith.constant 0.000000e+00 : f32
      %broadcast_in_dim3A_145 = vector.broadcast %broadcast_in_dim3A_144 : f32 to vector<16xf32>
      %swap3A_146 = arith.index_cast %scan3A_103 : i32 to index
      %swap3A_147 = arith.constant 96 : index
      %swap3A_148 = tpu.vector_load %arg11[%swap3A_146, %swap3A_147] {strides = array<i32>} : memref<80x128xf32, #tpu.memory_space<vmem>>, vector<1x16xf32>,
      %swap3A_149 = vector.shape_cast %swap3A_148 : vector<1x16xf32> to vector<16xf32>
      %swap3A_150 = vector.shape_cast %broadcast_in_dim3A_145 : vector<16xf32> to vector<1x16xf32>
      tpu.vector_store %arg11[%swap3A_146, %swap3A_147], %swap3A_150 {strides = array<i32>} : memref<80x128xf32, #tpu.memory_space<vmem>>, vector<1x16xf32>,
      %broadcast_in_dim3A_151 = arith.constant 0.000000e+00 : f32
      %broadcast_in_dim3A_152 = vector.broadcast %broadcast_in_dim3A_151 : f32 to vector<16xf32>
      %swap3A_153 = arith.index_cast %scan3A_103 : i32 to index
      %swap3A_154 = arith.constant 112 : index
      %swap3A_155 = tpu.vector_load %arg11[%swap3A_153, %swap3A_154] {strides = array<i32>} : memref<80x128xf32, #tpu.memory_space<vmem>>, vector<1x16xf32>,
      %swap3A_156 = vector.shape_cast %swap3A_155 : vector<1x16xf32> to vector<16xf32>
      %swap3A_157 = vector.shape_cast %broadcast_in_dim3A_152 : vector<16xf32> to vector<1x16xf32>
      tpu.vector_store %arg11[%swap3A_153, %swap3A_154], %swap3A_157 {strides = array<i32>} : memref<80x128xf32, #tpu.memory_space<vmem>>, vector<1x16xf32>,
    }
    %scan3A_7 = arith.constant 80 : i32
    %mul3A_8 = arith.constant 625 : i32
    %mul3A_9 = arith.muli %arg1, %mul3A_8 : i32
    %add3A_10 = arith.constant 0 : i32
    %add3A_11 = arith.addi %mul3A_9, %add3A_10 : i32
    "tpu.region"() ({
      %run_scoped3A = tpu.sem_alloc : memref<!tpu.dma_semaphore, #tpu.memory_space<semaphore_mem>>
      %dma_start3A_103 = arith.constant 0 : i32
      %dma_start3A_104 = tpu.memref_slice %arg6[%add3A_11, %dma_start3A_103] : memref<10000x128xf32, #tpu.memory_space<vmem_shared>> -> memref<80x128xf32, #tpu.memory_space<vmem_shared>>
      %dma_start3A_105 = arith.constant 0 : i32
      %dma_start3A_106 = tpu.memref_slice %arg6[%add3A_11, %dma_start3A_105] : memref<10000x128xf32, #tpu.memory_space<vmem_shared>> -> memref<80x128xf32, #tpu.memory_space<vmem_shared>>
      tpu.enqueue_dma source(%arg11 : memref<80x128xf32, #tpu.memory_space<vmem>>) target(%dma_start3A_106 : memref<80x128xf32, #tpu.memory_space<vmem_shared>>) target_semaphore(%run_scoped3A : memref<!tpu.dma_semaphore, #tpu.memory_space<semaphore_mem>>)
      %dma_wait3A_107 = arith.constant 0 : i32
      %dma_wait3A_108 = tpu.memref_slice %arg6[%add3A_11, %dma_wait3A_107] : memref<10000x128xf32, #tpu.memory_space<vmem_shared>> -> memref<80x128xf32, #tpu.memory_space<vmem_shared>>
      %dma_wait3A_109 = arith.constant 0 : i32
      %dma_wait3A_110 = tpu.memref_slice %arg6[%add3A_11, %dma_wait3A_109] : memref<10000x128xf32, #tpu.memory_space<vmem_shared>> -> memref<80x128xf32, #tpu.memory_space<vmem_shared>>
      tpu.wait_dma2 semaphore(%run_scoped3A : memref<!tpu.dma_semaphore, #tpu.memory_space<semaphore_mem>>) src(%arg11 : memref<80x128xf32, #tpu.memory_space<vmem>>) dst(%dma_wait3A_110 : memref<80x128xf32, #tpu.memory_space<vmem_shared>>)
      tpu.yield
    }) : () -> ()
    %add3A_12 = arith.constant 80 : i32
    %add3A_13 = arith.addi %mul3A_9, %add3A_12 : i32
    "tpu.region"() ({
      %run_scoped3A = tpu.sem_alloc : memref<!tpu.dma_semaphore, #tpu.memory_space<semaphore_mem>>
      %dma_start3A_103 = arith.constant 0 : i32
      %dma_start3A_104 = tpu.memref_slice %arg6[%add3A_13, %dma_start3A_103] : memref<10000x128xf32, #tpu.memory_space<vmem_shared>> -> memref<80x128xf32, #tpu.memory_space<vmem_shared>>
      %dma_start3A_105 = arith.constant 0 : i32
      %dma_start3A_106 = tpu.memref_slice %arg6[%add3A_13, %dma_start3A_105] : memref<10000x128xf32, #tpu.memory_space<vmem_shared>> -> memref<80x128xf32, #tpu.memory_space<vmem_shared>>
      tpu.enqueue_dma source(%arg11 : memref<80x128xf32, #tpu.memory_space<vmem>>) target(%dma_start3A_106 : memref<80x128xf32, #tpu.memory_space<vmem_shared>>) target_semaphore(%run_scoped3A : memref<!tpu.dma_semaphore, #tpu.memory_space<semaphore_mem>>)
      %dma_wait3A_107 = arith.constant 0 : i32
      %dma_wait3A_108 = tpu.memref_slice %arg6[%add3A_13, %dma_wait3A_107] : memref<10000x128xf32, #tpu.memory_space<vmem_shared>> -> memref<80x128xf32, #tpu.memory_space<vmem_shared>>
      %dma_wait3A_109 = arith.constant 0 : i32
      %dma_wait3A_110 = tpu.memref_slice %arg6[%add3A_13, %dma_wait3A_109] : memref<10000x128xf32, #tpu.memory_space<vmem_shared>> -> memref<80x128xf32, #tpu.memory_space<vmem_shared>>
      tpu.wait_dma2 semaphore(%run_scoped3A : memref<!tpu.dma_semaphore, #tpu.memory_space<semaphore_mem>>) src(%arg11 : memref<80x128xf32, #tpu.memory_space<vmem>>) dst(%dma_wait3A_110 : memref<80x128xf32, #tpu.memory_space<vmem_shared>>)
      tpu.yield
    }) : () -> ()
    %add3A_14 = arith.constant 160 : i32
    %add3A_15 = arith.addi %mul3A_9, %add3A_14 : i32
    "tpu.region"() ({
      %run_scoped3A = tpu.sem_alloc : memref<!tpu.dma_semaphore, #tpu.memory_space<semaphore_mem>>
      %dma_start3A_103 = arith.constant 0 : i32
      %dma_start3A_104 = tpu.memref_slice %arg6[%add3A_15, %dma_start3A_103] : memref<10000x128xf32, #tpu.memory_space<vmem_shared>> -> memref<80x128xf32, #tpu.memory_space<vmem_shared>>
      %dma_start3A_105 = arith.constant 0 : i32
      %dma_start3A_106 = tpu.memref_slice %arg6[%add3A_15, %dma_start3A_105] : memref<10000x128xf32, #tpu.memory_space<vmem_shared>> -> memref<80x128xf32, #tpu.memory_space<vmem_shared>>
      tpu.enqueue_dma source(%arg11 : memref<80x128xf32, #tpu.memory_space<vmem>>) target(%dma_start3A_106 : memref<80x128xf32, #tpu.memory_space<vmem_shared>>) target_semaphore(%run_scoped3A : memref<!tpu.dma_semaphore, #tpu.memory_space<semaphore_mem>>)
      %dma_wait3A_107 = arith.constant 0 : i32
      %dma_wait3A_108 = tpu.memref_slice %arg6[%add3A_15, %dma_wait3A_107] : memref<10000x128xf32, #tpu.memory_space<vmem_shared>> -> memref<80x128xf32, #tpu.memory_space<vmem_shared>>
      %dma_wait3A_109 = arith.constant 0 : i32
      %dma_wait3A_110 = tpu.memref_slice %arg6[%add3A_15, %dma_wait3A_109] : memref<10000x128xf32, #tpu.memory_space<vmem_shared>> -> memref<80x128xf32, #tpu.memory_space<vmem_shared>>
      tpu.wait_dma2 semaphore(%run_scoped3A : memref<!tpu.dma_semaphore, #tpu.memory_space<semaphore_mem>>) src(%arg11 : memref<80x128xf32, #tpu.memory_space<vmem>>) dst(%dma_wait3A_110 : memref<80x128xf32, #tpu.memory_space<vmem_shared>>)
      tpu.yield
    }) : () -> ()
    %add3A_16 = arith.constant 240 : i32
    %add3A_17 = arith.addi %mul3A_9, %add3A_16 : i32
    "tpu.region"() ({
      %run_scoped3A = tpu.sem_alloc : memref<!tpu.dma_semaphore, #tpu.memory_space<semaphore_mem>>
      %dma_start3A_103 = arith.constant 0 : i32
      %dma_start3A_104 = tpu.memref_slice %arg6[%add3A_17, %dma_start3A_103] : memref<10000x128xf32, #tpu.memory_space<vmem_shared>> -> memref<80x128xf32, #tpu.memory_space<vmem_shared>>
      %dma_start3A_105 = arith.constant 0 : i32
      %dma_start3A_106 = tpu.memref_slice %arg6[%add3A_17, %dma_start3A_105] : memref<10000x128xf32, #tpu.memory_space<vmem_shared>> -> memref<80x128xf32, #tpu.memory_space<vmem_shared>>
      tpu.enqueue_dma source(%arg11 : memref<80x128xf32, #tpu.memory_space<vmem>>) target(%dma_start3A_106 : memref<80x128xf32, #tpu.memory_space<vmem_shared>>) target_semaphore(%run_scoped3A : memref<!tpu.dma_semaphore, #tpu.memory_space<semaphore_mem>>)
      %dma_wait3A_107 = arith.constant 0 : i32
      %dma_wait3A_108 = tpu.memref_slice %arg6[%add3A_17, %dma_wait3A_107] : memref<10000x128xf32, #tpu.memory_space<vmem_shared>> -> memref<80x128xf32, #tpu.memory_space<vmem_shared>>
      %dma_wait3A_109 = arith.constant 0 : i32
      %dma_wait3A_110 = tpu.memref_slice %arg6[%add3A_17, %dma_wait3A_109] : memref<10000x128xf32, #tpu.memory_space<vmem_shared>> -> memref<80x128xf32, #tpu.memory_space<vmem_shared>>
      tpu.wait_dma2 semaphore(%run_scoped3A : memref<!tpu.dma_semaphore, #tpu.memory_space<semaphore_mem>>) src(%arg11 : memref<80x128xf32, #tpu.memory_space<vmem>>) dst(%dma_wait3A_110 : memref<80x128xf32, #tpu.memory_space<vmem_shared>>)
      tpu.yield
    }) : () -> ()
    %add3A_18 = arith.constant 320 : i32
    %add3A_19 = arith.addi %mul3A_9, %add3A_18 : i32
    "tpu.region"() ({
      %run_scoped3A = tpu.sem_alloc : memref<!tpu.dma_semaphore, #tpu.memory_space<semaphore_mem>>
      %dma_start3A_103 = arith.constant 0 : i32
      %dma_start3A_104 = tpu.memref_slice %arg6[%add3A_19, %dma_start3A_103] : memref<10000x128xf32, #tpu.memory_space<vmem_shared>> -> memref<80x128xf32, #tpu.memory_space<vmem_shared>>
      %dma_start3A_105 = arith.constant 0 : i32
      %dma_start3A_106 = tpu.memref_slice %arg6[%add3A_19, %dma_start3A_105] : memref<10000x128xf32, #tpu.memory_space<vmem_shared>> -> memref<80x128xf32, #tpu.memory_space<vmem_shared>>
      tpu.enqueue_dma source(%arg11 : memref<80x128xf32, #tpu.memory_space<vmem>>) target(%dma_start3A_106 : memref<80x128xf32, #tpu.memory_space<vmem_shared>>) target_semaphore(%run_scoped3A : memref<!tpu.dma_semaphore, #tpu.memory_space<semaphore_mem>>)
      %dma_wait3A_107 = arith.constant 0 : i32
      %dma_wait3A_108 = tpu.memref_slice %arg6[%add3A_19, %dma_wait3A_107] : memref<10000x128xf32, #tpu.memory_space<vmem_shared>> -> memref<80x128xf32, #tpu.memory_space<vmem_shared>>
      %dma_wait3A_109 = arith.constant 0 : i32
      %dma_wait3A_110 = tpu.memref_slice %arg6[%add3A_19, %dma_wait3A_109] : memref<10000x128xf32, #tpu.memory_space<vmem_shared>> -> memref<80x128xf32, #tpu.memory_space<vmem_shared>>
      tpu.wait_dma2 semaphore(%run_scoped3A : memref<!tpu.dma_semaphore, #tpu.memory_space<semaphore_mem>>) src(%arg11 : memref<80x128xf32, #tpu.memory_space<vmem>>) dst(%dma_wait3A_110 : memref<80x128xf32, #tpu.memory_space<vmem_shared>>)
      tpu.yield
    }) : () -> ()
    %add3A_20 = arith.constant 400 : i32
    %add3A_21 = arith.addi %mul3A_9, %add3A_20 : i32
    "tpu.region"() ({
      %run_scoped3A = tpu.sem_alloc : memref<!tpu.dma_semaphore, #tpu.memory_space<semaphore_mem>>
      %dma_start3A_103 = arith.constant 0 : i32
      %dma_start3A_104 = tpu.memref_slice %arg6[%add3A_21, %dma_start3A_103] : memref<10000x128xf32, #tpu.memory_space<vmem_shared>> -> memref<80x128xf32, #tpu.memory_space<vmem_shared>>
      %dma_start3A_105 = arith.constant 0 : i32
      %dma_start3A_106 = tpu.memref_slice %arg6[%add3A_21, %dma_start3A_105] : memref<10000x128xf32, #tpu.memory_space<vmem_shared>> -> memref<80x128xf32, #tpu.memory_space<vmem_shared>>
      tpu.enqueue_dma source(%arg11 : memref<80x128xf32, #tpu.memory_space<vmem>>) target(%dma_start3A_106 : memref<80x128xf32, #tpu.memory_space<vmem_shared>>) target_semaphore(%run_scoped3A : memref<!tpu.dma_semaphore, #tpu.memory_space<semaphore_mem>>)
      %dma_wait3A_107 = arith.constant 0 : i32
      %dma_wait3A_108 = tpu.memref_slice %arg6[%add3A_21, %dma_wait3A_107] : memref<10000x128xf32, #tpu.memory_space<vmem_shared>> -> memref<80x128xf32, #tpu.memory_space<vmem_shared>>
      %dma_wait3A_109 = arith.constant 0 : i32
      %dma_wait3A_110 = tpu.memref_slice %arg6[%add3A_21, %dma_wait3A_109] : memref<10000x128xf32, #tpu.memory_space<vmem_shared>> -> memref<80x128xf32, #tpu.memory_space<vmem_shared>>
      tpu.wait_dma2 semaphore(%run_scoped3A : memref<!tpu.dma_semaphore, #tpu.memory_space<semaphore_mem>>) src(%arg11 : memref<80x128xf32, #tpu.memory_space<vmem>>) dst(%dma_wait3A_110 : memref<80x128xf32, #tpu.memory_space<vmem_shared>>)
      tpu.yield
    }) : () -> ()
    %add3A_22 = arith.constant 480 : i32
    %add3A_23 = arith.addi %mul3A_9, %add3A_22 : i32
    "tpu.region"() ({
      %run_scoped3A = tpu.sem_alloc : memref<!tpu.dma_semaphore, #tpu.memory_space<semaphore_mem>>
      %dma_start3A_103 = arith.constant 0 : i32
      %dma_start3A_104 = tpu.memref_slice %arg6[%add3A_23, %dma_start3A_103] : memref<10000x128xf32, #tpu.memory_space<vmem_shared>> -> memref<80x128xf32, #tpu.memory_space<vmem_shared>>
      %dma_start3A_105 = arith.constant 0 : i32
      %dma_start3A_106 = tpu.memref_slice %arg6[%add3A_23, %dma_start3A_105] : memref<10000x128xf32, #tpu.memory_space<vmem_shared>> -> memref<80x128xf32, #tpu.memory_space<vmem_shared>>
      tpu.enqueue_dma source(%arg11 : memref<80x128xf32, #tpu.memory_space<vmem>>) target(%dma_start3A_106 : memref<80x128xf32, #tpu.memory_space<vmem_shared>>) target_semaphore(%run_scoped3A : memref<!tpu.dma_semaphore, #tpu.memory_space<semaphore_mem>>)
      %dma_wait3A_107 = arith.constant 0 : i32
      %dma_wait3A_108 = tpu.memref_slice %arg6[%add3A_23, %dma_wait3A_107] : memref<10000x128xf32, #tpu.memory_space<vmem_shared>> -> memref<80x128xf32, #tpu.memory_space<vmem_shared>>
      %dma_wait3A_109 = arith.constant 0 : i32
      %dma_wait3A_110 = tpu.memref_slice %arg6[%add3A_23, %dma_wait3A_109] : memref<10000x128xf32, #tpu.memory_space<vmem_shared>> -> memref<80x128xf32, #tpu.memory_space<vmem_shared>>
      tpu.wait_dma2 semaphore(%run_scoped3A : memref<!tpu.dma_semaphore, #tpu.memory_space<semaphore_mem>>) src(%arg11 : memref<80x128xf32, #tpu.memory_space<vmem>>) dst(%dma_wait3A_110 : memref<80x128xf32, #tpu.memory_space<vmem_shared>>)
      tpu.yield
    }) : () -> ()
    %add3A_24 = arith.constant 560 : i32
    %add3A_25 = arith.addi %mul3A_9, %add3A_24 : i32
    "tpu.region"() ({
      %run_scoped3A = tpu.sem_alloc : memref<!tpu.dma_semaphore, #tpu.memory_space<semaphore_mem>>
      %dma_start3A_103 = arith.constant 0 : i32
      %dma_start3A_104 = arith.constant 0 : i32
      %dma_start3A_105 = tpu.memref_slice %arg11[%dma_start3A_103, %dma_start3A_104] : memref<80x128xf32, #tpu.memory_space<vmem>> -> memref<65x128xf32, #tpu.memory_space<vmem>>
      %dma_start3A_106 = arith.constant 0 : i32
      %dma_start3A_107 = tpu.memref_slice %arg6[%add3A_25, %dma_start3A_106] : memref<10000x128xf32, #tpu.memory_space<vmem_shared>> -> memref<65x128xf32, #tpu.memory_space<vmem_shared>>
      %dma_start3A_108 = arith.constant 0 : i32
      %dma_start3A_109 = tpu.memref_slice %arg6[%add3A_25, %dma_start3A_108] : memref<10000x128xf32, #tpu.memory_space<vmem_shared>> -> memref<65x128xf32, #tpu.memory_space<vmem_shared>>
      %dma_start3A_110 = arith.constant 0 : i32
      %dma_start3A_111 = arith.constant 0 : i32
      %dma_start3A_112 = tpu.memref_slice %arg11[%dma_start3A_110, %dma_start3A_111] : memref<80x128xf32, #tpu.memory_space<vmem>> -> memref<65x128xf32, #tpu.memory_space<vmem>>
      tpu.enqueue_dma source(%dma_start3A_112 : memref<65x128xf32, #tpu.memory_space<vmem>>) target(%dma_start3A_109 : memref<65x128xf32, #tpu.memory_space<vmem_shared>>) target_semaphore(%run_scoped3A : memref<!tpu.dma_semaphore, #tpu.memory_space<semaphore_mem>>)
      %dma_wait3A_113 = arith.constant 0 : i32
      %dma_wait3A_114 = arith.constant 0 : i32
      %dma_wait3A_115 = tpu.memref_slice %arg11[%dma_wait3A_113, %dma_wait3A_114] : memref<80x128xf32, #tpu.memory_space<vmem>> -> memref<65x128xf32, #tpu.memory_space<vmem>>
      %dma_wait3A_116 = arith.constant 0 : i32
      %dma_wait3A_117 = tpu.memref_slice %arg6[%add3A_25, %dma_wait3A_116] : memref<10000x128xf32, #tpu.memory_space<vmem_shared>> -> memref<65x128xf32, #tpu.memory_space<vmem_shared>>
      %dma_wait3A_118 = arith.constant 0 : i32
      %dma_wait3A_119 = tpu.memref_slice %arg6[%add3A_25, %dma_wait3A_118] : memref<10000x128xf32, #tpu.memory_space<vmem_shared>> -> memref<65x128xf32, #tpu.memory_space<vmem_shared>>
      %dma_wait3A_120 = arith.constant 0 : i32
      %dma_wait3A_121 = arith.constant 0 : i32
      %dma_wait3A_122 = tpu.memref_slice %arg11[%dma_wait3A_120, %dma_wait3A_121] : memref<80x128xf32, #tpu.memory_space<vmem>> -> memref<65x128xf32, #tpu.memory_space<vmem>>
      tpu.wait_dma2 semaphore(%run_scoped3A : memref<!tpu.dma_semaphore, #tpu.memory_space<semaphore_mem>>) src(%dma_wait3A_122 : memref<65x128xf32, #tpu.memory_space<vmem>>) dst(%dma_wait3A_119 : memref<65x128xf32, #tpu.memory_space<vmem_shared>>)
      tpu.yield
    }) : () -> ()
    %barrier3A = arith.constant 0 : index
    tpu.barrier barrier_id(%barrier3A)
    %add3A_26 = arith.constant 0 : i32
    %add3A_27 = arith.addi %add3A, %add3A_26 : i32
    %mul3A_28 = arith.constant 80 : i32
    %mul3A_29 = arith.muli %add3A_27, %mul3A_28 : i32
    %dma_start3A = arith.constant 0 : i32
    %dma_start3A_30 = tpu.memref_slice %arg3[%dma_start3A, %mul3A_29] : memref<2x320000xi32, #tpu.memory_space<hbm>> -> memref<2x80xi32, #tpu.memory_space<hbm>>
    %dma_start3A_31 = arith.constant 0 : i32
    %dma_start3A_32 = tpu.memref_slice %arg3[%dma_start3A_31, %mul3A_29] : memref<2x320000xi32, #tpu.memory_space<hbm>> -> memref<2x80xi32, #tpu.memory_space<hbm>>
    tpu.enqueue_dma source(%dma_start3A_32 : memref<2x80xi32, #tpu.memory_space<hbm>>) target(%arg7 : memref<2x80xi32, #tpu.memory_space<vmem>>) target_semaphore(%arg13 : memref<!tpu.dma_semaphore, #tpu.memory_space<semaphore_mem>>)
    %mul3A_33 = arith.constant 80 : i32
    %mul3A_34 = arith.muli %add3A_27, %mul3A_33 : i32
    %dma_start3A_35 = arith.constant 0 : i32
    %dma_start3A_36 = tpu.memref_slice %arg4[%mul3A_34, %dma_start3A_35] : memref<320000x128xf32, #tpu.memory_space<hbm>> -> memref<80x128xf32, #tpu.memory_space<hbm>>
    %dma_start3A_37 = arith.constant 0 : i32
    %dma_start3A_38 = tpu.memref_slice %arg4[%mul3A_34, %dma_start3A_37] : memref<320000x128xf32, #tpu.memory_space<hbm>> -> memref<80x128xf32, #tpu.memory_space<hbm>>
    tpu.enqueue_dma source(%dma_start3A_38 : memref<80x128xf32, #tpu.memory_space<hbm>>) target(%arg9 : memref<80x128xf32, #tpu.memory_space<vmem>>) target_semaphore(%arg15 : memref<!tpu.dma_semaphore, #tpu.memory_space<semaphore_mem>>)
    %add3A_39 = arith.constant 1 : i32
    %add3A_40 = arith.addi %add3A, %add3A_39 : i32
    %mul3A_41 = arith.constant 80 : i32
    %mul3A_42 = arith.muli %add3A_40, %mul3A_41 : i32
    %dma_start3A_43 = arith.constant 0 : i32
    %dma_start3A_44 = tpu.memref_slice %arg3[%dma_start3A_43, %mul3A_42] : memref<2x320000xi32, #tpu.memory_space<hbm>> -> memref<2x80xi32, #tpu.memory_space<hbm>>
    %dma_start3A_45 = arith.constant 0 : i32
    %dma_start3A_46 = tpu.memref_slice %arg3[%dma_start3A_45, %mul3A_42] : memref<2x320000xi32, #tpu.memory_space<hbm>> -> memref<2x80xi32, #tpu.memory_space<hbm>>
    tpu.enqueue_dma source(%dma_start3A_46 : memref<2x80xi32, #tpu.memory_space<hbm>>) target(%arg8 : memref<2x80xi32, #tpu.memory_space<vmem>>) target_semaphore(%arg14 : memref<!tpu.dma_semaphore, #tpu.memory_space<semaphore_mem>>)
    %mul3A_47 = arith.constant 80 : i32
    %mul3A_48 = arith.muli %add3A_40, %mul3A_47 : i32
    %dma_start3A_49 = arith.constant 0 : i32
    %dma_start3A_50 = tpu.memref_slice %arg4[%mul3A_48, %dma_start3A_49] : memref<320000x128xf32, #tpu.memory_space<hbm>> -> memref<80x128xf32, #tpu.memory_space<hbm>>
    %dma_start3A_51 = arith.constant 0 : i32
    %dma_start3A_52 = tpu.memref_slice %arg4[%mul3A_48, %dma_start3A_51] : memref<320000x128xf32, #tpu.memory_space<hbm>> -> memref<80x128xf32, #tpu.memory_space<hbm>>
    tpu.enqueue_dma source(%dma_start3A_52 : memref<80x128xf32, #tpu.memory_space<hbm>>) target(%arg10 : memref<80x128xf32, #tpu.memory_space<vmem>>) target_semaphore(%arg16 : memref<!tpu.dma_semaphore, #tpu.memory_space<semaphore_mem>>)
    %add3A_53 = arith.constant 0 : i32
    %add3A_54 = arith.addi %add3A, %add3A_53 : i32
    %mul3A_55 = arith.constant 80 : i32
    %mul3A_56 = arith.muli %add3A_54, %mul3A_55 : i32
    %dma_wait3A = arith.constant 0 : i32
    %dma_wait3A_57 = tpu.memref_slice %arg3[%dma_wait3A, %mul3A_56] : memref<2x320000xi32, #tpu.memory_space<hbm>> -> memref<2x80xi32, #tpu.memory_space<hbm>>
    %dma_wait3A_58 = arith.constant 0 : i32
    %dma_wait3A_59 = tpu.memref_slice %arg3[%dma_wait3A_58, %mul3A_56] : memref<2x320000xi32, #tpu.memory_space<hbm>> -> memref<2x80xi32, #tpu.memory_space<hbm>>
    tpu.wait_dma2 semaphore(%arg13 : memref<!tpu.dma_semaphore, #tpu.memory_space<semaphore_mem>>) src(%dma_wait3A_59 : memref<2x80xi32, #tpu.memory_space<hbm>>) dst(%arg7 : memref<2x80xi32, #tpu.memory_space<vmem>>)
    %dma_start3A_60 = arith.constant 0 : i32
    %dma_start3A_61 = arith.constant 0 : i32
    %dma_start3A_62 = tpu.memref_slice %arg7[%dma_start3A_60, %dma_start3A_61] : memref<2x80xi32, #tpu.memory_space<vmem>> -> memref<1x80xi32, #tpu.memory_space<vmem>>
    %dma_start3A_63 = tpu.memref_squeeze %dma_start3A_62 : memref<1x80xi32, #tpu.memory_space<vmem>> -> memref<80xi32, #tpu.memory_space<vmem>>
    %dma_start3A_64 = arith.constant 0 : i32
    %dma_start3A_65 = arith.constant 0 : i32
    %dma_start3A_66 = tpu.memref_slice %arg2[%dma_start3A_64, %dma_start3A_65] : memref<10000x128xf32, #tpu.memory_space<hbm>> -> memref<10000x128xf32, #tpu.memory_space<hbm>>
    tpu.enqueue_indirect_dma source(%dma_start3A_66 : memref<10000x128xf32, #tpu.memory_space<hbm>>) target(%arg11 : memref<80x128xf32, #tpu.memory_space<vmem>>) offsets(%dma_start3A_63 : memref<80xi32, #tpu.memory_space<vmem>>) semaphore(%arg17 : memref<!tpu.dma_semaphore, #tpu.memory_space<semaphore_mem>>)
    %scan3A_67 = arith.constant 0 : i32
    %scan3A_68 = arith.constant 0 : i32
    %scan3A_69 = arith.constant 62 : i32
    %scan3A_70 = arith.addi %scan3A_68, %scan3A_69 : i32
    %scan3A_71 = arith.constant 1 : i32
    scf.for %scan3A_103 = %scan3A_68 to %scan3A_70 step %scan3A_71  : i32 {
      %mul3A_104 = arith.constant 2 : i32
      %mul3A_105 = arith.muli %scan3A_103, %mul3A_104 : i32
      %add3A_106 = arith.constant 0 : i32
      %add3A_107 = arith.addi %mul3A_105, %add3A_106 : i32
      %add3A_108 = arith.constant 1 : i32
      %add3A_109 = arith.addi %add3A_107, %add3A_108 : i32
      %lt3A = arith.constant 125 : i32
      %lt3A_110 = arith.cmpi slt, %add3A_109, %lt3A : i32
      %convert_element_type3A = arith.extui %lt3A_110 : i1 to i32
      %cond3A = arith.constant 0 : i32
      %cond3A_111 = arith.cmpi ne, %convert_element_type3A, %cond3A : i32
      scf.if %cond3A_111 {
        %add3A_193 = arith.constant 1 : i32
        %add3A_194 = arith.addi %add3A_107, %add3A_193 : i32
        %add3A_195 = arith.addi %add3A, %add3A_194 : i32
        %mul3A_196 = arith.constant 80 : i32
        %mul3A_197 = arith.muli %add3A_195, %mul3A_196 : i32
        %dma_wait3A_198 = arith.constant 0 : i32
        %dma_wait3A_199 = tpu.memref_slice %arg3[%dma_wait3A_198, %mul3A_197] : memref<2x320000xi32, #tpu.memory_space<hbm>> -> memref<2x80xi32, #tpu.memory_space<hbm>>
        %dma_wait3A_200 = arith.constant 0 : i32
        %dma_wait3A_201 = tpu.memref_slice %arg3[%dma_wait3A_200, %mul3A_197] : memref<2x320000xi32, #tpu.memory_space<hbm>> -> memref<2x80xi32, #tpu.memory_space<hbm>>
        tpu.wait_dma2 semaphore(%arg14 : memref<!tpu.dma_semaphore, #tpu.memory_space<semaphore_mem>>) src(%dma_wait3A_201 : memref<2x80xi32, #tpu.memory_space<hbm>>) dst(%arg8 : memref<2x80xi32, #tpu.memory_space<vmem>>)
        %dma_start3A_202 = arith.constant 0 : i32
        %dma_start3A_203 = arith.constant 0 : i32
        %dma_start3A_204 = tpu.memref_slice %arg8[%dma_start3A_202, %dma_start3A_203] : memref<2x80xi32, #tpu.memory_space<vmem>> -> memref<1x80xi32, #tpu.memory_space<vmem>>
        %dma_start3A_205 = tpu.memref_squeeze %dma_start3A_204 : memref<1x80xi32, #tpu.memory_space<vmem>> -> memref<80xi32, #tpu.memory_space<vmem>>
        %dma_start3A_206 = arith.constant 0 : i32
        %dma_start3A_207 = arith.constant 0 : i32
        %dma_start3A_208 = tpu.memref_slice %arg2[%dma_start3A_206, %dma_start3A_207] : memref<10000x128xf32, #tpu.memory_space<hbm>> -> memref<10000x128xf32, #tpu.memory_space<hbm>>
        tpu.enqueue_indirect_dma source(%dma_start3A_208 : memref<10000x128xf32, #tpu.memory_space<hbm>>) target(%arg12 : memref<80x128xf32, #tpu.memory_space<vmem>>) offsets(%dma_start3A_205 : memref<80xi32, #tpu.memory_space<vmem>>) semaphore(%arg18 : memref<!tpu.dma_semaphore, #tpu.memory_space<semaphore_mem>>)
      } else {
      }
      %add3A_112 = arith.addi %add3A, %add3A_107 : i32
      %mul3A_113 = arith.constant 80 : i32
      %mul3A_114 = arith.muli %add3A_112, %mul3A_113 : i32
      %dma_wait3A_115 = arith.constant 0 : i32
      %dma_wait3A_116 = tpu.memref_slice %arg4[%mul3A_114, %dma_wait3A_115] : memref<320000x128xf32, #tpu.memory_space<hbm>> -> memref<80x128xf32, #tpu.memory_space<hbm>>
      %dma_wait3A_117 = arith.constant 0 : i32
      %dma_wait3A_118 = tpu.memref_slice %arg4[%mul3A_114, %dma_wait3A_117] : memref<320000x128xf32, #tpu.memory_space<hbm>> -> memref<80x128xf32, #tpu.memory_space<hbm>>
      tpu.wait_dma2 semaphore(%arg15 : memref<!tpu.dma_semaphore, #tpu.memory_space<semaphore_mem>>) src(%dma_wait3A_118 : memref<80x128xf32, #tpu.memory_space<hbm>>) dst(%arg9 : memref<80x128xf32, #tpu.memory_space<vmem>>)
      %dma_wait3A_119 = arith.constant 0 : i32
      %dma_wait3A_120 = arith.constant 0 : i32
      %dma_wait3A_121 = tpu.memref_slice %arg7[%dma_wait3A_119, %dma_wait3A_120] : memref<2x80xi32, #tpu.memory_space<vmem>> -> memref<1x80xi32, #tpu.memory_space<vmem>>
      %dma_wait3A_122 = tpu.memref_squeeze %dma_wait3A_121 : memref<1x80xi32, #tpu.memory_space<vmem>> -> memref<80xi32, #tpu.memory_space<vmem>>
      %dma_wait3A_123 = arith.constant 0 : i32
      %dma_wait3A_124 = arith.constant 0 : i32
      %dma_wait3A_125 = tpu.memref_slice %arg2[%dma_wait3A_123, %dma_wait3A_124] : memref<10000x128xf32, #tpu.memory_space<hbm>> -> memref<10000x128xf32, #tpu.memory_space<hbm>>
      tpu.wait_indirect_dma semaphore(%arg17 : memref<!tpu.dma_semaphore, #tpu.memory_space<semaphore_mem>>) src(%dma_wait3A_125 : memref<10000x128xf32, #tpu.memory_space<hbm>>) dst(%arg11 : memref<80x128xf32, #tpu.memory_space<vmem>>)
      %dma_start3A_126 = arith.constant 1 : i32
      %dma_start3A_127 = arith.constant 0 : i32
      %dma_start3A_128 = tpu.memref_slice %arg7[%dma_start3A_126, %dma_start3A_127] : memref<2x80xi32, #tpu.memory_space<vmem>> -> memref<1x80xi32, #tpu.memory_space<vmem>>
      %dma_start3A_129 = tpu.memref_squeeze %dma_start3A_128 : memref<1x80xi32, #tpu.memory_space<vmem>> -> memref<80xi32, #tpu.memory_space<vmem>>
      %dma_start3A_130 = arith.constant 0 : i32
      %dma_start3A_131 = arith.constant 0 : i32
      %dma_start3A_132 = tpu.memref_slice %arg6[%dma_start3A_130, %dma_start3A_131] : memref<10000x128xf32, #tpu.memory_space<vmem_shared>> -> memref<10000x128xf32, #tpu.memory_space<vmem_shared>>
      tpu.enqueue_indirect_dma source(%arg11 : memref<80x128xf32, #tpu.memory_space<vmem>>) target(%dma_start3A_132 : memref<10000x128xf32, #tpu.memory_space<vmem_shared>>) offsets(%dma_start3A_129 : memref<80xi32, #tpu.memory_space<vmem>>) semaphore(%arg19 : memref<!tpu.dma_semaphore, #tpu.memory_space<semaphore_mem>>) {add = true}
      %dma_wait3A_133 = arith.constant 1 : i32
      %dma_wait3A_134 = arith.constant 0 : i32
      %dma_wait3A_135 = tpu.memref_slice %arg7[%dma_wait3A_133, %dma_wait3A_134] : memref<2x80xi32, #tpu.memory_space<vmem>> -> memref<1x80xi32, #tpu.memory_space<vmem>>
      %dma_wait3A_136 = tpu.memref_squeeze %dma_wait3A_135 : memref<1x80xi32, #tpu.memory_space<vmem>> -> memref<80xi32, #tpu.memory_space<vmem>>
      %dma_wait3A_137 = arith.constant 0 : i32
      %dma_wait3A_138 = arith.constant 0 : i32
      %dma_wait3A_139 = tpu.memref_slice %arg6[%dma_wait3A_137, %dma_wait3A_138] : memref<10000x128xf32, #tpu.memory_space<vmem_shared>> -> memref<10000x128xf32, #tpu.memory_space<vmem_shared>>
      tpu.wait_indirect_dma semaphore(%arg19 : memref<!tpu.dma_semaphore, #tpu.memory_space<semaphore_mem>>) src(%arg11 : memref<80x128xf32, #tpu.memory_space<vmem>>) dst(%dma_wait3A_139 : memref<10000x128xf32, #tpu.memory_space<vmem_shared>>)
      %add3A_140 = arith.constant 2 : i32
      %add3A_141 = arith.addi %add3A_107, %add3A_140 : i32
      %lt3A_142 = arith.constant 125 : i32
      %lt3A_143 = arith.cmpi slt, %add3A_141, %lt3A_142 : i32
      %convert_element_type3A_144 = arith.extui %lt3A_143 : i1 to i32
      %cond3A_145 = arith.constant 0 : i32
      %cond3A_146 = arith.cmpi ne, %convert_element_type3A_144, %cond3A_145 : i32
      scf.if %cond3A_146 {
        %add3A_193 = arith.constant 2 : i32
        %add3A_194 = arith.addi %add3A_107, %add3A_193 : i32
        %add3A_195 = arith.addi %add3A, %add3A_194 : i32
        %mul3A_196 = arith.constant 80 : i32
        %mul3A_197 = arith.muli %add3A_195, %mul3A_196 : i32
        %dma_start3A_198 = arith.constant 0 : i32
        %dma_start3A_199 = tpu.memref_slice %arg3[%dma_start3A_198, %mul3A_197] : memref<2x320000xi32, #tpu.memory_space<hbm>> -> memref<2x80xi32, #tpu.memory_space<hbm>>
        %dma_start3A_200 = arith.constant 0 : i32
        %dma_start3A_201 = tpu.memref_slice %arg3[%dma_start3A_200, %mul3A_197] : memref<2x320000xi32, #tpu.memory_space<hbm>> -> memref<2x80xi32, #tpu.memory_space<hbm>>
        tpu.enqueue_dma source(%dma_start3A_201 : memref<2x80xi32, #tpu.memory_space<hbm>>) target(%arg7 : memref<2x80xi32, #tpu.memory_space<vmem>>) target_semaphore(%arg13 : memref<!tpu.dma_semaphore, #tpu.memory_space<semaphore_mem>>)
        %mul3A_202 = arith.constant 80 : i32
        %mul3A_203 = arith.muli %add3A_195, %mul3A_202 : i32
        %dma_start3A_204 = arith.constant 0 : i32
        %dma_start3A_205 = tpu.memref_slice %arg4[%mul3A_203, %dma_start3A_204] : memref<320000x128xf32, #tpu.memory_space<hbm>> -> memref<80x128xf32, #tpu.memory_space<hbm>>
        %dma_start3A_206 = arith.constant 0 : i32
        %dma_start3A_207 = tpu.memref_slice %arg4[%mul3A_203, %dma_start3A_206] : memref<320000x128xf32, #tpu.memory_space<hbm>> -> memref<80x128xf32, #tpu.memory_space<hbm>>
        tpu.enqueue_dma source(%dma_start3A_207 : memref<80x128xf32, #tpu.memory_space<hbm>>) target(%arg9 : memref<80x128xf32, #tpu.memory_space<vmem>>) target_semaphore(%arg15 : memref<!tpu.dma_semaphore, #tpu.memory_space<semaphore_mem>>)
      } else {
      }
      %mul3A_147 = arith.constant 2 : i32
      %mul3A_148 = arith.muli %scan3A_103, %mul3A_147 : i32
      %add3A_149 = arith.constant 1 : i32
      %add3A_150 = arith.addi %mul3A_148, %add3A_149 : i32
      %add3A_151 = arith.constant 1 : i32
      %add3A_152 = arith.addi %add3A_150, %add3A_151 : i32
      %lt3A_153 = arith.constant 125 : i32
      %lt3A_154 = arith.cmpi slt, %add3A_152, %lt3A_153 : i32
      %convert_element_type3A_155 = arith.extui %lt3A_154 : i1 to i32
      %cond3A_156 = arith.constant 0 : i32
      %cond3A_157 = arith.cmpi ne, %convert_element_type3A_155, %cond3A_156 : i32
      scf.if %cond3A_157 {
        %add3A_193 = arith.constant 1 : i32
        %add3A_194 = arith.addi %add3A_150, %add3A_193 : i32
        %add3A_195 = arith.addi %add3A, %add3A_194 : i32
        %mul3A_196 = arith.constant 80 : i32
        %mul3A_197 = arith.muli %add3A_195, %mul3A_196 : i32
        %dma_wait3A_198 = arith.constant 0 : i32
        %dma_wait3A_199 = tpu.memref_slice %arg3[%dma_wait3A_198, %mul3A_197] : memref<2x320000xi32, #tpu.memory_space<hbm>> -> memref<2x80xi32, #tpu.memory_space<hbm>>
        %dma_wait3A_200 = arith.constant 0 : i32
        %dma_wait3A_201 = tpu.memref_slice %arg3[%dma_wait3A_200, %mul3A_197] : memref<2x320000xi32, #tpu.memory_space<hbm>> -> memref<2x80xi32, #tpu.memory_space<hbm>>
        tpu.wait_dma2 semaphore(%arg13 : memref<!tpu.dma_semaphore, #tpu.memory_space<semaphore_mem>>) src(%dma_wait3A_201 : memref<2x80xi32, #tpu.memory_space<hbm>>) dst(%arg7 : memref<2x80xi32, #tpu.memory_space<vmem>>)
        %dma_start3A_202 = arith.constant 0 : i32
        %dma_start3A_203 = arith.constant 0 : i32
        %dma_start3A_204 = tpu.memref_slice %arg7[%dma_start3A_202, %dma_start3A_203] : memref<2x80xi32, #tpu.memory_space<vmem>> -> memref<1x80xi32, #tpu.memory_space<vmem>>
        %dma_start3A_205 = tpu.memref_squeeze %dma_start3A_204 : memref<1x80xi32, #tpu.memory_space<vmem>> -> memref<80xi32, #tpu.memory_space<vmem>>
        %dma_start3A_206 = arith.constant 0 : i32
        %dma_start3A_207 = arith.constant 0 : i32
        %dma_start3A_208 = tpu.memref_slice %arg2[%dma_start3A_206, %dma_start3A_207] : memref<10000x128xf32, #tpu.memory_space<hbm>> -> memref<10000x128xf32, #tpu.memory_space<hbm>>
        tpu.enqueue_indirect_dma source(%dma_start3A_208 : memref<10000x128xf32, #tpu.memory_space<hbm>>) target(%arg11 : memref<80x128xf32, #tpu.memory_space<vmem>>) offsets(%dma_start3A_205 : memref<80xi32, #tpu.memory_space<vmem>>) semaphore(%arg17 : memref<!tpu.dma_semaphore, #tpu.memory_space<semaphore_mem>>)
      } else {
      }
      %add3A_158 = arith.addi %add3A, %add3A_150 : i32
      %mul3A_159 = arith.constant 80 : i32
      %mul3A_160 = arith.muli %add3A_158, %mul3A_159 : i32
      %dma_wait3A_161 = arith.constant 0 : i32
      %dma_wait3A_162 = tpu.memref_slice %arg4[%mul3A_160, %dma_wait3A_161] : memref<320000x128xf32, #tpu.memory_space<hbm>> -> memref<80x128xf32, #tpu.memory_space<hbm>>
      %dma_wait3A_163 = arith.constant 0 : i32
      %dma_wait3A_164 = tpu.memref_slice %arg4[%mul3A_160, %dma_wait3A_163] : memref<320000x128xf32, #tpu.memory_space<hbm>> -> memref<80x128xf32, #tpu.memory_space<hbm>>
      tpu.wait_dma2 semaphore(%arg16 : memref<!tpu.dma_semaphore, #tpu.memory_space<semaphore_mem>>) src(%dma_wait3A_164 : memref<80x128xf32, #tpu.memory_space<hbm>>) dst(%arg10 : memref<80x128xf32, #tpu.memory_space<vmem>>)
      %dma_wait3A_165 = arith.constant 0 : i32
      %dma_wait3A_166 = arith.constant 0 : i32
      %dma_wait3A_167 = tpu.memref_slice %arg8[%dma_wait3A_165, %dma_wait3A_166] : memref<2x80xi32, #tpu.memory_space<vmem>> -> memref<1x80xi32, #tpu.memory_space<vmem>>
      %dma_wait3A_168 = tpu.memref_squeeze %dma_wait3A_167 : memref<1x80xi32, #tpu.memory_space<vmem>> -> memref<80xi32, #tpu.memory_space<vmem>>
      %dma_wait3A_169 = arith.constant 0 : i32
      %dma_wait3A_170 = arith.constant 0 : i32
      %dma_wait3A_171 = tpu.memref_slice %arg2[%dma_wait3A_169, %dma_wait3A_170] : memref<10000x128xf32, #tpu.memory_space<hbm>> -> memref<10000x128xf32, #tpu.memory_space<hbm>>
      tpu.wait_indirect_dma semaphore(%arg18 : memref<!tpu.dma_semaphore, #tpu.memory_space<semaphore_mem>>) src(%dma_wait3A_171 : memref<10000x128xf32, #tpu.memory_space<hbm>>) dst(%arg12 : memref<80x128xf32, #tpu.memory_space<vmem>>)
      %dma_start3A_172 = arith.constant 1 : i32
      %dma_start3A_173 = arith.constant 0 : i32
      %dma_start3A_174 = tpu.memref_slice %arg8[%dma_start3A_172, %dma_start3A_173] : memref<2x80xi32, #tpu.memory_space<vmem>> -> memref<1x80xi32, #tpu.memory_space<vmem>>
      %dma_start3A_175 = tpu.memref_squeeze %dma_start3A_174 : memref<1x80xi32, #tpu.memory_space<vmem>> -> memref<80xi32, #tpu.memory_space<vmem>>
      %dma_start3A_176 = arith.constant 0 : i32
      %dma_start3A_177 = arith.constant 0 : i32
      %dma_start3A_178 = tpu.memref_slice %arg6[%dma_start3A_176, %dma_start3A_177] : memref<10000x128xf32, #tpu.memory_space<vmem_shared>> -> memref<10000x128xf32, #tpu.memory_space<vmem_shared>>
      tpu.enqueue_indirect_dma source(%arg12 : memref<80x128xf32, #tpu.memory_space<vmem>>) target(%dma_start3A_178 : memref<10000x128xf32, #tpu.memory_space<vmem_shared>>) offsets(%dma_start3A_175 : memref<80xi32, #tpu.memory_space<vmem>>) semaphore(%arg20 : memref<!tpu.dma_semaphore, #tpu.memory_space<semaphore_mem>>) {add = true}
      %dma_wait3A_179 = arith.constant 1 : i32
      %dma_wait3A_180 = arith.constant 0 : i32
      %dma_wait3A_181 = tpu.memref_slice %arg8[%dma_wait3A_179, %dma_wait3A_180] : memref<2x80xi32, #tpu.memory_space<vmem>> -> memref<1x80xi32, #tpu.memory_space<vmem>>
      %dma_wait3A_182 = tpu.memref_squeeze %dma_wait3A_181 : memref<1x80xi32, #tpu.memory_space<vmem>> -> memref<80xi32, #tpu.memory_space<vmem>>
      %dma_wait3A_183 = arith.constant 0 : i32
      %dma_wait3A_184 = arith.constant 0 : i32
      %dma_wait3A_185 = tpu.memref_slice %arg6[%dma_wait3A_183, %dma_wait3A_184] : memref<10000x128xf32, #tpu.memory_space<vmem_shared>> -> memref<10000x128xf32, #tpu.memory_space<vmem_shared>>
      tpu.wait_indirect_dma semaphore(%arg20 : memref<!tpu.dma_semaphore, #tpu.memory_space<semaphore_mem>>) src(%arg12 : memref<80x128xf32, #tpu.memory_space<vmem>>) dst(%dma_wait3A_185 : memref<10000x128xf32, #tpu.memory_space<vmem_shared>>)
      %add3A_186 = arith.constant 2 : i32
      %add3A_187 = arith.addi %add3A_150, %add3A_186 : i32
      %lt3A_188 = arith.constant 125 : i32
      %lt3A_189 = arith.cmpi slt, %add3A_187, %lt3A_188 : i32
      %convert_element_type3A_190 = arith.extui %lt3A_189 : i1 to i32
      %cond3A_191 = arith.constant 0 : i32
      %cond3A_192 = arith.cmpi ne, %convert_element_type3A_190, %cond3A_191 : i32
      scf.if %cond3A_192 {
        %add3A_193 = arith.constant 2 : i32
        %add3A_194 = arith.addi %add3A_150, %add3A_193 : i32
        %add3A_195 = arith.addi %add3A, %add3A_194 : i32
        %mul3A_196 = arith.constant 80 : i32
        %mul3A_197 = arith.muli %add3A_195, %mul3A_196 : i32
        %dma_start3A_198 = arith.constant 0 : i32
        %dma_start3A_199 = tpu.memref_slice %arg3[%dma_start3A_198, %mul3A_197] : memref<2x320000xi32, #tpu.memory_space<hbm>> -> memref<2x80xi32, #tpu.memory_space<hbm>>
        %dma_start3A_200 = arith.constant 0 : i32
        %dma_start3A_201 = tpu.memref_slice %arg3[%dma_start3A_200, %mul3A_197] : memref<2x320000xi32, #tpu.memory_space<hbm>> -> memref<2x80xi32, #tpu.memory_space<hbm>>
        tpu.enqueue_dma source(%dma_start3A_201 : memref<2x80xi32, #tpu.memory_space<hbm>>) target(%arg8 : memref<2x80xi32, #tpu.memory_space<vmem>>) target_semaphore(%arg14 : memref<!tpu.dma_semaphore, #tpu.memory_space<semaphore_mem>>)
        %mul3A_202 = arith.constant 80 : i32
        %mul3A_203 = arith.muli %add3A_195, %mul3A_202 : i32
        %dma_start3A_204 = arith.constant 0 : i32
        %dma_start3A_205 = tpu.memref_slice %arg4[%mul3A_203, %dma_start3A_204] : memref<320000x128xf32, #tpu.memory_space<hbm>> -> memref<80x128xf32, #tpu.memory_space<hbm>>
        %dma_start3A_206 = arith.constant 0 : i32
        %dma_start3A_207 = tpu.memref_slice %arg4[%mul3A_203, %dma_start3A_206] : memref<320000x128xf32, #tpu.memory_space<hbm>> -> memref<80x128xf32, #tpu.memory_space<hbm>>
        tpu.enqueue_dma source(%dma_start3A_207 : memref<80x128xf32, #tpu.memory_space<hbm>>) target(%arg10 : memref<80x128xf32, #tpu.memory_space<vmem>>) target_semaphore(%arg16 : memref<!tpu.dma_semaphore, #tpu.memory_space<semaphore_mem>>)
      } else {
      }
    }
    %scan3A_72 = arith.constant 62 : i32
    %add3A_73 = arith.constant 124 : i32
    %add3A_74 = arith.addi %add3A, %add3A_73 : i32
    %mul3A_75 = arith.constant 80 : i32
    %mul3A_76 = arith.muli %add3A_74, %mul3A_75 : i32
    %dma_wait3A_77 = arith.constant 0 : i32
    %dma_wait3A_78 = tpu.memref_slice %arg4[%mul3A_76, %dma_wait3A_77] : memref<320000x128xf32, #tpu.memory_space<hbm>> -> memref<80x128xf32, #tpu.memory_space<hbm>>
    %dma_wait3A_79 = arith.constant 0 : i32
    %dma_wait3A_80 = tpu.memref_slice %arg4[%mul3A_76, %dma_wait3A_79] : memref<320000x128xf32, #tpu.memory_space<hbm>> -> memref<80x128xf32, #tpu.memory_space<hbm>>
    tpu.wait_dma2 semaphore(%arg15 : memref<!tpu.dma_semaphore, #tpu.memory_space<semaphore_mem>>) src(%dma_wait3A_80 : memref<80x128xf32, #tpu.memory_space<hbm>>) dst(%arg9 : memref<80x128xf32, #tpu.memory_space<vmem>>)
    %dma_wait3A_81 = arith.constant 0 : i32
    %dma_wait3A_82 = arith.constant 0 : i32
    %dma_wait3A_83 = tpu.memref_slice %arg7[%dma_wait3A_81, %dma_wait3A_82] : memref<2x80xi32, #tpu.memory_space<vmem>> -> memref<1x80xi32, #tpu.memory_space<vmem>>
    %dma_wait3A_84 = tpu.memref_squeeze %dma_wait3A_83 : memref<1x80xi32, #tpu.memory_space<vmem>> -> memref<80xi32, #tpu.memory_space<vmem>>
    %dma_wait3A_85 = arith.constant 0 : i32
    %dma_wait3A_86 = arith.constant 0 : i32
    %dma_wait3A_87 = tpu.memref_slice %arg2[%dma_wait3A_85, %dma_wait3A_86] : memref<10000x128xf32, #tpu.memory_space<hbm>> -> memref<10000x128xf32, #tpu.memory_space<hbm>>
    tpu.wait_indirect_dma semaphore(%arg17 : memref<!tpu.dma_semaphore, #tpu.memory_space<semaphore_mem>>) src(%dma_wait3A_87 : memref<10000x128xf32, #tpu.memory_space<hbm>>) dst(%arg11 : memref<80x128xf32, #tpu.memory_space<vmem>>)
    %dma_start3A_88 = arith.constant 1 : i32
    %dma_start3A_89 = arith.constant 0 : i32
    %dma_start3A_90 = tpu.memref_slice %arg7[%dma_start3A_88, %dma_start3A_89] : memref<2x80xi32, #tpu.memory_space<vmem>> -> memref<1x80xi32, #tpu.memory_space<vmem>>
    %dma_start3A_91 = tpu.memref_squeeze %dma_start3A_90 : memref<1x80xi32, #tpu.memory_space<vmem>> -> memref<80xi32, #tpu.memory_space<vmem>>
    %dma_start3A_92 = arith.constant 0 : i32
    %dma_start3A_93 = arith.constant 0 : i32
    %dma_start3A_94 = tpu.memref_slice %arg6[%dma_start3A_92, %dma_start3A_93] : memref<10000x128xf32, #tpu.memory_space<vmem_shared>> -> memref<10000x128xf32, #tpu.memory_space<vmem_shared>>
    tpu.enqueue_indirect_dma source(%arg11 : memref<80x128xf32, #tpu.memory_space<vmem>>) target(%dma_start3A_94 : memref<10000x128xf32, #tpu.memory_space<vmem_shared>>) offsets(%dma_start3A_91 : memref<80xi32, #tpu.memory_space<vmem>>) semaphore(%arg19 : memref<!tpu.dma_semaphore, #tpu.memory_space<semaphore_mem>>) {add = true}
    %dma_wait3A_95 = arith.constant 1 : i32
    %dma_wait3A_96 = arith.constant 0 : i32
    %dma_wait3A_97 = tpu.memref_slice %arg7[%dma_wait3A_95, %dma_wait3A_96] : memref<2x80xi32, #tpu.memory_space<vmem>> -> memref<1x80xi32, #tpu.memory_space<vmem>>
    %dma_wait3A_98 = tpu.memref_squeeze %dma_wait3A_97 : memref<1x80xi32, #tpu.memory_space<vmem>> -> memref<80xi32, #tpu.memory_space<vmem>>
    %dma_wait3A_99 = arith.constant 0 : i32
    %dma_wait3A_100 = arith.constant 0 : i32
    %dma_wait3A_101 = tpu.memref_slice %arg6[%dma_wait3A_99, %dma_wait3A_100] : memref<10000x128xf32, #tpu.memory_space<vmem_shared>> -> memref<10000x128xf32, #tpu.memory_space<vmem_shared>>
    tpu.wait_indirect_dma semaphore(%arg19 : memref<!tpu.dma_semaphore, #tpu.memory_space<semaphore_mem>>) src(%arg11 : memref<80x128xf32, #tpu.memory_space<vmem>>) dst(%dma_wait3A_101 : memref<10000x128xf32, #tpu.memory_space<vmem_shared>>)
    %barrier3A_102 = arith.constant 0 : index
    tpu.barrier barrier_id(%barrier3A_102)
    "tpu.region"() ({
      %run_scoped3A = tpu.sem_alloc : memref<!tpu.dma_semaphore, #tpu.memory_space<semaphore_mem>>
      %dma_start3A_103 = arith.constant 0 : i32
      %dma_start3A_104 = tpu.memref_slice %arg5[%arg0, %mul3A_9, %dma_start3A_103] : memref<2x10000x128xf32, #tpu.memory_space<hbm>> -> memref<1x625x128xf32, #tpu.memory_space<hbm>>
      %dma_start3A_105 = tpu.memref_squeeze %dma_start3A_104 : memref<1x625x128xf32, #tpu.memory_space<hbm>> -> memref<625x128xf32, #tpu.memory_space<hbm>>
      %dma_start3A_106 = arith.constant 0 : i32
      %dma_start3A_107 = tpu.memref_slice %arg6[%mul3A_9, %dma_start3A_106] : memref<10000x128xf32, #tpu.memory_space<vmem_shared>> -> memref<625x128xf32, #tpu.memory_space<vmem_shared>>
      tpu.enqueue_dma source(%dma_start3A_107 : memref<625x128xf32, #tpu.memory_space<vmem_shared>>) target(%dma_start3A_105 : memref<625x128xf32, #tpu.memory_space<hbm>>) target_semaphore(%run_scoped3A : memref<!tpu.dma_semaphore, #tpu.memory_space<semaphore_mem>>)
      %dma_wait3A_108 = arith.constant 0 : i32
      %dma_wait3A_109 = tpu.memref_slice %arg5[%arg0, %mul3A_9, %dma_wait3A_108] : memref<2x10000x128xf32, #tpu.memory_space<hbm>> -> memref<1x625x128xf32, #tpu.memory_space<hbm>>
      %dma_wait3A_110 = tpu.memref_squeeze %dma_wait3A_109 : memref<1x625x128xf32, #tpu.memory_space<hbm>> -> memref<625x128xf32, #tpu.memory_space<hbm>>
      %dma_wait3A_111 = arith.constant 0 : i32
      %dma_wait3A_112 = tpu.memref_slice %arg6[%mul3A_9, %dma_wait3A_111] : memref<10000x128xf32, #tpu.memory_space<vmem_shared>> -> memref<625x128xf32, #tpu.memory_space<vmem_shared>>
      tpu.wait_dma2 semaphore(%run_scoped3A : memref<!tpu.dma_semaphore, #tpu.memory_space<semaphore_mem>>) src(%dma_wait3A_112 : memref<625x128xf32, #tpu.memory_space<vmem_shared>>) dst(%dma_wait3A_110 : memref<625x128xf32, #tpu.memory_space<hbm>>)
      tpu.yield
    }) : () -> ()
    return
  }
}

module attributes {stable_mosaic.version = 14 : i64} {
  func.func @body(%arg0: i32, %arg1: memref<1000x128xf32, #tpu.memory_space<vmem>>, %arg2: memref<2x1000x128xf32, #tpu.memory_space<vmem>>, %arg3: memref<128x128xf32, #tpu.memory_space<vmem>>, %arg4: memref<1x128xf32, #tpu.memory_space<vmem>>, %arg5: memref<1000x128xf32, #tpu.memory_space<vmem>>) attributes {dimension_semantics = [#tpu.dimension_semantics<arbitrary>], iteration_bounds = array<i64: 10>, scalar_prefetch = 0 : i64, scratch_operands = 0 : i64, tpu.core_type = #tpu.core_type<tc>, window_params = [{transform_indices = @transform_0, window_bounds = array<i64: 1000, 128>}, {transform_indices = @transform_1, window_bounds = array<i64: 2, 1000, 128>}, {pipeline_mode = #tpu.pipeline_mode<synchronous>, transform_indices = @transform_2, window_bounds = array<i64: 128, 128>}, {pipeline_mode = #tpu.pipeline_mode<synchronous>, transform_indices = @transform_3, window_bounds = array<i64: 1, 128>}, {transform_indices = @transform_4, window_bounds = array<i64: 1000, 128>}]} {
    %get3A = arith.constant 0 : index
    %get3A_0 = arith.constant 0 : index
    %get3A_1 = vector.load %arg1[%get3A, %get3A_0] : memref<1000x128xf32, #tpu.memory_space<vmem>>, vector<1000x128xf32>
    %get3A_2 = arith.constant 0 : index
    %get3A_3 = arith.constant 0 : index
    %get3A_4 = arith.constant 0 : index
    %get3A_5 = vector.load %arg2[%get3A_2, %get3A_3, %get3A_4] : memref<2x1000x128xf32, #tpu.memory_space<vmem>>, vector<1x1000x128xf32>
    %get3A_6 = vector.shape_cast %get3A_5 : vector<1x1000x128xf32> to vector<1000x128xf32>
    %add3A = arith.addf %get3A_1, %get3A_6 : vector<1000x128xf32>
    %get3A_7 = arith.constant 1 : index
    %get3A_8 = arith.constant 0 : index
    %get3A_9 = arith.constant 0 : index
    %get3A_10 = vector.load %arg2[%get3A_7, %get3A_8, %get3A_9] : memref<2x1000x128xf32, #tpu.memory_space<vmem>>, vector<1x1000x128xf32>
    %get3A_11 = vector.shape_cast %get3A_10 : vector<1x1000x128xf32> to vector<1000x128xf32>
    %add3A_12 = arith.addf %add3A, %get3A_11 : vector<1000x128xf32>
    %get3A_13 = arith.constant 0 : index
    %get3A_14 = arith.constant 0 : index
    %get3A_15 = vector.load %arg3[%get3A_13, %get3A_14] : memref<128x128xf32, #tpu.memory_space<vmem>>, vector<128x128xf32>
    %dot_general3A = arith.constant dense<0.000000e+00> : vector<1000x128xf32>
    %dot_general3A_16 = tpu.matmul %add3A_12, %get3A_15, %dot_general3A {dimension_numbers = #tpu.dot_dimension_numbers<[1], [0], [0], [1], [0, 0, 1, 1], [], []>, transpose_lhs_hint = false} : vector<1000x128xf32>, vector<128x128xf32>, vector<1000x128xf32> -> vector<1000x128xf32>
    %get3A_17 = arith.constant 0 : index
    %get3A_18 = arith.constant 0 : index
    %get3A_19 = vector.load %arg4[%get3A_17, %get3A_18] : memref<1x128xf32, #tpu.memory_space<vmem>>, vector<1x128xf32>
    %add3A_20 = vector.broadcast %get3A_19 : vector<1x128xf32> to vector<1000x128xf32>
    %add3A_21 = arith.addf %dot_general3A_16, %add3A_20 : vector<1000x128xf32>
    %max3A = arith.constant 0.000000e+00 : f32
    %max3A_22 = vector.broadcast %max3A : f32 to vector<1000x128xf32>
    %max3A_23 = arith.maximumf %add3A_21, %max3A_22 : vector<1000x128xf32>
    %swap3A = arith.constant 0 : index
    %swap3A_24 = arith.constant 0 : index
    %swap3A_25 = vector.load %arg5[%swap3A, %swap3A_24] : memref<1000x128xf32, #tpu.memory_space<vmem>>, vector<1000x128xf32>
    tpu.vector_store %arg5[%swap3A, %swap3A_24], %max3A_23 {strides = array<i32>} : memref<1000x128xf32, #tpu.memory_space<vmem>>, vector<1000x128xf32>,
    return
  }
  func.func @transform_0(%arg0: i32) -> (i32, i32) {
    %c0_i32 = arith.constant 0 : i32
    %c0_i32_0 = arith.constant 0 : i32
    return %arg0, %c0_i32 : i32, i32
  }
  func.func @transform_1(%arg0: i32) -> (i32, i32, i32) {
    %c0_i32 = arith.constant 0 : i32
    %c0_i32_0 = arith.constant 0 : i32
    %c0_i32_1 = arith.constant 0 : i32
    return %c0_i32, %arg0, %c0_i32_0 : i32, i32, i32
  }
  func.func @transform_2(%arg0: i32) -> (i32, i32) {
    %c0_i32 = arith.constant 0 : i32
    %c0_i32_0 = arith.constant 0 : i32
    %c0_i32_1 = arith.constant 0 : i32
    return %c0_i32, %c0_i32_0 : i32, i32
  }
  func.func @transform_3(%arg0: i32) -> (i32, i32) {
    %c0_i32 = arith.constant 0 : i32
    %c0_i32_0 = arith.constant 0 : i32
    %c0_i32_1 = arith.constant 0 : i32
    return %c0_i32, %c0_i32_0 : i32, i32
  }
  func.func @transform_4(%arg0: i32) -> (i32, i32) {
    %c0_i32 = arith.constant 0 : i32
    %c0_i32_0 = arith.constant 0 : i32
    return %arg0, %c0_i32 : i32, i32
  }
}

module attributes {stable_mosaic.version = 14 : i64} {
  func.func @body(%arg0: i32, %arg1: memref<16x3200xf32, #tpu.memory_space<vmem>>, %arg2: memref<16x128xf32, #tpu.memory_space<vmem>>, %arg3: memref<1x128xf32, #tpu.memory_space<vmem>>, %arg4: memref<3200x128xf32, #tpu.memory_space<vmem>>) attributes {dimension_semantics = [#tpu.dimension_semantics<arbitrary>], iteration_bounds = array<i64: 100>, scalar_prefetch = 0 : i64, scratch_operands = 0 : i64, tpu.core_type = #tpu.core_type<tc>, window_params = [{transform_indices = @transform_0, window_bounds = array<i64: 16, 3200>}, {pipeline_mode = #tpu.pipeline_mode<synchronous>, transform_indices = @transform_1, window_bounds = array<i64: 16, 128>}, {pipeline_mode = #tpu.pipeline_mode<synchronous>, transform_indices = @transform_2, window_bounds = array<i64: 1, 128>}, {transform_indices = @transform_3, window_bounds = array<i64: 3200, 128>}]} {
    %get3A = arith.constant 0 : index
    %get3A_0 = arith.constant 0 : index
    %get3A_1 = vector.load %arg1[%get3A, %get3A_0] : memref<16x3200xf32, #tpu.memory_space<vmem>>, vector<16x3200xf32>
    %get3A_2 = arith.constant 0 : index
    %get3A_3 = arith.constant 0 : index
    %get3A_4 = vector.load %arg2[%get3A_2, %get3A_3] : memref<16x128xf32, #tpu.memory_space<vmem>>, vector<16x128xf32>
    %dot_general3A = arith.constant dense<0.000000e+00> : vector<3200x128xf32>
    %dot_general3A_5 = tpu.matmul %get3A_1, %get3A_4, %dot_general3A {dimension_numbers = #tpu.dot_dimension_numbers<[0], [0], [1], [1], [0, 1, 1, 1], [], []>, transpose_lhs_hint = false} : vector<16x3200xf32>, vector<16x128xf32>, vector<3200x128xf32> -> vector<3200x128xf32>
    %get3A_6 = arith.constant 0 : index
    %get3A_7 = arith.constant 0 : index
    %get3A_8 = vector.load %arg3[%get3A_6, %get3A_7] : memref<1x128xf32, #tpu.memory_space<vmem>>, vector<1x128xf32>
    %add3A = vector.broadcast %get3A_8 : vector<1x128xf32> to vector<3200x128xf32>
    %add3A_9 = arith.addf %dot_general3A_5, %add3A : vector<3200x128xf32>
    %swap3A = arith.constant 0 : index
    %swap3A_10 = arith.constant 0 : index
    %swap3A_11 = vector.load %arg4[%swap3A, %swap3A_10] : memref<3200x128xf32, #tpu.memory_space<vmem>>, vector<3200x128xf32>
    tpu.vector_store %arg4[%swap3A, %swap3A_10], %add3A_9 {strides = array<i32>} : memref<3200x128xf32, #tpu.memory_space<vmem>>, vector<3200x128xf32>,
    return
  }
  func.func @transform_0(%arg0: i32) -> (i32, i32) {
    %c0_i32 = arith.constant 0 : i32
    %c0_i32_0 = arith.constant 0 : i32
    return %c0_i32, %arg0 : i32, i32
  }
  func.func @transform_1(%arg0: i32) -> (i32, i32) {
    %c0_i32 = arith.constant 0 : i32
    %c0_i32_0 = arith.constant 0 : i32
    %c0_i32_1 = arith.constant 0 : i32
    return %c0_i32, %c0_i32_0 : i32, i32
  }
  func.func @transform_2(%arg0: i32) -> (i32, i32) {
    %c0_i32 = arith.constant 0 : i32
    %c0_i32_0 = arith.constant 0 : i32
    %c0_i32_1 = arith.constant 0 : i32
    return %c0_i32, %c0_i32_0 : i32, i32
  }
  func.func @transform_3(%arg0: i32) -> (i32, i32) {
    %c0_i32 = arith.constant 0 : i32
    %c0_i32_0 = arith.constant 0 : i32
    return %arg0, %c0_i32 : i32, i32
  }
}

module attributes {stable_mosaic.version = 14 : i64} {
  func.func @body(%arg0: i32, %arg1: memref<1000x128xf32, #tpu.memory_space<vmem>>, %arg2: memref<2x1000x128xf32, #tpu.memory_space<vmem>>, %arg3: memref<128x128xf32, #tpu.memory_space<vmem>>, %arg4: memref<1x128xf32, #tpu.memory_space<vmem>>, %arg5: memref<1000x128xf32, #tpu.memory_space<vmem>>) attributes {dimension_semantics = [#tpu.dimension_semantics<arbitrary>], iteration_bounds = array<i64: 10>, scalar_prefetch = 0 : i64, scratch_operands = 0 : i64, tpu.core_type = #tpu.core_type<tc>, window_params = [{transform_indices = @transform_0, window_bounds = array<i64: 1000, 128>}, {transform_indices = @transform_1, window_bounds = array<i64: 2, 1000, 128>}, {pipeline_mode = #tpu.pipeline_mode<synchronous>, transform_indices = @transform_2, window_bounds = array<i64: 128, 128>}, {pipeline_mode = #tpu.pipeline_mode<synchronous>, transform_indices = @transform_3, window_bounds = array<i64: 1, 128>}, {transform_indices = @transform_4, window_bounds = array<i64: 1000, 128>}]} {
    %get3A = arith.constant 0 : index
    %get3A_0 = arith.constant 0 : index
    %get3A_1 = vector.load %arg1[%get3A, %get3A_0] : memref<1000x128xf32, #tpu.memory_space<vmem>>, vector<1000x128xf32>
    %get3A_2 = arith.constant 0 : index
    %get3A_3 = arith.constant 0 : index
    %get3A_4 = arith.constant 0 : index
    %get3A_5 = vector.load %arg2[%get3A_2, %get3A_3, %get3A_4] : memref<2x1000x128xf32, #tpu.memory_space<vmem>>, vector<1x1000x128xf32>
    %get3A_6 = vector.shape_cast %get3A_5 : vector<1x1000x128xf32> to vector<1000x128xf32>
    %add3A = arith.addf %get3A_1, %get3A_6 : vector<1000x128xf32>
    %get3A_7 = arith.constant 1 : index
    %get3A_8 = arith.constant 0 : index
    %get3A_9 = arith.constant 0 : index
    %get3A_10 = vector.load %arg2[%get3A_7, %get3A_8, %get3A_9] : memref<2x1000x128xf32, #tpu.memory_space<vmem>>, vector<1x1000x128xf32>
    %get3A_11 = vector.shape_cast %get3A_10 : vector<1x1000x128xf32> to vector<1000x128xf32>
    %add3A_12 = arith.addf %add3A, %get3A_11 : vector<1000x128xf32>
    %get3A_13 = arith.constant 0 : index
    %get3A_14 = arith.constant 0 : index
    %get3A_15 = vector.load %arg3[%get3A_13, %get3A_14] : memref<128x128xf32, #tpu.memory_space<vmem>>, vector<128x128xf32>
    %dot_general3A = arith.constant dense<0.000000e+00> : vector<1000x128xf32>
    %dot_general3A_16 = tpu.matmul %add3A_12, %get3A_15, %dot_general3A {dimension_numbers = #tpu.dot_dimension_numbers<[1], [0], [0], [1], [0, 0, 1, 1], [], []>, transpose_lhs_hint = false} : vector<1000x128xf32>, vector<128x128xf32>, vector<1000x128xf32> -> vector<1000x128xf32>
    %get3A_17 = arith.constant 0 : index
    %get3A_18 = arith.constant 0 : index
    %get3A_19 = vector.load %arg4[%get3A_17, %get3A_18] : memref<1x128xf32, #tpu.memory_space<vmem>>, vector<1x128xf32>
    %add3A_20 = vector.broadcast %get3A_19 : vector<1x128xf32> to vector<1000x128xf32>
    %add3A_21 = arith.addf %dot_general3A_16, %add3A_20 : vector<1000x128xf32>
    %max3A = arith.constant 0.000000e+00 : f32
    %max3A_22 = vector.broadcast %max3A : f32 to vector<1000x128xf32>
    %max3A_23 = arith.maximumf %add3A_21, %max3A_22 : vector<1000x128xf32>
    %swap3A = arith.constant 0 : index
    %swap3A_24 = arith.constant 0 : index
    %swap3A_25 = vector.load %arg5[%swap3A, %swap3A_24] : memref<1000x128xf32, #tpu.memory_space<vmem>>, vector<1000x128xf32>
    tpu.vector_store %arg5[%swap3A, %swap3A_24], %max3A_23 {strides = array<i32>} : memref<1000x128xf32, #tpu.memory_space<vmem>>, vector<1000x128xf32>,
    return
  }
  func.func @transform_0(%arg0: i32) -> (i32, i32) {
    %c0_i32 = arith.constant 0 : i32
    %c0_i32_0 = arith.constant 0 : i32
    return %arg0, %c0_i32 : i32, i32
  }
  func.func @transform_1(%arg0: i32) -> (i32, i32, i32) {
    %c0_i32 = arith.constant 0 : i32
    %c0_i32_0 = arith.constant 0 : i32
    %c0_i32_1 = arith.constant 0 : i32
    return %c0_i32, %arg0, %c0_i32_0 : i32, i32, i32
  }
  func.func @transform_2(%arg0: i32) -> (i32, i32) {
    %c0_i32 = arith.constant 0 : i32
    %c0_i32_0 = arith.constant 0 : i32
    %c0_i32_1 = arith.constant 0 : i32
    return %c0_i32, %c0_i32_0 : i32, i32
  }
  func.func @transform_3(%arg0: i32) -> (i32, i32) {
    %c0_i32 = arith.constant 0 : i32
    %c0_i32_0 = arith.constant 0 : i32
    %c0_i32_1 = arith.constant 0 : i32
    return %c0_i32, %c0_i32_0 : i32, i32
  }
  func.func @transform_4(%arg0: i32) -> (i32, i32) {
    %c0_i32 = arith.constant 0 : i32
    %c0_i32_0 = arith.constant 0 : i32
    return %arg0, %c0_i32 : i32, i32
  }
}

</mosaic_0001>

<sc_bundles>
// kernel: kernel.11.cloned.1.call-start
scs
__scs_entry_jumppad:
0x0: {  	(pc) =	sbr.rel $0x88, $3  }
0x1: {  	(tag) =	ssettag $0x0;
	lr =	simm.s32 $0x1  }
0x2: {  	[smem:$0x3F8C] =	sst lr;
	_ =	strace $0xD0000000  }
0x3: {  	_ = 	snop  }
0x4: {  	_ = 	snop  }
0x5: {  	_ = 	snop  }
0x6: {  	_ = 	snop  }
0x7: {  	_ = 	snop  }
__scs_overlays_trampoline_lowered:
0x8: {  	[smem:$0x3F9B] =	sst s0  }
0x9: {  	[smem:$0x3F9C] =	sst s1  }
0xa: {  	[smem:$0x3F9D] =	sst s2  }
0xb: {  	[smem:$0x3F9E] =	sst s3  }
0xc: {  	[smem:$0x3F9F] =	sst s4  }
0xd: {  	[smem:$0x3FA0] =	sst s5  }
0xe: {  	[smem:$0x3FA1] =	sst s6  }
0xf: {  	[smem:$0x3FA2] =	sst s7  }
0x10: {  	[smem:$0x3FA3] =	sst s8  }
0x11: {  	[smem:$0x3FA4] =	sst s9;
	s0 =	simm.s32 @!p0 $0x0  }
0x12: {  	s1 =	sld [smem:$0x3F8A];
	s0 =	simm.s32 @p0 $0x1  }
0x13: {  	[smem:$0x3FA5] =	sst s0;
	s0 =	simm.s32 @!p1 $0x0  }
0x14: {  	s2 =	sld [smem:$0x3F89];
	s0 =	simm.s32 @p1 $0x1  }
0x15: {  	[smem:$0x3FA6] =	sst s0;
	s0 =	simm.s32 @!p2 $0x0  }
0x16: {  	s3 =	sld [smem:$0x3FDB];
	s0 =	simm.s32 @p2 $0x1  }
0x17: {  	s4 =	simm.s32 $0x1BF5;
	[smem:$0x3FA8] =	sst s0  }
0x18: {  	s0 =	sld [smem:$0x3F8B];
	_ =	swait.ge [sflag:s4], $0x0  }
0x19: {  	s7 =	sld [smem:$0x3F8C]  }
0x1a: {  	s8 =	sadd.s32 $0xFFFFE003, lr  }
0x1b: {  	s9 =	sadd.s32 $0xFFFFFEF7, lr;
	s5 =	simm.s32 $0xFFFFFFFF;
	p2 =	slt.u32 s8, $0xFFFFF086  }
0x1c: {  	p1 =	slt.u32 s9, $0xF7A;
	s5 =	simm.s32 @!p2 $0x0  }
0x1d: {  	s5 =	simm.s32 @p1 $0x1;
	p0 =	seq.s32 s7, s2  }
0x1e: {  	s7 =	smul.u32 @!p0 $0xF7A, s2;
	p2 =	seq.s32 @!p0 s5, $0x0  }
0x1f: {  	s9 =	smul.u32 $0xF7A, s1;
	s8 =	simm.s32 @!p0 $0x1BF5;
	p2 =	por !p2, p0  }
0x20: {  	[sflag:s8] =	ssyncset.s32 @!p0 $0xFFFFF086;
	s6 =	sadd.s32 @!p0 s3, s7;
	s7 =	simm.s32 @!p0 $0x108  }
0x21: {  	s3 =	sadd.s32 s3, s9;
	s6 =	sadd.s32 @!p0 $0x88, s6;
	s7 =	simm.s32 @p2 $0x1082  }
0x22: {  	[simem:s7], [sflag:s8] =	dma.local @!p0 [hbm:s6], $0xF7A  }
0x23: {  	s9 =	sor.u32 $0xD0000000, s2;
	s6 =	simm.s32 $0x108;
	_ =	swait.ge @!p0 [sflag:s8], $0x0  }
0x24: {  	s3 =	sadd.s32 $0x88, s3;
	s6 =	simm.s32 @!p1 $0x1082;
	[sflag:s4] =	ssyncset.s32 $0xFFFFF086  }
0x25: {  	[simem:s6], [sflag:s4] =	dma.local [hbm:s3], $0xF7A  }
0x26: {  	[smem:$0x3F8C] =	sst s1;
	(tag) =	ssettag s2;
	_ =	strace s9  }
0x27: {  	s1 =	sld [smem:$0x3F9C]  }
0x28: {  	s2 =	sld [smem:$0x3F9D]  }
0x29: {  	s4 =	sld [smem:$0x3F9F]  }
0x2a: {  	p0 =	seq.s32 s5, $0x0;
	s5 =	sld [smem:$0x3FA0]  }
0x2b: {  	s6 =	sld [smem:$0x3FA1]  }
0x2c: {  	s7 =	sld [smem:$0x3FA2]  }
0x2d: {  	s3 =	simm.s32 $0x108;
	s8 =	sld [smem:$0x3FA3]  }
0x2e: {  	s3 =	simm.s32 @!p0 $0x1082;
	s9 =	sld [smem:$0x3FA4]  }
0x2f: {  	lr =	sadd.s32 s0, s3;
	s0 =	sld [smem:$0x3F9B]  }
0x30: {  	s3 =	sld [smem:$0x3F9E]  }
0x31: {  	[smem:$0x3FA7] =	sst s10  }
0x32: {  	s10 =	sld [smem:$0x3FA5];
	_ =	sdelay $0x3  }
0x33: {  	p0 =	seq.s32 s10, $0x1;
	s10 =	sld [smem:$0x3FA7];
	_ =	sdelay $0x3  }
0x34: {  	[smem:$0x3FA7] =	sst s10  }
0x35: {  	s10 =	sld [smem:$0x3FA6];
	_ =	sdelay $0x3  }
0x36: {  	p1 =	seq.s32 s10, $0x1;
	s10 =	sld [smem:$0x3FA7];
	_ =	sdelay $0x3  }
0x37: {  	[smem:$0x3FA7] =	sst s10  }
0x38: {  	s10 =	sld [smem:$0x3FA8]  }
0x39: {  	_ = 	snop;
	(pc) =	sbr.ind lr, $3  }
0x3a: {  	_ = 	snop  }
0x3b: {  	_ = 	snop  }
0x3c: {  	p2 =	seq.s32 s10, $0x1;
	s10 =	sld [smem:$0x3FA7]  }
0x3d: {  	_ =	shalt  }
0x3e: {  	_ =	shalt  }
0x3f: {  	_ =	shalt  }
0x40: {  	_ =	shalt  }
0x41: {  	_ =	shalt  }
0x42: {  	_ =	shalt  }
0x43: {  	_ =	shalt  }
0x44: {  	_ =	shalt  }
0x45: {  	_ =	shalt  }
0x46: {  	_ =	shalt  }
0x47: {  	_ =	shalt  }
0x48: {  	_ =	shalt  }
0x49: {  	_ =	shalt  }
0x4a: {  	_ =	shalt  }
0x4b: {  	_ =	shalt  }
0x4c: {  	_ =	shalt  }
0x4d: {  	_ =	shalt  }
0x4e: {  	_ =	shalt  }
0x4f: {  	_ =	shalt  }
0x50: {  	_ =	shalt  }
0x51: {  	_ =	shalt  }
0x52: {  	_ =	shalt  }
0x53: {  	_ =	shalt  }
0x54: {  	_ =	shalt  }
0x55: {  	_ =	shalt  }
0x56: {  	_ =	shalt  }
0x57: {  	_ =	shalt  }
0x58: {  	_ =	shalt  }
0x59: {  	_ =	shalt  }
0x5a: {  	_ =	shalt  }
0x5b: {  	_ =	shalt  }
0x5c: {  	_ =	shalt  }
0x5d: {  	_ =	shalt  }
0x5e: {  	_ =	shalt  }
0x5f: {  	_ =	shalt  }
0x60: {  	_ =	shalt  }
0x61: {  	_ =	shalt  }
0x62: {  	_ =	shalt  }
0x63: {  	_ =	shalt  }
0x64: {  	_ =	shalt  }
0x65: {  	_ =	shalt  }
0x66: {  	_ =	shalt  }
0x67: {  	_ =	shalt  }
0x68: {  	_ =	shalt  }
0x69: {  	_ =	shalt  }
0x6a: {  	_ =	shalt  }
0x6b: {  	_ =	shalt  }
0x6c: {  	_ =	shalt  }
0x6d: {  	_ =	shalt  }
0x6e: {  	_ =	shalt  }
0x6f: {  	_ =	shalt  }
0x70: {  	_ =	shalt  }
0x71: {  	_ =	shalt  }
0x72: {  	_ =	shalt  }
0x73: {  	_ =	shalt  }
0x74: {  	_ =	shalt  }
0x75: {  	_ =	shalt  }
0x76: {  	_ =	shalt  }
0x77: {  	_ =	shalt  }
0x78: {  	_ =	shalt  }
0x79: {  	_ =	shalt  }
0x7a: {  	_ =	shalt  }
0x7b: {  	_ =	shalt  }
0x7c: {  	_ =	shalt  }
0x7d: {  	_ =	shalt  }
0x7e: {  	_ =	shalt  }
0x7f: {  	_ =	shalt  }
0x80: {  	_ =	shalt  }
0x81: {  	_ =	shalt  }
0x82: {  	_ =	shalt  }
0x83: {  	_ =	shalt  }
0x84: {  	_ =	shalt  }
0x85: {  	_ =	shalt  }
0x86: {  	_ =	shalt  }
0x87: {  	_ =	shalt  }
.Lfunc_end0:
.L_simem_size_0:
called_computation_lowered:
.L_overlay_start_0:
0x88: {  	s2 =	sld [smem:$0x3FD9]  }
0x89: {  	s3 =	sld [smem:$0x3FFE];
	_ =	sdelay $0x1  }
0x8a: {  	s1 =	srdreg.scid  }
0x8b: {  	s0 =	sand.u32 $0x1, s1  }
0x8c: {  	s17 =	sshll.u32 s0, $0xA;
	s2 =	sadd.s32 s3, s2  }
0x8d: {  	s2 =	sadd.s32 s2, s17  }
0x8e: {  	[smem:$0x3FB3] =	sst s2  }
0x8f: {  	_ = 	snop  }
0x90: {  	s2 =	sld [smem:$0x3FC9];
	(tm) =	ssettm $0x1  }
0x91: {  	s18 =	sld [smem:$0x3FFB];
	_ =	sdelay $0x3  }
0x92: {  	_ =	strace s18  }
0x93: {  	s3 =	sld [smem:$0x3FFC];
	_ =	sdelay $0x3  }
0x94: {  	_ =	strace s3  }
0x95: {  	s3 =	sld [smem:$0x3FFD];
	_ =	sdelay $0x3  }
0x96: {  	_ =	strace s3  }
0x97: {  	_ =	strace $0x8FFFFFFF  }
0x98: {  	s19 =	sld [smem:$0x3FDB];
	_ =	sdelay $0x1  }
0x99: {  	s4 =	simm.s32 $_scs_section_size  }
0x9a: {  	s5 =	simm.s32 $_size__tile_overlayer_lowered;
	s6 =	simm.s32 $_tile_overlayer_lowered  }
0x9b: {  	s22 =	simm.s32 $0x1BFF;
	s21 =	sshll.u32 s6, $0x1;
	s3 =	sadd.s32 s4, s19  }
0x9c: {  	s7 =	simm.s32 $0x0;
	s20 =	sshll.u32 s5, $0x1;
	s5 =	sadd.s32 s21, s3  }
0x9d: {  	[timem:s7], [sflag:s22] =	dma.local [hbm:s5], s20  }
0x9e: {  	_ =	swait.ge [sflag:s22], s20  }
0x9f: {  	s4 =	ssub.s32 $0x0, s20;
	[sflag:s22] =	ssyncset.done $0x0  }
0xa0: {  	[sflag:s22] =	ssyncadd.s32 s4;
	_ =	sdelay $0x1  }
0xa1: {  	s23 =	simm.s32 $0x1B8B  }
0xa2: {  	_ =	swait.ge [sflag:s23], $0x1  }
0xa3: {  	[sflag:s23] =	ssyncset.done $0x0  }
0xa4: {  	s25 =	simm.s32 $0x1B8E;
	s24 =	sld [smem:$0x3FFE];
	[sflag:s23] =	ssyncadd.s32 $0xFFFFFFFF  }
0xa5: {  	s26 =	simm.s32 $execute0_lowered;
	[smem:$0x3FD2] =	sst s25  }
0xa6: {  	s5 =	sshll.u32 s26, $0x1;
	_ =	strace $0x80000046;
	[dreg:$0x1] =	wrdreg $0xFFFFFFFF  }
0xa7: {  	s28 =	simm.s32 $_size_execute0_lowered;
	s3 =	sadd.s32 s3, s5;
	[dreg:$0x0] =	wrdreg $0x0  }
0xa8: {  	s5 =	sshll.u32 s28, $0x1;
	[dreg:$0x2] =	wrdreg s3  }
0xa9: {  	[dreg:$0x3] =	wrdreg s5  }
0xaa: {  	[dreg:$0x4] =	wrdreg $0xC0  }
0xab: {  	_ =	task [dreg:s7], $0x5FFFF  }
0xac: {  	[dreg:$0x1] =	wrdreg $0xFFFFFFFF  }
0xad: {  	[dreg:$0x0] =	wrdreg $0x60  }
0xae: {  	[dreg:$0x2] =	wrdreg s2  }
0xaf: {  	[dreg:$0x3] =	wrdreg s24  }
0xb0: {  	[dreg:$0x4] =	wrdreg $0x0  }
0xb1: {  	[dreg:$0x5] =	wrdreg $0x9  }
0xb2: {  	_ =	task.clear_ibuf [dreg:s7], $0x6FFFF;
	_ =	strace $0x90000046  }
0xb3: {  	s29 =	simm.s32 $0x9;
	_ =	strace $0x80000048  }
0xb4: {  	_ =	swait.ge [sflag:s29], $0x1  }
0xb5: {  	[sflag:s29] =	ssyncadd.s32 $0xFFFFFFFF  }
0xb6: {  	_ =	strace $0x90000048  }
0xb7: {  	_ =	sfence  }
0xb8: {  	s30 =	sld [smem:$0x0];
	_ =	sdelay $0x2  }
0xb9: {  	s31 =	sshll.u32 s1, $0xD;
	s1 =	sshrl.u32 s1, $0x2  }
0xba: {  	s3 =	sand.u32 $0x4000, s31;
	s1 =	sadd.s32 s1, s30  }
0xbb: {  	s0 =	sor.u32 s3, s0;
	s1 =	sshll.u32 s1, $0x11  }
0xbc: {  	s0 =	sor.u32 s1, s0  }
0xbd: {  	s0 =	sadd.s32 $0x8F2B, s0  }
0xbe: {  	[sflag:s0] =	ssyncadd.remote.s32 $0x1  }
0xbf: {  	_ =	sfence.sel $0xFFFF  }
0xc0: {  	[dreg:$0x0] =	wrdreg $0xFFFFFFFF;
	(pc) =	sbr.abs _section_cstart, $3  }
0xc1: {  	[dreg:$0x1] =	wrdreg $0xFFFFFFFF  }
0xc2: {  	_ =	task.clear_ibuf [dreg:s7], $0x2FFFF;
	_ =	strace $0x9FFFFFFF  }
0xc3: {  	(tm) =	ssettm $0x7FFFFFFF  }
tec
execute0_lowered:
.L_overlay_start_1:
0x0: {  	(tag) =	ssettag $0x1  }
0x1: {  	s1 =	rddreg [dreg:$0x0]  }
0x2: {  	s0 =	rddreg [dreg:$0x1];
	s13 =	stileid.u32  }
0x3: {  	s3 =	rddreg [dreg:$0x2];
	s5 =	smul.u32 $0x13880, s13  }
0x4: {  	s2 =	srdreg.scid;
	s10 =	smul.u32 $0x4E200, s13  }
0x5: {  	s4 =	simm.s32 $0x0;
	s28 =	simm.s32 $0x13880;
	s12 =	smul.u32 $0x7D, s13  }
0x6: {  	s29 =	simm.s32 $0x139C0;
	s2 =	sand.u32 $0x1, s2;
	s21 =	smul.u32 $0x27100, s13  }
0x7: {  	s30 =	simm.s32 $0x13920;
	s31 =	simm.s32 $0x161C0;
	s6 =	smul.u32 $0x138800, s2  }
0x8: {  	[smem:$0x7FF] =	sst s4;
	s7 =	sadd.s32 $0x4C00, s0;
	s8 =	smul.u32 $0x7D0, s2  }
0x9: {  	s9 =	sadd.s32 $0x18600, s0;
	s11 =	ssub.s32 $0x2, s2;
	s19 =	smul.u32 $0x271000, s2  }
0xa: {  	_ =	strace $0x80000047;
	s2 =	smul.u32 $0x4E20, s2;
	s23 =	sshrl.u32 s11, $0x1  }
0xb: {  	s10 =	sshrl.u32 s10, $0x2;
	s6 =	sadd.s32 s5, s6;
	s8 =	sadd.s32 s12, s8  }
0xc: {  	s10 =	sadd.s32 s10, s3;
	s5 =	sadd.s32 s5, s3;
	s2 =	sadd.s32 s2, s7  }
0xd: {  	s12 =	simm.s32 $0x6;
	s6 =	sshrl.u32 s6, $0x3;
	s24 =	sadd.s32 $0x2800, s10  }
0xe: {  	s25 =	smul.u32 $0xA, s8;
	s26 =	sadd.s32 $0x5000, s10;
	[dreg:$0x4] =	wrdreg s24  }
0xf: {  	s14 =	sadd.s32 $0x7800, s10;
	s15 =	smul.u32 $0x500, s8;
	[dreg:$0x5] =	wrdreg s26  }
0x10: {  	s16 =	sadd.s32 $0xC800, s10;
	s8 =	smul.u32 $0x50, s8;
	[dreg:$0x6] =	wrdreg s14  }
0x11: {  	s17 =	sadd.s32 $0xF000, s10;
	s0 =	sadd.s32 s6, s0;
	[dreg:$0x8] =	wrdreg s16  }
0x12: {  	s6 =	ssub.s32 s11, s23;
	s14 =	sadd.s32 $0xA000, s10;
	[dreg:$0x9] =	wrdreg s17  }
0x13: {  	s10 =	sadd.s32 $0x11800, s10;
	s23 =	smul.u32 $0x4E2, s13;
	[dreg:$0x7] =	wrdreg s14  }
0x14: {  	s16 =	simm.s32 $0x8;
	s13 =	simm.s32 $0x0;
	[dreg:$0xa] =	wrdreg s10  }
0x15: {  	s18 =	sadd.s32 s7, s25;
	s15 =	sadd.s32 s9, s15;
	s8 =	sadd.s32 $0x50, s8  }
0x16: {  	s0 =	sadd.s32 $0x4FA600, s0;
	s22 =	smax.u32 s6, $0x1;
	s25 =	sadd.s32 s19, s9  }
0x17: {  	s6 =	simm.s32 $0x1B1C0;
	s10 =	simm.s32 $0x7;
	[dreg:$0xe] =	wrdreg s0  }
0x18: {  	s20 =	sshrl.u32 s8, $0x3;
	s8 =	sshll.u32 s8, $0x4;
	[dreg:$0xf] =	wrdreg s22  }
0x19: {  	[dreg:$0xb] =	wrdreg s18;
	s24 =	sadd.s32 $0x4D8, s18;
	s26 =	sadd.s32 $0x26C00, s15  }
0x1a: {  	s21 =	sadd.s32 s21, s25;
	s0 =	sadd.s32 s23, s2;
	s23 =	simm.s32 $0x189C0  }
0x1b: {  	s25 =	simm.s32 $0x50;
	s2 =	simm.s32 $0x2;
	s11 =	sadd.s32 s7, s20  }
0x1c: {  	s8 =	sadd.s32 s9, s8;
	[dreg:$0x10] =	wrdreg s24;
	s20 =	smov.u32 s15  }
0x1d: {  	[dreg:$0x11] =	wrdreg s26;
	s22 =	sadd.s32 $0x1E, s0;
	s24 =	simm.s32 $0x9  }
0x1e: {  	s26 =	simm.s32 $0x4E200;
	s0 =	simm.s32 $0x1;
	s7 =	simm.s32 $0x3  }
0x1f: {  	s9 =	simm.s32 $0x138D0;
	s15 =	simm.s32 $0x13970;
	[dreg:$0xc] =	wrdreg s11  }
0x20: {  	v0 =	vimm.f32 $0.0e+00;
	[dreg:$0xd] =	wrdreg s8;
	s8 =	simm.s32 $0x5;
	s11 =	simm.s32 $0x4  }
.LBB2_1:
0x21: {  	s14 =	simm.s32 $0x0;
	s17 =	simm.s32 $0x200  }
.LBB2_2:
0x22: {  	p0 =	sne.s32 s17, $0x9E00;
	[tilespmem:s14+$0x18A30] =	vst v0  }
0x23: {  	[tilespmem:s14+$0x189C0] =	vst v0  }
0x24: {  	[tilespmem:s14+$0x189D0] =	vst v0  }
.Ltmp0:
0x25: {  	[tilespmem:s14+$0x189E0] =	vst v0;
	(pc) =	sbr.rel @p0 .LBB2_2-.Ltmp0, $4  }
0x26: {  	[tilespmem:s14+$0x189F0] =	vst v0  }
0x27: {  	[tilespmem:s14+$0x18A00] =	vst v0  }
0x28: {  	[tilespmem:s14+$0x18A10] =	vst v0  }
0x29: {  	[tilespmem:s14+$0x18A20] =	vst v0;
	s14 =	sshra.s32 s17, $0x2;
	s17 =	sadd.s32 $0x200, s17  }
0x2a: {  	[tilespmem:s14+$0x18A30] =	vst v0  }
0x2b: {  	[tilespmem:s14+$0x189C0] =	vst v0  }
0x2c: {  	[tilespmem:s14+$0x189D0] =	vst v0  }
0x2d: {  	[tilespmem:s14+$0x189E0] =	vst v0  }
0x2e: {  	[tilespmem:s14+$0x189F0] =	vst v0  }
0x2f: {  	[tilespmem:s14+$0x18A00] =	vst v0  }
0x30: {  	[tilespmem:s14+$0x18A10] =	vst v0  }
0x31: {  	[tilespmem:s14+$0x18A20] =	vst v0  }
0x32: {  	[spmem:s5] =	stream.linear.scatter [tilespmem:s23], [sflag:$0x9], $0x2800, $0x38;
	[tilespmem:$0x1D9C0] =	vst v63  }
0x33: {  	_ =	swait.ge [sflag:s24], $0x2800  }
0x34: {  	[sflag:s24] =	ssyncset.done $0x0  }
0x35: {  	s19 =	rddreg [dreg:$0x4];
	[sflag:s24] =	ssyncadd.s32 $0xFFFFD800  }
0x36: {  	[spmem:s19] =	stream.linear.scatter [tilespmem:s23], [sflag:$0x9], $0x2800, $0x38;
	[tilespmem:$0x1D9C0] =	vst v63  }
0x37: {  	_ =	swait.ge [sflag:s24], $0x2800  }
0x38: {  	[sflag:s24] =	ssyncset.done $0x0  }
0x39: {  	s17 =	rddreg [dreg:$0x5];
	[sflag:s24] =	ssyncadd.s32 $0xFFFFD800  }
0x3a: {  	[spmem:s17] =	stream.linear.scatter [tilespmem:s23], [sflag:$0x9], $0x2800, $0x38;
	[tilespmem:$0x1D9C0] =	vst v63  }
0x3b: {  	_ =	swait.ge [sflag:s24], $0x2800  }
0x3c: {  	[sflag:s24] =	ssyncset.done $0x0  }
0x3d: {  	s18 =	rddreg [dreg:$0x6];
	[sflag:s24] =	ssyncadd.s32 $0xFFFFD800  }
0x3e: {  	[spmem:s18] =	stream.linear.scatter [tilespmem:s23], [sflag:$0x9], $0x2800, $0x38;
	[tilespmem:$0x1D9C0] =	vst v63  }
0x3f: {  	_ =	swait.ge [sflag:s24], $0x2800  }
0x40: {  	[sflag:s24] =	ssyncset.done $0x0  }
0x41: {  	s19 =	rddreg [dreg:$0x7];
	[sflag:s24] =	ssyncadd.s32 $0xFFFFD800  }
0x42: {  	[spmem:s19] =	stream.linear.scatter [tilespmem:s23], [sflag:$0x9], $0x2800, $0x38;
	[tilespmem:$0x1D9C0] =	vst v63  }
0x43: {  	_ =	swait.ge [sflag:s24], $0x2800  }
0x44: {  	[sflag:s24] =	ssyncset.done $0x0  }
0x45: {  	s17 =	rddreg [dreg:$0x8];
	[sflag:s24] =	ssyncadd.s32 $0xFFFFD800  }
0x46: {  	[spmem:s17] =	stream.linear.scatter [tilespmem:s23], [sflag:$0x9], $0x2800, $0x38;
	[tilespmem:$0x1D9C0] =	vst v63  }
0x47: {  	_ =	swait.ge [sflag:s24], $0x2800  }
0x48: {  	[sflag:s24] =	ssyncset.done $0x0  }
0x49: {  	s18 =	rddreg [dreg:$0x9];
	[sflag:s24] =	ssyncadd.s32 $0xFFFFD800  }
0x4a: {  	[spmem:s18] =	stream.linear.scatter [tilespmem:s23], [sflag:$0x9], $0x2800, $0x38;
	[tilespmem:$0x1D9C0] =	vst v63  }
0x4b: {  	_ =	swait.ge [sflag:s24], $0x2800  }
0x4c: {  	[sflag:s24] =	ssyncset.done $0x0  }
0x4d: {  	s19 =	rddreg [dreg:$0xa];
	[sflag:s24] =	ssyncadd.s32 $0xFFFFD800  }
0x4e: {  	[spmem:s19] =	stream.linear.scatter [tilespmem:s23], [sflag:$0x9], $0x2080, $0x38;
	[tilespmem:$0x1D9C0] =	vst v63  }
0x4f: {  	_ =	swait.ge [sflag:s24], $0x2080  }
0x50: {  	[sflag:s24] =	ssyncset.done $0x0  }
0x51: {  	[sflag:s24] =	ssyncadd.s32 $0xFFFFDF80  }
0x52: {  	[bflag:$0x0] =	sbarrier.arrive $0xFFFF  }
0x53: {  	s17 =	rddreg [dreg:$0xb]  }
0x54: {  	[tilespmem:s28], [sflag:$0x1] =	stream.strided.gather [hbm4b:s17+s25], $0xA0, s26, s25, $0x38;
	[tilespmem:$0x1D9C0] =	vst v63  }
0x55: {  	s18 =	simm.s32 $0x0  }
0x56: {  	[tilespmem:s29], [sflag:$0x3] =	stream.linear.gather [hbm4b:s20+s18], $0x2800, $0x38;
	[tilespmem:$0x1D9C0] =	vst v63  }
0x57: {  	s17 =	rddreg [dreg:$0xc]  }
0x58: {  	[tilespmem:s30], [sflag:$0x2] =	stream.strided.gather [hbm4b:s17+s25], $0xA0, s26, s25, $0x38;
	[tilespmem:$0x1D9C0] =	vst v63  }
0x59: {  	s19 =	rddreg [dreg:$0xd]  }
0x5a: {  	[tilespmem:s31], [sflag:$0x4] =	stream.linear.gather [hbm4b:s19+s18], $0x2800, $0x38;
	[tilespmem:$0x1D9C0] =	vst v63  }
0x5b: {  	_ =	swait.ge [sflag:s0], $0xA0  }
0x5c: {  	[sflag:s0] =	ssyncset.done $0x0  }
0x5d: {  	[sflag:s0] =	ssyncadd.s32 $0xFFFFFF60  }
0x5e: {  	[tilespmem:s23], [sflag:$0x5] =	stream.indirect.gather [hbm4b:s1+s25], $0x80, s28, s25, $0xb8;
	[tilespmem:$0x1D9C0] =	vst v63  }
0x5f: {  	_ =	swait.ge [sflag:s2], $0xA0  }
0x60: {  	[sflag:s2] =	ssyncset.done $0x0  }
0x61: {  	[sflag:s2] =	ssyncadd.s32 $0xFFFFFF60  }
0x62: {  	[tilespmem:s6], [sflag:$0x6] =	stream.indirect.gather [hbm4b:s1+s25], $0x80, s30, s25, $0xb8;
	[tilespmem:$0x1D9C0] =	vst v63  }
0x63: {  	_ =	swait.ge [sflag:s7], $0x2800  }
0x64: {  	[sflag:s7] =	ssyncset.done $0x0  }
0x65: {  	[sflag:s7] =	ssyncadd.s32 $0xFFFFD800  }
0x66: {  	_ =	swait.ge [sflag:s8], $0x2800  }
0x67: {  	[sflag:s8] =	ssyncset.done $0x0  }
0x68: {  	[sflag:s8] =	ssyncadd.s32 $0xFFFFD800  }
0x69: {  	[spmem:s3] =	stream.indirect.scatter.add.f32 [tilespmem:s23], [sflag:$0x7], $0x80, s9, s25, $0xb8;
	[tilespmem:$0x1D9C0] =	vst v63  }
0x6a: {  	_ =	swait.ge [sflag:s10], $0x2800  }
0x6b: {  	[sflag:s10] =	ssyncset.done $0x0  }
0x6c: {  	s17 =	sadd.s32 $0xFFFFFFF6, s22;
	s18 =	sadd.s32 $0x0, s21;
	[sflag:s10] =	ssyncadd.s32 $0xFFFFD800  }
0x6d: {  	[tilespmem:s28], [sflag:$0x1] =	stream.strided.gather [hbm4b:s17+s25], $0xA0, s26, s25, $0x38;
	[tilespmem:$0x1D9C0] =	vst v63  }
0x6e: {  	s19 =	sadd.s32 $0xA00, s18  }
0x6f: {  	[tilespmem:s29], [sflag:$0x3] =	stream.linear.gather [hbm4b:s19+s4], $0x2800, $0x38;
	[tilespmem:$0x1D9C0] =	vst v63  }
0x70: {  	_ =	swait.ge [sflag:s0], $0xA0  }
0x71: {  	[sflag:s0] =	ssyncset.done $0x0  }
0x72: {  	[sflag:s0] =	ssyncadd.s32 $0xFFFFFF60  }
0x73: {  	[tilespmem:s23], [sflag:$0x5] =	stream.indirect.gather [hbm4b:s1+s25], $0x80, s28, s25, $0xb8;
	[tilespmem:$0x1D9C0] =	vst v63  }
0x74: {  	_ =	swait.ge [sflag:s11], $0x2800  }
0x75: {  	[sflag:s11] =	ssyncset.done $0x0  }
0x76: {  	[sflag:s11] =	ssyncadd.s32 $0xFFFFD800  }
0x77: {  	_ =	swait.ge [sflag:s12], $0x2800  }
0x78: {  	[sflag:s12] =	ssyncset.done $0x0  }
0x79: {  	[sflag:s12] =	ssyncadd.s32 $0xFFFFD800  }
0x7a: {  	[spmem:s3] =	stream.indirect.scatter.add.f32 [tilespmem:s6], [sflag:$0x8], $0x80, s15, s25, $0xb8;
	[tilespmem:$0x1D9C0] =	vst v63  }
0x7b: {  	_ =	swait.ge [sflag:s16], $0x2800  }
0x7c: {  	s14 =	sadd.s32 $0x14, s22;
	[sflag:s16] =	ssyncset.done $0x0  }
0x7d: {  	s18 =	sadd.s32 $0xF00, s18;
	s17 =	simm.s32 $0xA00;
	[sflag:s16] =	ssyncadd.s32 $0xFFFFD800  }
0x7e: {  	[tilespmem:s30], [sflag:$0x2] =	stream.strided.gather [hbm4b:s22+s25], $0xA0, s26, s25, $0x38;
	[tilespmem:$0x1D9C0] =	vst v63  }
.LBB2_4:
0x7f: {  	[tilespmem:s31], [sflag:$0x4] =	stream.linear.gather [hbm4b:s18+s4], $0x2800, $0x38;
	[tilespmem:$0x1D9C0] =	vst v63  }
0x80: {  	s18 =	smov.u32 s17  }
0x81: {  	p0 =	sne.s32 s17, $0x25800;
	s17 =	sadd.s32 $0xA00, s17;
	_ =	swait.ge [sflag:s2], $0xA0  }
0x82: {  	[sflag:s2] =	ssyncset.done $0x0  }
0x83: {  	[sflag:s2] =	ssyncadd.s32 $0xFFFFFF60  }
0x84: {  	[tilespmem:s6], [sflag:$0x6] =	stream.indirect.gather [hbm4b:s1+s25], $0x80, s30, s25, $0xb8;
	[tilespmem:$0x1D9C0] =	vst v63  }
0x85: {  	_ =	swait.ge [sflag:s7], $0x2800  }
0x86: {  	[sflag:s7] =	ssyncset.done $0x0  }
0x87: {  	[sflag:s7] =	ssyncadd.s32 $0xFFFFD800  }
0x88: {  	_ =	swait.ge [sflag:s8], $0x2800  }
0x89: {  	[sflag:s8] =	ssyncset.done $0x0  }
0x8a: {  	[sflag:s8] =	ssyncadd.s32 $0xFFFFD800  }
0x8b: {  	[spmem:s3] =	stream.indirect.scatter.add.f32 [tilespmem:s23], [sflag:$0x7], $0x80, s9, s25, $0xb8;
	[tilespmem:$0x1D9C0] =	vst v63  }
0x8c: {  	_ =	swait.ge [sflag:s10], $0x2800  }
0x8d: {  	[sflag:s10] =	ssyncset.done $0x0  }
0x8e: {  	s19 =	sadd.s32 $0xFFFFFFF6, s14;
	s18 =	sadd.s32 s18, s21;
	[sflag:s10] =	ssyncadd.s32 $0xFFFFD800  }
0x8f: {  	[tilespmem:s28], [sflag:$0x1] =	stream.strided.gather [hbm4b:s19+s25], $0xA0, s26, s25, $0x38;
	[tilespmem:$0x1D9C0] =	vst v63  }
0x90: {  	s19 =	sadd.s32 $0xA00, s18  }
0x91: {  	[tilespmem:s29], [sflag:$0x3] =	stream.linear.gather [hbm4b:s19+s4], $0x2800, $0x38;
	[tilespmem:$0x1D9C0] =	vst v63  }
0x92: {  	_ =	swait.ge [sflag:s0], $0xA0  }
0x93: {  	[sflag:s0] =	ssyncset.done $0x0  }
0x94: {  	[sflag:s0] =	ssyncadd.s32 $0xFFFFFF60  }
0x95: {  	[tilespmem:s23], [sflag:$0x5] =	stream.indirect.gather [hbm4b:s1+s25], $0x80, s28, s25, $0xb8;
	[tilespmem:$0x1D9C0] =	vst v63  }
0x96: {  	_ =	swait.ge [sflag:s11], $0x2800  }
0x97: {  	[sflag:s11] =	ssyncset.done $0x0  }
0x98: {  	[sflag:s11] =	ssyncadd.s32 $0xFFFFD800  }
0x99: {  	_ =	swait.ge [sflag:s12], $0x2800  }
0x9a: {  	[sflag:s12] =	ssyncset.done $0x0  }
0x9b: {  	[sflag:s12] =	ssyncadd.s32 $0xFFFFD800  }
0x9c: {  	[spmem:s3] =	stream.indirect.scatter.add.f32 [tilespmem:s6], [sflag:$0x8], $0x80, s15, s25, $0xb8;
	[tilespmem:$0x1D9C0] =	vst v63  }
.Ltmp1:
0x9d: {  	_ =	swait.ge [sflag:s16], $0x2800;
	(pc) =	sbr.rel @p0 .LBB2_4-.Ltmp1, $4  }
0x9e: {  	[sflag:s16] =	ssyncset.done $0x0  }
0x9f: {  	[sflag:s16] =	ssyncadd.s32 $0xFFFFD800  }
0xa0: {  	[tilespmem:s30], [sflag:$0x2] =	stream.strided.gather [hbm4b:s14+s25], $0xA0, s26, s25, $0x38;
	[tilespmem:$0x1D9C0] =	vst v63  }
0xa1: {  	s18 =	sadd.s32 $0xF00, s18;
	s14 =	sadd.s32 $0x14, s14  }
0xa2: {  	[tilespmem:s31], [sflag:$0x4] =	stream.linear.gather [hbm4b:s18+s4], $0x2800, $0x38;
	[tilespmem:$0x1D9C0] =	vst v63  }
0xa3: {  	_ =	swait.ge [sflag:s2], $0xA0  }
0xa4: {  	[sflag:s2] =	ssyncset.done $0x0  }
0xa5: {  	[sflag:s2] =	ssyncadd.s32 $0xFFFFFF60  }
0xa6: {  	[tilespmem:s6], [sflag:$0x6] =	stream.indirect.gather [hbm4b:s1+s25], $0x80, s30, s25, $0xb8;
	[tilespmem:$0x1D9C0] =	vst v63  }
0xa7: {  	_ =	swait.ge [sflag:s7], $0x2800  }
0xa8: {  	[sflag:s7] =	ssyncset.done $0x0  }
0xa9: {  	[sflag:s7] =	ssyncadd.s32 $0xFFFFD800  }
0xaa: {  	_ =	swait.ge [sflag:s8], $0x2800  }
0xab: {  	[sflag:s8] =	ssyncset.done $0x0  }
0xac: {  	[sflag:s8] =	ssyncadd.s32 $0xFFFFD800  }
0xad: {  	[spmem:s3] =	stream.indirect.scatter.add.f32 [tilespmem:s23], [sflag:$0x7], $0x80, s9, s25, $0xb8;
	[tilespmem:$0x1D9C0] =	vst v63  }
0xae: {  	_ =	swait.ge [sflag:s10], $0x2800  }
0xaf: {  	[sflag:s10] =	ssyncset.done $0x0  }
0xb0: {  	s14 =	rddreg [dreg:$0x10];
	[sflag:s10] =	ssyncadd.s32 $0xFFFFD800  }
0xb1: {  	[tilespmem:s28], [sflag:$0x1] =	stream.strided.gather [hbm4b:s14+s25], $0xA0, s26, s25, $0x38;
	[tilespmem:$0x1D9C0] =	vst v63  }
0xb2: {  	s17 =	rddreg [dreg:$0x11]  }
0xb3: {  	[tilespmem:s29], [sflag:$0x3] =	stream.linear.gather [hbm4b:s17+s4], $0x2800, $0x38;
	[tilespmem:$0x1D9C0] =	vst v63  }
0xb4: {  	_ =	swait.ge [sflag:s0], $0xA0  }
0xb5: {  	[sflag:s0] =	ssyncset.done $0x0  }
0xb6: {  	[sflag:s0] =	ssyncadd.s32 $0xFFFFFF60  }
0xb7: {  	[tilespmem:s23], [sflag:$0x5] =	stream.indirect.gather [hbm4b:s1+s25], $0x80, s28, s25, $0xb8;
	[tilespmem:$0x1D9C0] =	vst v63  }
0xb8: {  	_ =	swait.ge [sflag:s11], $0x2800  }
0xb9: {  	[sflag:s11] =	ssyncset.done $0x0  }
0xba: {  	[sflag:s11] =	ssyncadd.s32 $0xFFFFD800  }
0xbb: {  	_ =	swait.ge [sflag:s12], $0x2800  }
0xbc: {  	[sflag:s12] =	ssyncset.done $0x0  }
0xbd: {  	[sflag:s12] =	ssyncadd.s32 $0xFFFFD800  }
0xbe: {  	[spmem:s3] =	stream.indirect.scatter.add.f32 [tilespmem:s6], [sflag:$0x8], $0x80, s15, s25, $0xb8;
	[tilespmem:$0x1D9C0] =	vst v63  }
0xbf: {  	_ =	swait.ge [sflag:s16], $0x2800  }
0xc0: {  	[sflag:s16] =	ssyncset.done $0x0  }
0xc1: {  	[sflag:s16] =	ssyncadd.s32 $0xFFFFD800  }
0xc2: {  	_ =	swait.ge [sflag:s7], $0x2800  }
0xc3: {  	[sflag:s7] =	ssyncset.done $0x0  }
0xc4: {  	[sflag:s7] =	ssyncadd.s32 $0xFFFFD800  }
0xc5: {  	_ =	swait.ge [sflag:s8], $0x2800  }
0xc6: {  	[sflag:s8] =	ssyncset.done $0x0  }
0xc7: {  	[sflag:s8] =	ssyncadd.s32 $0xFFFFD800  }
0xc8: {  	[spmem:s3] =	stream.indirect.scatter.add.f32 [tilespmem:s23], [sflag:$0x7], $0x80, s9, s25, $0xb8;
	[tilespmem:$0x1D9C0] =	vst v63  }
0xc9: {  	_ =	swait.ge [sflag:s10], $0x2800  }
0xca: {  	[sflag:s10] =	ssyncset.done $0x0  }
0xcb: {  	s18 =	stileid.u32;
	[sflag:s10] =	ssyncadd.s32 $0xFFFFD800  }
0xcc: {  	s14 =	sshll.u32 s18, $0x6;
	[bflag:$0x0] =	sbarrier.arrive $0xFFFF  }
0xcd: {  	s14 =	sor.u32 $0x1C09, s14;
	s17 =	sshrl.u32 s5, $0x3;
	s19 =	rddreg [dreg:$0xe]  }
0xce: {  	[hbm:s19], [sflag:s14] =	dma.local [spmem:s17], $0x2710  }
0xcf: {  	_ =	swait.ge [sflag:s24], $0x2710  }
0xd0: {  	s13 =	sadd.s32 $0x1, s13;
	s19 =	rddreg [dreg:$0xf]  }
0xd1: {  	p0 =	sne.s32 s13, s19  }
.Ltmp2:
0xd2: {  	_ = 	snop;
	(pc) =	sbr.rel @p0 .LBB2_1-.Ltmp2, $3  }
0xd3: {  	_ =	sdelay $0x1  }
0xd4: {  	[sflag:s24] =	ssyncset.done $0x0  }
0xd5: {  	[sflag:s24] =	ssyncadd.s32 $0xFFFFD8F0  }
0xd6: {  	_ =	sfence.sel $0x180000  }
0xd7: {  	[bflag:$0x0] =	sbarrier.arrive $0xFFFF  }
0xd8: {  	_ =	strace $0x90000047  }
0xd9: {  	s0 =	stileid.u32;
	[bflag:$0x2] =	sbarrier.arrive $0xFFFF  }
0xda: {  	p0 =	sne.s32 s0, $0x0;
	s0 =	rddreg [dreg:$0x3]  }
0xdb: {  	s0 =	sadd.s32 @!p0 $0x100000, s0  }
0xdc: {  	[sflag:s0] =	ssyncadd.tile.s32 @!p0 $0x1;
	_ =	shalt  }
.Lfunc_end2:
_tile_overlayer_lowered:
.L_overlay_start_2:
0xdd: {  	(tag) =	ssettag $0x2  }
0xde: {  	s0 =	rddreg [dreg:$0x0];
	s2 =	stileid.u32  }
0xdf: {  	s1 =	rddreg [dreg:$0x1];
	p0 =	sne.s32 s2, $0x0  }
0xe0: {  	s3 =	rddreg [dreg:$0x2];
	[bflag:$0x3] =	sbarrier.arrive $0xFFFF;
	s2 =	simm.s32 @!p0 $0x1C09  }
0xe1: {  	[timem:s3], [sflag:s2] =	dma.local @!p0 [hbm:s0], s1  }
0xe2: {  	s0 =	simm.s32 @!p0 $0x9  }
0xe3: {  	_ =	swait.ge @!p0 [sflag:s0], s1  }
0xe4: {  	s1 =	ssub.s32 @!p0 $0x0, s1;
	[sflag:s0] =	ssyncset.done @!p0 $0x0  }
0xe5: {  	[sflag:s0] =	ssyncadd.s32 @!p0 s1  }
0xe6: {  	[bflag:$0x3] =	sbarrier.arrive $0xFFFF  }
0xe7: {  	_ =	shalt  }

// kernel: kernel.14.cloned.1.call-start
scs
__scs_entry_jumppad:
0x0: {  	(pc) =	sbr.rel $0x88, $3  }
0x1: {  	(tag) =	ssettag $0x0;
	lr =	simm.s32 $0x1  }
0x2: {  	[smem:$0x3F8C] =	sst lr;
	_ =	strace $0xD0000000  }
0x3: {  	_ = 	snop  }
0x4: {  	_ = 	snop  }
0x5: {  	_ = 	snop  }
0x6: {  	_ = 	snop  }
0x7: {  	_ = 	snop  }
__scs_overlays_trampoline_lowered:
0x8: {  	[smem:$0x3F9B] =	sst s0  }
0x9: {  	[smem:$0x3F9C] =	sst s1  }
0xa: {  	[smem:$0x3F9D] =	sst s2  }
0xb: {  	[smem:$0x3F9E] =	sst s3  }
0xc: {  	[smem:$0x3F9F] =	sst s4  }
0xd: {  	[smem:$0x3FA0] =	sst s5  }
0xe: {  	[smem:$0x3FA1] =	sst s6  }
0xf: {  	[smem:$0x3FA2] =	sst s7  }
0x10: {  	[smem:$0x3FA3] =	sst s8  }
0x11: {  	[smem:$0x3FA4] =	sst s9;
	s0 =	simm.s32 @!p0 $0x0  }
0x12: {  	s1 =	sld [smem:$0x3F8A];
	s0 =	simm.s32 @p0 $0x1  }
0x13: {  	[smem:$0x3FA5] =	sst s0;
	s0 =	simm.s32 @!p1 $0x0  }
0x14: {  	s2 =	sld [smem:$0x3F89];
	s0 =	simm.s32 @p1 $0x1  }
0x15: {  	[smem:$0x3FA6] =	sst s0;
	s0 =	simm.s32 @!p2 $0x0  }
0x16: {  	s3 =	sld [smem:$0x3FDB];
	s0 =	simm.s32 @p2 $0x1  }
0x17: {  	s4 =	simm.s32 $0x1BF5;
	[smem:$0x3FA8] =	sst s0  }
0x18: {  	s0 =	sld [smem:$0x3F8B];
	_ =	swait.ge [sflag:s4], $0x0  }
0x19: {  	s7 =	sld [smem:$0x3F8C]  }
0x1a: {  	s8 =	sadd.s32 $0xFFFFE003, lr  }
0x1b: {  	s9 =	sadd.s32 $0xFFFFFEF7, lr;
	s5 =	simm.s32 $0xFFFFFFFF;
	p2 =	slt.u32 s8, $0xFFFFF086  }
0x1c: {  	p1 =	slt.u32 s9, $0xF7A;
	s5 =	simm.s32 @!p2 $0x0  }
0x1d: {  	s5 =	simm.s32 @p1 $0x1;
	p0 =	seq.s32 s7, s2  }
0x1e: {  	s7 =	smul.u32 @!p0 $0xF7A, s2;
	p2 =	seq.s32 @!p0 s5, $0x0  }
0x1f: {  	s9 =	smul.u32 $0xF7A, s1;
	s8 =	simm.s32 @!p0 $0x1BF5;
	p2 =	por !p2, p0  }
0x20: {  	[sflag:s8] =	ssyncset.s32 @!p0 $0xFFFFF086;
	s6 =	sadd.s32 @!p0 s3, s7;
	s7 =	simm.s32 @!p0 $0x108  }
0x21: {  	s3 =	sadd.s32 s3, s9;
	s6 =	sadd.s32 @!p0 $0x88, s6;
	s7 =	simm.s32 @p2 $0x1082  }
0x22: {  	[simem:s7], [sflag:s8] =	dma.local @!p0 [hbm:s6], $0xF7A  }
0x23: {  	s9 =	sor.u32 $0xD0000000, s2;
	s6 =	simm.s32 $0x108;
	_ =	swait.ge @!p0 [sflag:s8], $0x0  }
0x24: {  	s3 =	sadd.s32 $0x88, s3;
	s6 =	simm.s32 @!p1 $0x1082;
	[sflag:s4] =	ssyncset.s32 $0xFFFFF086  }
0x25: {  	[simem:s6], [sflag:s4] =	dma.local [hbm:s3], $0xF7A  }
0x26: {  	[smem:$0x3F8C] =	sst s1;
	(tag) =	ssettag s2;
	_ =	strace s9  }
0x27: {  	s1 =	sld [smem:$0x3F9C]  }
0x28: {  	s2 =	sld [smem:$0x3F9D]  }
0x29: {  	s4 =	sld [smem:$0x3F9F]  }
0x2a: {  	p0 =	seq.s32 s5, $0x0;
	s5 =	sld [smem:$0x3FA0]  }
0x2b: {  	s6 =	sld [smem:$0x3FA1]  }
0x2c: {  	s7 =	sld [smem:$0x3FA2]  }
0x2d: {  	s3 =	simm.s32 $0x108;
	s8 =	sld [smem:$0x3FA3]  }
0x2e: {  	s3 =	simm.s32 @!p0 $0x1082;
	s9 =	sld [smem:$0x3FA4]  }
0x2f: {  	lr =	sadd.s32 s0, s3;
	s0 =	sld [smem:$0x3F9B]  }
0x30: {  	s3 =	sld [smem:$0x3F9E]  }
0x31: {  	[smem:$0x3FA7] =	sst s10  }
0x32: {  	s10 =	sld [smem:$0x3FA5];
	_ =	sdelay $0x3  }
0x33: {  	p0 =	seq.s32 s10, $0x1;
	s10 =	sld [smem:$0x3FA7];
	_ =	sdelay $0x3  }
0x34: {  	[smem:$0x3FA7] =	sst s10  }
0x35: {  	s10 =	sld [smem:$0x3FA6];
	_ =	sdelay $0x3  }
0x36: {  	p1 =	seq.s32 s10, $0x1;
	s10 =	sld [smem:$0x3FA7];
	_ =	sdelay $0x3  }
0x37: {  	[smem:$0x3FA7] =	sst s10  }
0x38: {  	s10 =	sld [smem:$0x3FA8]  }
0x39: {  	_ = 	snop;
	(pc) =	sbr.ind lr, $3  }
0x3a: {  	_ = 	snop  }
0x3b: {  	_ = 	snop  }
0x3c: {  	p2 =	seq.s32 s10, $0x1;
	s10 =	sld [smem:$0x3FA7]  }
0x3d: {  	_ =	shalt  }
0x3e: {  	_ =	shalt  }
0x3f: {  	_ =	shalt  }
0x40: {  	_ =	shalt  }
0x41: {  	_ =	shalt  }
0x42: {  	_ =	shalt  }
0x43: {  	_ =	shalt  }
0x44: {  	_ =	shalt  }
0x45: {  	_ =	shalt  }
0x46: {  	_ =	shalt  }
0x47: {  	_ =	shalt  }
0x48: {  	_ =	shalt  }
0x49: {  	_ =	shalt  }
0x4a: {  	_ =	shalt  }
0x4b: {  	_ =	shalt  }
0x4c: {  	_ =	shalt  }
0x4d: {  	_ =	shalt  }
0x4e: {  	_ =	shalt  }
0x4f: {  	_ =	shalt  }
0x50: {  	_ =	shalt  }
0x51: {  	_ =	shalt  }
0x52: {  	_ =	shalt  }
0x53: {  	_ =	shalt  }
0x54: {  	_ =	shalt  }
0x55: {  	_ =	shalt  }
0x56: {  	_ =	shalt  }
0x57: {  	_ =	shalt  }
0x58: {  	_ =	shalt  }
0x59: {  	_ =	shalt  }
0x5a: {  	_ =	shalt  }
0x5b: {  	_ =	shalt  }
0x5c: {  	_ =	shalt  }
0x5d: {  	_ =	shalt  }
0x5e: {  	_ =	shalt  }
0x5f: {  	_ =	shalt  }
0x60: {  	_ =	shalt  }
0x61: {  	_ =	shalt  }
0x62: {  	_ =	shalt  }
0x63: {  	_ =	shalt  }
0x64: {  	_ =	shalt  }
0x65: {  	_ =	shalt  }
0x66: {  	_ =	shalt  }
0x67: {  	_ =	shalt  }
0x68: {  	_ =	shalt  }
0x69: {  	_ =	shalt  }
0x6a: {  	_ =	shalt  }
0x6b: {  	_ =	shalt  }
0x6c: {  	_ =	shalt  }
0x6d: {  	_ =	shalt  }
0x6e: {  	_ =	shalt  }
0x6f: {  	_ =	shalt  }
0x70: {  	_ =	shalt  }
0x71: {  	_ =	shalt  }
0x72: {  	_ =	shalt  }
0x73: {  	_ =	shalt  }
0x74: {  	_ =	shalt  }
0x75: {  	_ =	shalt  }
0x76: {  	_ =	shalt  }
0x77: {  	_ =	shalt  }
0x78: {  	_ =	shalt  }
0x79: {  	_ =	shalt  }
0x7a: {  	_ =	shalt  }
0x7b: {  	_ =	shalt  }
0x7c: {  	_ =	shalt  }
0x7d: {  	_ =	shalt  }
0x7e: {  	_ =	shalt  }
0x7f: {  	_ =	shalt  }
0x80: {  	_ =	shalt  }
0x81: {  	_ =	shalt  }
0x82: {  	_ =	shalt  }
0x83: {  	_ =	shalt  }
0x84: {  	_ =	shalt  }
0x85: {  	_ =	shalt  }
0x86: {  	_ =	shalt  }
0x87: {  	_ =	shalt  }
.Lfunc_end0:
.L_simem_size_0:
called_computation.1_lowered:
.L_overlay_start_0:
0x88: {  	s2 =	sld [smem:$0x3FD9]  }
0x89: {  	s3 =	sld [smem:$0x3FFE];
	_ =	sdelay $0x1  }
0x8a: {  	s1 =	srdreg.scid  }
0x8b: {  	s0 =	sand.u32 $0x1, s1  }
0x8c: {  	s17 =	sshll.u32 s0, $0xA;
	s2 =	sadd.s32 s3, s2  }
0x8d: {  	s2 =	sadd.s32 s2, s17  }
0x8e: {  	[smem:$0x3FB3] =	sst s2  }
0x8f: {  	_ = 	snop  }
0x90: {  	s2 =	sld [smem:$0x3FD0];
	(tm) =	ssettm $0x1  }
0x91: {  	s18 =	sld [smem:$0x3FFB];
	_ =	sdelay $0x3  }
0x92: {  	_ =	strace s18  }
0x93: {  	s3 =	sld [smem:$0x3FFC];
	_ =	sdelay $0x3  }
0x94: {  	_ =	strace s3  }
0x95: {  	s3 =	sld [smem:$0x3FFD];
	_ =	sdelay $0x3  }
0x96: {  	_ =	strace s3  }
0x97: {  	_ =	strace $0x8FFFFFFF  }
0x98: {  	s19 =	sld [smem:$0x3FDB];
	_ =	sdelay $0x1  }
0x99: {  	s4 =	simm.s32 $_scs_section_size  }
0x9a: {  	s5 =	simm.s32 $_size__tile_overlayer_lowered;
	s6 =	simm.s32 $_tile_overlayer_lowered  }
0x9b: {  	s22 =	simm.s32 $0x1BFF;
	s21 =	sshll.u32 s6, $0x1;
	s3 =	sadd.s32 s4, s19  }
0x9c: {  	s7 =	simm.s32 $0x0;
	s20 =	sshll.u32 s5, $0x1;
	s5 =	sadd.s32 s21, s3  }
0x9d: {  	[timem:s7], [sflag:s22] =	dma.local [hbm:s5], s20  }
0x9e: {  	_ =	swait.ge [sflag:s22], s20  }
0x9f: {  	s4 =	ssub.s32 $0x0, s20;
	[sflag:s22] =	ssyncset.done $0x0  }
0xa0: {  	[sflag:s22] =	ssyncadd.s32 s4;
	_ =	sdelay $0x1  }
0xa1: {  	s23 =	simm.s32 $0x1B8B  }
0xa2: {  	_ =	swait.ge [sflag:s23], $0x1  }
0xa3: {  	[sflag:s23] =	ssyncset.done $0x0  }
0xa4: {  	s25 =	simm.s32 $0x1B8E;
	s24 =	sld [smem:$0x3FFE];
	[sflag:s23] =	ssyncadd.s32 $0xFFFFFFFF  }
0xa5: {  	s26 =	simm.s32 $execute0_lowered;
	[smem:$0x3FD2] =	sst s25  }
0xa6: {  	s5 =	sshll.u32 s26, $0x1;
	_ =	strace $0x80000049;
	[dreg:$0x1] =	wrdreg $0xFFFFFFFF  }
0xa7: {  	s28 =	simm.s32 $_size_execute0_lowered;
	s3 =	sadd.s32 s3, s5;
	[dreg:$0x0] =	wrdreg $0x0  }
0xa8: {  	s5 =	sshll.u32 s28, $0x1;
	[dreg:$0x2] =	wrdreg s3  }
0xa9: {  	[dreg:$0x3] =	wrdreg s5  }
0xaa: {  	[dreg:$0x4] =	wrdreg $0xC0  }
0xab: {  	_ =	task [dreg:s7], $0x5FFFF  }
0xac: {  	[dreg:$0x1] =	wrdreg $0xFFFFFFFF  }
0xad: {  	[dreg:$0x0] =	wrdreg $0x60  }
0xae: {  	[dreg:$0x2] =	wrdreg s2  }
0xaf: {  	[dreg:$0x3] =	wrdreg s24  }
0xb0: {  	[dreg:$0x4] =	wrdreg $0x0  }
0xb1: {  	[dreg:$0x5] =	wrdreg $0x9  }
0xb2: {  	_ =	task.clear_ibuf [dreg:s7], $0x6FFFF;
	_ =	strace $0x90000049  }
0xb3: {  	s29 =	simm.s32 $0x9;
	_ =	strace $0x8000004B  }
0xb4: {  	_ =	swait.ge [sflag:s29], $0x1  }
0xb5: {  	[sflag:s29] =	ssyncadd.s32 $0xFFFFFFFF  }
0xb6: {  	_ =	strace $0x9000004B  }
0xb7: {  	_ =	sfence  }
0xb8: {  	s30 =	sld [smem:$0x0];
	_ =	sdelay $0x2  }
0xb9: {  	s31 =	sshll.u32 s1, $0xD;
	s1 =	sshrl.u32 s1, $0x2  }
0xba: {  	s3 =	sand.u32 $0x4000, s31;
	s1 =	sadd.s32 s1, s30  }
0xbb: {  	s0 =	sor.u32 s3, s0;
	s1 =	sshll.u32 s1, $0x11  }
0xbc: {  	s0 =	sor.u32 s1, s0  }
0xbd: {  	s0 =	sadd.s32 $0x8F2B, s0  }
0xbe: {  	[sflag:s0] =	ssyncadd.remote.s32 $0x1  }
0xbf: {  	_ =	sfence.sel $0xFFFF  }
0xc0: {  	[dreg:$0x0] =	wrdreg $0xFFFFFFFF;
	(pc) =	sbr.abs _section_cstart, $3  }
0xc1: {  	[dreg:$0x1] =	wrdreg $0xFFFFFFFF  }
0xc2: {  	_ =	task.clear_ibuf [dreg:s7], $0x2FFFF;
	_ =	strace $0x9FFFFFFF  }
0xc3: {  	(tm) =	ssettm $0x7FFFFFFF  }
tec
execute0_lowered:
.L_overlay_start_1:
0x0: {  	(tag) =	ssettag $0x1  }
0x1: {  	s1 =	rddreg [dreg:$0x0]  }
0x2: {  	s0 =	rddreg [dreg:$0x1];
	s13 =	stileid.u32  }
0x3: {  	s3 =	rddreg [dreg:$0x2];
	s5 =	smul.u32 $0x13880, s13  }
0x4: {  	s2 =	srdreg.scid;
	s10 =	smul.u32 $0x4E200, s13  }
0x5: {  	s4 =	simm.s32 $0x0;
	s28 =	simm.s32 $0x13880;
	s12 =	smul.u32 $0x7D, s13  }
0x6: {  	s29 =	simm.s32 $0x139C0;
	s2 =	sand.u32 $0x1, s2;
	s21 =	smul.u32 $0x27100, s13  }
0x7: {  	s30 =	simm.s32 $0x13920;
	s31 =	simm.s32 $0x161C0;
	s6 =	smul.u32 $0x138800, s2  }
0x8: {  	[smem:$0x7FF] =	sst s4;
	s7 =	sadd.s32 $0x4C00, s0;
	s8 =	smul.u32 $0x7D0, s2  }
0x9: {  	s9 =	sadd.s32 $0x548800, s0;
	s11 =	ssub.s32 $0x2, s2;
	s19 =	smul.u32 $0x271000, s2  }
0xa: {  	_ =	strace $0x8000004A;
	s2 =	smul.u32 $0x4E20, s2;
	s23 =	sshrl.u32 s11, $0x1  }
0xb: {  	s10 =	sshrl.u32 s10, $0x2;
	s6 =	sadd.s32 s5, s6;
	s8 =	sadd.s32 s12, s8  }
0xc: {  	s10 =	sadd.s32 s10, s3;
	s5 =	sadd.s32 s5, s3;
	s2 =	sadd.s32 s2, s7  }
0xd: {  	s12 =	simm.s32 $0x6;
	s6 =	sshrl.u32 s6, $0x3;
	s24 =	sadd.s32 $0x2800, s10  }
0xe: {  	s25 =	smul.u32 $0xA, s8;
	s26 =	sadd.s32 $0x5000, s10;
	[dreg:$0x4] =	wrdreg s24  }
0xf: {  	s14 =	sadd.s32 $0x7800, s10;
	s15 =	smul.u32 $0x500, s8;
	[dreg:$0x5] =	wrdreg s26  }
0x10: {  	s16 =	sadd.s32 $0xC800, s10;
	s8 =	smul.u32 $0x50, s8;
	[dreg:$0x6] =	wrdreg s14  }
0x11: {  	s17 =	sadd.s32 $0xF000, s10;
	s0 =	sadd.s32 s6, s0;
	[dreg:$0x8] =	wrdreg s16  }
0x12: {  	s6 =	ssub.s32 s11, s23;
	s14 =	sadd.s32 $0xA000, s10;
	[dreg:$0x9] =	wrdreg s17  }
0x13: {  	s10 =	sadd.s32 $0x11800, s10;
	s23 =	smul.u32 $0x4E2, s13;
	[dreg:$0x7] =	wrdreg s14  }
0x14: {  	s16 =	simm.s32 $0x8;
	s13 =	simm.s32 $0x0;
	[dreg:$0xa] =	wrdreg s10  }
0x15: {  	s18 =	sadd.s32 s7, s25;
	s15 =	sadd.s32 s9, s15;
	s8 =	sadd.s32 $0x50, s8  }
0x16: {  	s0 =	sadd.s32 $0x18600, s0;
	s22 =	smax.u32 s6, $0x1;
	s25 =	sadd.s32 s19, s9  }
0x17: {  	s6 =	simm.s32 $0x1B1C0;
	s10 =	simm.s32 $0x7;
	[dreg:$0xe] =	wrdreg s0  }
0x18: {  	s20 =	sshrl.u32 s8, $0x3;
	s8 =	sshll.u32 s8, $0x4;
	[dreg:$0xf] =	wrdreg s22  }
0x19: {  	[dreg:$0xb] =	wrdreg s18;
	s24 =	sadd.s32 $0x4D8, s18;
	s26 =	sadd.s32 $0x26C00, s15  }
0x1a: {  	s21 =	sadd.s32 s21, s25;
	s0 =	sadd.s32 s23, s2;
	s23 =	simm.s32 $0x189C0  }
0x1b: {  	s25 =	simm.s32 $0x50;
	s2 =	simm.s32 $0x2;
	s11 =	sadd.s32 s7, s20  }
0x1c: {  	s8 =	sadd.s32 s9, s8;
	[dreg:$0x10] =	wrdreg s24;
	s20 =	smov.u32 s15  }
0x1d: {  	[dreg:$0x11] =	wrdreg s26;
	s22 =	sadd.s32 $0x1E, s0;
	s24 =	simm.s32 $0x9  }
0x1e: {  	s26 =	simm.s32 $0x4E200;
	s0 =	simm.s32 $0x1;
	s7 =	simm.s32 $0x3  }
0x1f: {  	s9 =	simm.s32 $0x138D0;
	s15 =	simm.s32 $0x13970;
	[dreg:$0xc] =	wrdreg s11  }
0x20: {  	v0 =	vimm.f32 $0.0e+00;
	[dreg:$0xd] =	wrdreg s8;
	s8 =	simm.s32 $0x5;
	s11 =	simm.s32 $0x4  }
.LBB2_1:
0x21: {  	s14 =	simm.s32 $0x0;
	s17 =	simm.s32 $0x200  }
.LBB2_2:
0x22: {  	p0 =	sne.s32 s17, $0x9E00;
	[tilespmem:s14+$0x18A30] =	vst v0  }
0x23: {  	[tilespmem:s14+$0x189C0] =	vst v0  }
0x24: {  	[tilespmem:s14+$0x189D0] =	vst v0  }
.Ltmp0:
0x25: {  	[tilespmem:s14+$0x189E0] =	vst v0;
	(pc) =	sbr.rel @p0 .LBB2_2-.Ltmp0, $4  }
0x26: {  	[tilespmem:s14+$0x189F0] =	vst v0  }
0x27: {  	[tilespmem:s14+$0x18A00] =	vst v0  }
0x28: {  	[tilespmem:s14+$0x18A10] =	vst v0  }
0x29: {  	[tilespmem:s14+$0x18A20] =	vst v0;
	s14 =	sshra.s32 s17, $0x2;
	s17 =	sadd.s32 $0x200, s17  }
0x2a: {  	[tilespmem:s14+$0x18A30] =	vst v0  }
0x2b: {  	[tilespmem:s14+$0x189C0] =	vst v0  }
0x2c: {  	[tilespmem:s14+$0x189D0] =	vst v0  }
0x2d: {  	[tilespmem:s14+$0x189E0] =	vst v0  }
0x2e: {  	[tilespmem:s14+$0x189F0] =	vst v0  }
0x2f: {  	[tilespmem:s14+$0x18A00] =	vst v0  }
0x30: {  	[tilespmem:s14+$0x18A10] =	vst v0  }
0x31: {  	[tilespmem:s14+$0x18A20] =	vst v0  }
0x32: {  	[spmem:s5] =	stream.linear.scatter [tilespmem:s23], [sflag:$0x9], $0x2800, $0x38;
	[tilespmem:$0x1D9C0] =	vst v63  }
0x33: {  	_ =	swait.ge [sflag:s24], $0x2800  }
0x34: {  	[sflag:s24] =	ssyncset.done $0x0  }
0x35: {  	s19 =	rddreg [dreg:$0x4];
	[sflag:s24] =	ssyncadd.s32 $0xFFFFD800  }
0x36: {  	[spmem:s19] =	stream.linear.scatter [tilespmem:s23], [sflag:$0x9], $0x2800, $0x38;
	[tilespmem:$0x1D9C0] =	vst v63  }
0x37: {  	_ =	swait.ge [sflag:s24], $0x2800  }
0x38: {  	[sflag:s24] =	ssyncset.done $0x0  }
0x39: {  	s17 =	rddreg [dreg:$0x5];
	[sflag:s24] =	ssyncadd.s32 $0xFFFFD800  }
0x3a: {  	[spmem:s17] =	stream.linear.scatter [tilespmem:s23], [sflag:$0x9], $0x2800, $0x38;
	[tilespmem:$0x1D9C0] =	vst v63  }
0x3b: {  	_ =	swait.ge [sflag:s24], $0x2800  }
0x3c: {  	[sflag:s24] =	ssyncset.done $0x0  }
0x3d: {  	s18 =	rddreg [dreg:$0x6];
	[sflag:s24] =	ssyncadd.s32 $0xFFFFD800  }
0x3e: {  	[spmem:s18] =	stream.linear.scatter [tilespmem:s23], [sflag:$0x9], $0x2800, $0x38;
	[tilespmem:$0x1D9C0] =	vst v63  }
0x3f: {  	_ =	swait.ge [sflag:s24], $0x2800  }
0x40: {  	[sflag:s24] =	ssyncset.done $0x0  }
0x41: {  	s19 =	rddreg [dreg:$0x7];
	[sflag:s24] =	ssyncadd.s32 $0xFFFFD800  }
0x42: {  	[spmem:s19] =	stream.linear.scatter [tilespmem:s23], [sflag:$0x9], $0x2800, $0x38;
	[tilespmem:$0x1D9C0] =	vst v63  }
0x43: {  	_ =	swait.ge [sflag:s24], $0x2800  }
0x44: {  	[sflag:s24] =	ssyncset.done $0x0  }
0x45: {  	s17 =	rddreg [dreg:$0x8];
	[sflag:s24] =	ssyncadd.s32 $0xFFFFD800  }
0x46: {  	[spmem:s17] =	stream.linear.scatter [tilespmem:s23], [sflag:$0x9], $0x2800, $0x38;
	[tilespmem:$0x1D9C0] =	vst v63  }
0x47: {  	_ =	swait.ge [sflag:s24], $0x2800  }
0x48: {  	[sflag:s24] =	ssyncset.done $0x0  }
0x49: {  	s18 =	rddreg [dreg:$0x9];
	[sflag:s24] =	ssyncadd.s32 $0xFFFFD800  }
0x4a: {  	[spmem:s18] =	stream.linear.scatter [tilespmem:s23], [sflag:$0x9], $0x2800, $0x38;
	[tilespmem:$0x1D9C0] =	vst v63  }
0x4b: {  	_ =	swait.ge [sflag:s24], $0x2800  }
0x4c: {  	[sflag:s24] =	ssyncset.done $0x0  }
0x4d: {  	s19 =	rddreg [dreg:$0xa];
	[sflag:s24] =	ssyncadd.s32 $0xFFFFD800  }
0x4e: {  	[spmem:s19] =	stream.linear.scatter [tilespmem:s23], [sflag:$0x9], $0x2080, $0x38;
	[tilespmem:$0x1D9C0] =	vst v63  }
0x4f: {  	_ =	swait.ge [sflag:s24], $0x2080  }
0x50: {  	[sflag:s24] =	ssyncset.done $0x0  }
0x51: {  	[sflag:s24] =	ssyncadd.s32 $0xFFFFDF80  }
0x52: {  	[bflag:$0x0] =	sbarrier.arrive $0xFFFF  }
0x53: {  	s17 =	rddreg [dreg:$0xb]  }
0x54: {  	[tilespmem:s28], [sflag:$0x1] =	stream.strided.gather [hbm4b:s17+s25], $0xA0, s26, s25, $0x38;
	[tilespmem:$0x1D9C0] =	vst v63  }
0x55: {  	s18 =	simm.s32 $0x0  }
0x56: {  	[tilespmem:s29], [sflag:$0x3] =	stream.linear.gather [hbm4b:s20+s18], $0x2800, $0x38;
	[tilespmem:$0x1D9C0] =	vst v63  }
0x57: {  	s17 =	rddreg [dreg:$0xc]  }
0x58: {  	[tilespmem:s30], [sflag:$0x2] =	stream.strided.gather [hbm4b:s17+s25], $0xA0, s26, s25, $0x38;
	[tilespmem:$0x1D9C0] =	vst v63  }
0x59: {  	s19 =	rddreg [dreg:$0xd]  }
0x5a: {  	[tilespmem:s31], [sflag:$0x4] =	stream.linear.gather [hbm4b:s19+s18], $0x2800, $0x38;
	[tilespmem:$0x1D9C0] =	vst v63  }
0x5b: {  	_ =	swait.ge [sflag:s0], $0xA0  }
0x5c: {  	[sflag:s0] =	ssyncset.done $0x0  }
0x5d: {  	[sflag:s0] =	ssyncadd.s32 $0xFFFFFF60  }
0x5e: {  	[tilespmem:s23], [sflag:$0x5] =	stream.indirect.gather [hbm4b:s1+s25], $0x80, s28, s25, $0xb8;
	[tilespmem:$0x1D9C0] =	vst v63  }
0x5f: {  	_ =	swait.ge [sflag:s2], $0xA0  }
0x60: {  	[sflag:s2] =	ssyncset.done $0x0  }
0x61: {  	[sflag:s2] =	ssyncadd.s32 $0xFFFFFF60  }
0x62: {  	[tilespmem:s6], [sflag:$0x6] =	stream.indirect.gather [hbm4b:s1+s25], $0x80, s30, s25, $0xb8;
	[tilespmem:$0x1D9C0] =	vst v63  }
0x63: {  	_ =	swait.ge [sflag:s7], $0x2800  }
0x64: {  	[sflag:s7] =	ssyncset.done $0x0  }
0x65: {  	[sflag:s7] =	ssyncadd.s32 $0xFFFFD800  }
0x66: {  	_ =	swait.ge [sflag:s8], $0x2800  }
0x67: {  	[sflag:s8] =	ssyncset.done $0x0  }
0x68: {  	[sflag:s8] =	ssyncadd.s32 $0xFFFFD800  }
0x69: {  	[spmem:s3] =	stream.indirect.scatter.add.f32 [tilespmem:s23], [sflag:$0x7], $0x80, s9, s25, $0xb8;
	[tilespmem:$0x1D9C0] =	vst v63  }
0x6a: {  	_ =	swait.ge [sflag:s10], $0x2800  }
0x6b: {  	[sflag:s10] =	ssyncset.done $0x0  }
0x6c: {  	s17 =	sadd.s32 $0xFFFFFFF6, s22;
	s18 =	sadd.s32 $0x0, s21;
	[sflag:s10] =	ssyncadd.s32 $0xFFFFD800  }
0x6d: {  	[tilespmem:s28], [sflag:$0x1] =	stream.strided.gather [hbm4b:s17+s25], $0xA0, s26, s25, $0x38;
	[tilespmem:$0x1D9C0] =	vst v63  }
0x6e: {  	s19 =	sadd.s32 $0xA00, s18  }
0x6f: {  	[tilespmem:s29], [sflag:$0x3] =	stream.linear.gather [hbm4b:s19+s4], $0x2800, $0x38;
	[tilespmem:$0x1D9C0] =	vst v63  }
0x70: {  	_ =	swait.ge [sflag:s0], $0xA0  }
0x71: {  	[sflag:s0] =	ssyncset.done $0x0  }
0x72: {  	[sflag:s0] =	ssyncadd.s32 $0xFFFFFF60  }
0x73: {  	[tilespmem:s23], [sflag:$0x5] =	stream.indirect.gather [hbm4b:s1+s25], $0x80, s28, s25, $0xb8;
	[tilespmem:$0x1D9C0] =	vst v63  }
0x74: {  	_ =	swait.ge [sflag:s11], $0x2800  }
0x75: {  	[sflag:s11] =	ssyncset.done $0x0  }
0x76: {  	[sflag:s11] =	ssyncadd.s32 $0xFFFFD800  }
0x77: {  	_ =	swait.ge [sflag:s12], $0x2800  }
0x78: {  	[sflag:s12] =	ssyncset.done $0x0  }
0x79: {  	[sflag:s12] =	ssyncadd.s32 $0xFFFFD800  }
0x7a: {  	[spmem:s3] =	stream.indirect.scatter.add.f32 [tilespmem:s6], [sflag:$0x8], $0x80, s15, s25, $0xb8;
	[tilespmem:$0x1D9C0] =	vst v63  }
0x7b: {  	_ =	swait.ge [sflag:s16], $0x2800  }
0x7c: {  	s14 =	sadd.s32 $0x14, s22;
	[sflag:s16] =	ssyncset.done $0x0  }
0x7d: {  	s18 =	sadd.s32 $0xF00, s18;
	s17 =	simm.s32 $0xA00;
	[sflag:s16] =	ssyncadd.s32 $0xFFFFD800  }
0x7e: {  	[tilespmem:s30], [sflag:$0x2] =	stream.strided.gather [hbm4b:s22+s25], $0xA0, s26, s25, $0x38;
	[tilespmem:$0x1D9C0] =	vst v63  }
.LBB2_4:
0x7f: {  	[tilespmem:s31], [sflag:$0x4] =	stream.linear.gather [hbm4b:s18+s4], $0x2800, $0x38;
	[tilespmem:$0x1D9C0] =	vst v63  }
0x80: {  	s18 =	smov.u32 s17  }
0x81: {  	p0 =	sne.s32 s17, $0x25800;
	s17 =	sadd.s32 $0xA00, s17;
	_ =	swait.ge [sflag:s2], $0xA0  }
0x82: {  	[sflag:s2] =	ssyncset.done $0x0  }
0x83: {  	[sflag:s2] =	ssyncadd.s32 $0xFFFFFF60  }
0x84: {  	[tilespmem:s6], [sflag:$0x6] =	stream.indirect.gather [hbm4b:s1+s25], $0x80, s30, s25, $0xb8;
	[tilespmem:$0x1D9C0] =	vst v63  }
0x85: {  	_ =	swait.ge [sflag:s7], $0x2800  }
0x86: {  	[sflag:s7] =	ssyncset.done $0x0  }
0x87: {  	[sflag:s7] =	ssyncadd.s32 $0xFFFFD800  }
0x88: {  	_ =	swait.ge [sflag:s8], $0x2800  }
0x89: {  	[sflag:s8] =	ssyncset.done $0x0  }
0x8a: {  	[sflag:s8] =	ssyncadd.s32 $0xFFFFD800  }
0x8b: {  	[spmem:s3] =	stream.indirect.scatter.add.f32 [tilespmem:s23], [sflag:$0x7], $0x80, s9, s25, $0xb8;
	[tilespmem:$0x1D9C0] =	vst v63  }
0x8c: {  	_ =	swait.ge [sflag:s10], $0x2800  }
0x8d: {  	[sflag:s10] =	ssyncset.done $0x0  }
0x8e: {  	s19 =	sadd.s32 $0xFFFFFFF6, s14;
	s18 =	sadd.s32 s18, s21;
	[sflag:s10] =	ssyncadd.s32 $0xFFFFD800  }
0x8f: {  	[tilespmem:s28], [sflag:$0x1] =	stream.strided.gather [hbm4b:s19+s25], $0xA0, s26, s25, $0x38;
	[tilespmem:$0x1D9C0] =	vst v63  }
0x90: {  	s19 =	sadd.s32 $0xA00, s18  }
0x91: {  	[tilespmem:s29], [sflag:$0x3] =	stream.linear.gather [hbm4b:s19+s4], $0x2800, $0x38;
	[tilespmem:$0x1D9C0] =	vst v63  }
0x92: {  	_ =	swait.ge [sflag:s0], $0xA0  }
0x93: {  	[sflag:s0] =	ssyncset.done $0x0  }
0x94: {  	[sflag:s0] =	ssyncadd.s32 $0xFFFFFF60  }
0x95: {  	[tilespmem:s23], [sflag:$0x5] =	stream.indirect.gather [hbm4b:s1+s25], $0x80, s28, s25, $0xb8;
	[tilespmem:$0x1D9C0] =	vst v63  }
0x96: {  	_ =	swait.ge [sflag:s11], $0x2800  }
0x97: {  	[sflag:s11] =	ssyncset.done $0x0  }
0x98: {  	[sflag:s11] =	ssyncadd.s32 $0xFFFFD800  }
0x99: {  	_ =	swait.ge [sflag:s12], $0x2800  }
0x9a: {  	[sflag:s12] =	ssyncset.done $0x0  }
0x9b: {  	[sflag:s12] =	ssyncadd.s32 $0xFFFFD800  }
0x9c: {  	[spmem:s3] =	stream.indirect.scatter.add.f32 [tilespmem:s6], [sflag:$0x8], $0x80, s15, s25, $0xb8;
	[tilespmem:$0x1D9C0] =	vst v63  }
.Ltmp1:
0x9d: {  	_ =	swait.ge [sflag:s16], $0x2800;
	(pc) =	sbr.rel @p0 .LBB2_4-.Ltmp1, $4  }
0x9e: {  	[sflag:s16] =	ssyncset.done $0x0  }
0x9f: {  	[sflag:s16] =	ssyncadd.s32 $0xFFFFD800  }
0xa0: {  	[tilespmem:s30], [sflag:$0x2] =	stream.strided.gather [hbm4b:s14+s25], $0xA0, s26, s25, $0x38;
	[tilespmem:$0x1D9C0] =	vst v63  }
0xa1: {  	s18 =	sadd.s32 $0xF00, s18;
	s14 =	sadd.s32 $0x14, s14  }
0xa2: {  	[tilespmem:s31], [sflag:$0x4] =	stream.linear.gather [hbm4b:s18+s4], $0x2800, $0x38;
	[tilespmem:$0x1D9C0] =	vst v63  }
0xa3: {  	_ =	swait.ge [sflag:s2], $0xA0  }
0xa4: {  	[sflag:s2] =	ssyncset.done $0x0  }
0xa5: {  	[sflag:s2] =	ssyncadd.s32 $0xFFFFFF60  }
0xa6: {  	[tilespmem:s6], [sflag:$0x6] =	stream.indirect.gather [hbm4b:s1+s25], $0x80, s30, s25, $0xb8;
	[tilespmem:$0x1D9C0] =	vst v63  }
0xa7: {  	_ =	swait.ge [sflag:s7], $0x2800  }
0xa8: {  	[sflag:s7] =	ssyncset.done $0x0  }
0xa9: {  	[sflag:s7] =	ssyncadd.s32 $0xFFFFD800  }
0xaa: {  	_ =	swait.ge [sflag:s8], $0x2800  }
0xab: {  	[sflag:s8] =	ssyncset.done $0x0  }
0xac: {  	[sflag:s8] =	ssyncadd.s32 $0xFFFFD800  }
0xad: {  	[spmem:s3] =	stream.indirect.scatter.add.f32 [tilespmem:s23], [sflag:$0x7], $0x80, s9, s25, $0xb8;
	[tilespmem:$0x1D9C0] =	vst v63  }
0xae: {  	_ =	swait.ge [sflag:s10], $0x2800  }
0xaf: {  	[sflag:s10] =	ssyncset.done $0x0  }
0xb0: {  	s14 =	rddreg [dreg:$0x10];
	[sflag:s10] =	ssyncadd.s32 $0xFFFFD800  }
0xb1: {  	[tilespmem:s28], [sflag:$0x1] =	stream.strided.gather [hbm4b:s14+s25], $0xA0, s26, s25, $0x38;
	[tilespmem:$0x1D9C0] =	vst v63  }
0xb2: {  	s17 =	rddreg [dreg:$0x11]  }
0xb3: {  	[tilespmem:s29], [sflag:$0x3] =	stream.linear.gather [hbm4b:s17+s4], $0x2800, $0x38;
	[tilespmem:$0x1D9C0] =	vst v63  }
0xb4: {  	_ =	swait.ge [sflag:s0], $0xA0  }
0xb5: {  	[sflag:s0] =	ssyncset.done $0x0  }
0xb6: {  	[sflag:s0] =	ssyncadd.s32 $0xFFFFFF60  }
0xb7: {  	[tilespmem:s23], [sflag:$0x5] =	stream.indirect.gather [hbm4b:s1+s25], $0x80, s28, s25, $0xb8;
	[tilespmem:$0x1D9C0] =	vst v63  }
0xb8: {  	_ =	swait.ge [sflag:s11], $0x2800  }
0xb9: {  	[sflag:s11] =	ssyncset.done $0x0  }
0xba: {  	[sflag:s11] =	ssyncadd.s32 $0xFFFFD800  }
0xbb: {  	_ =	swait.ge [sflag:s12], $0x2800  }
0xbc: {  	[sflag:s12] =	ssyncset.done $0x0  }
0xbd: {  	[sflag:s12] =	ssyncadd.s32 $0xFFFFD800  }
0xbe: {  	[spmem:s3] =	stream.indirect.scatter.add.f32 [tilespmem:s6], [sflag:$0x8], $0x80, s15, s25, $0xb8;
	[tilespmem:$0x1D9C0] =	vst v63  }
0xbf: {  	_ =	swait.ge [sflag:s16], $0x2800  }
0xc0: {  	[sflag:s16] =	ssyncset.done $0x0  }
0xc1: {  	[sflag:s16] =	ssyncadd.s32 $0xFFFFD800  }
0xc2: {  	_ =	swait.ge [sflag:s7], $0x2800  }
0xc3: {  	[sflag:s7] =	ssyncset.done $0x0  }
0xc4: {  	[sflag:s7] =	ssyncadd.s32 $0xFFFFD800  }
0xc5: {  	_ =	swait.ge [sflag:s8], $0x2800  }
0xc6: {  	[sflag:s8] =	ssyncset.done $0x0  }
0xc7: {  	[sflag:s8] =	ssyncadd.s32 $0xFFFFD800  }
0xc8: {  	[spmem:s3] =	stream.indirect.scatter.add.f32 [tilespmem:s23], [sflag:$0x7], $0x80, s9, s25, $0xb8;
	[tilespmem:$0x1D9C0] =	vst v63  }
0xc9: {  	_ =	swait.ge [sflag:s10], $0x2800  }
0xca: {  	[sflag:s10] =	ssyncset.done $0x0  }
0xcb: {  	s18 =	stileid.u32;
	[sflag:s10] =	ssyncadd.s32 $0xFFFFD800  }
0xcc: {  	s14 =	sshll.u32 s18, $0x6;
	[bflag:$0x0] =	sbarrier.arrive $0xFFFF  }
0xcd: {  	s14 =	sor.u32 $0x1C09, s14;
	s17 =	sshrl.u32 s5, $0x3;
	s19 =	rddreg [dreg:$0xe]  }
0xce: {  	[hbm:s19], [sflag:s14] =	dma.local [spmem:s17], $0x2710  }
0xcf: {  	_ =	swait.ge [sflag:s24], $0x2710  }
0xd0: {  	s13 =	sadd.s32 $0x1, s13;
	s19 =	rddreg [dreg:$0xf]  }
0xd1: {  	p0 =	sne.s32 s13, s19  }
.Ltmp2:
0xd2: {  	_ = 	snop;
	(pc) =	sbr.rel @p0 .LBB2_1-.Ltmp2, $3  }
0xd3: {  	_ =	sdelay $0x1  }
0xd4: {  	[sflag:s24] =	ssyncset.done $0x0  }
0xd5: {  	[sflag:s24] =	ssyncadd.s32 $0xFFFFD8F0  }
0xd6: {  	_ =	sfence.sel $0x180000  }
0xd7: {  	[bflag:$0x0] =	sbarrier.arrive $0xFFFF  }
0xd8: {  	_ =	strace $0x9000004A  }
0xd9: {  	s0 =	stileid.u32;
	[bflag:$0x2] =	sbarrier.arrive $0xFFFF  }
0xda: {  	p0 =	sne.s32 s0, $0x0;
	s0 =	rddreg [dreg:$0x3]  }
0xdb: {  	s0 =	sadd.s32 @!p0 $0x100000, s0  }
0xdc: {  	[sflag:s0] =	ssyncadd.tile.s32 @!p0 $0x1;
	_ =	shalt  }
.Lfunc_end2:
_tile_overlayer_lowered:
.L_overlay_start_2:
0xdd: {  	(tag) =	ssettag $0x2  }
0xde: {  	s0 =	rddreg [dreg:$0x0];
	s2 =	stileid.u32  }
0xdf: {  	s1 =	rddreg [dreg:$0x1];
	p0 =	sne.s32 s2, $0x0  }
0xe0: {  	s3 =	rddreg [dreg:$0x2];
	[bflag:$0x3] =	sbarrier.arrive $0xFFFF;
	s2 =	simm.s32 @!p0 $0x1C09  }
0xe1: {  	[timem:s3], [sflag:s2] =	dma.local @!p0 [hbm:s0], s1  }
0xe2: {  	s0 =	simm.s32 @!p0 $0x9  }
0xe3: {  	_ =	swait.ge @!p0 [sflag:s0], s1  }
0xe4: {  	s1 =	ssub.s32 @!p0 $0x0, s1;
	[sflag:s0] =	ssyncset.done @!p0 $0x0  }
0xe5: {  	[sflag:s0] =	ssyncadd.s32 @!p0 s1  }
0xe6: {  	[bflag:$0x3] =	sbarrier.arrive $0xFFFF  }
0xe7: {  	_ =	shalt  }

// kernel: kernel.17.cloned.1.call-start
scs
__scs_entry_jumppad:
0x0: {  	(pc) =	sbr.rel $0x88, $3  }
0x1: {  	(tag) =	ssettag $0x0;
	lr =	simm.s32 $0x1  }
0x2: {  	[smem:$0x3F8C] =	sst lr;
	_ =	strace $0xD0000000  }
0x3: {  	_ = 	snop  }
0x4: {  	_ = 	snop  }
0x5: {  	_ = 	snop  }
0x6: {  	_ = 	snop  }
0x7: {  	_ = 	snop  }
__scs_overlays_trampoline_lowered:
0x8: {  	[smem:$0x3F9B] =	sst s0  }
0x9: {  	[smem:$0x3F9C] =	sst s1  }
0xa: {  	[smem:$0x3F9D] =	sst s2  }
0xb: {  	[smem:$0x3F9E] =	sst s3  }
0xc: {  	[smem:$0x3F9F] =	sst s4  }
0xd: {  	[smem:$0x3FA0] =	sst s5  }
0xe: {  	[smem:$0x3FA1] =	sst s6  }
0xf: {  	[smem:$0x3FA2] =	sst s7  }
0x10: {  	[smem:$0x3FA3] =	sst s8  }
0x11: {  	[smem:$0x3FA4] =	sst s9;
	s0 =	simm.s32 @!p0 $0x0  }
0x12: {  	s1 =	sld [smem:$0x3F8A];
	s0 =	simm.s32 @p0 $0x1  }
0x13: {  	[smem:$0x3FA5] =	sst s0;
	s0 =	simm.s32 @!p1 $0x0  }
0x14: {  	s2 =	sld [smem:$0x3F89];
	s0 =	simm.s32 @p1 $0x1  }
0x15: {  	[smem:$0x3FA6] =	sst s0;
	s0 =	simm.s32 @!p2 $0x0  }
0x16: {  	s3 =	sld [smem:$0x3FDB];
	s0 =	simm.s32 @p2 $0x1  }
0x17: {  	s4 =	simm.s32 $0x1BF5;
	[smem:$0x3FA8] =	sst s0  }
0x18: {  	s0 =	sld [smem:$0x3F8B];
	_ =	swait.ge [sflag:s4], $0x0  }
0x19: {  	s7 =	sld [smem:$0x3F8C]  }
0x1a: {  	s8 =	sadd.s32 $0xFFFFE003, lr  }
0x1b: {  	s9 =	sadd.s32 $0xFFFFFEF7, lr;
	s5 =	simm.s32 $0xFFFFFFFF;
	p2 =	slt.u32 s8, $0xFFFFF086  }
0x1c: {  	p1 =	slt.u32 s9, $0xF7A;
	s5 =	simm.s32 @!p2 $0x0  }
0x1d: {  	s5 =	simm.s32 @p1 $0x1;
	p0 =	seq.s32 s7, s2  }
0x1e: {  	s7 =	smul.u32 @!p0 $0xF7A, s2;
	p2 =	seq.s32 @!p0 s5, $0x0  }
0x1f: {  	s9 =	smul.u32 $0xF7A, s1;
	s8 =	simm.s32 @!p0 $0x1BF5;
	p2 =	por !p2, p0  }
0x20: {  	[sflag:s8] =	ssyncset.s32 @!p0 $0xFFFFF086;
	s6 =	sadd.s32 @!p0 s3, s7;
	s7 =	simm.s32 @!p0 $0x108  }
0x21: {  	s3 =	sadd.s32 s3, s9;
	s6 =	sadd.s32 @!p0 $0x88, s6;
	s7 =	simm.s32 @p2 $0x1082  }
0x22: {  	[simem:s7], [sflag:s8] =	dma.local @!p0 [hbm:s6], $0xF7A  }
0x23: {  	s9 =	sor.u32 $0xD0000000, s2;
	s6 =	simm.s32 $0x108;
	_ =	swait.ge @!p0 [sflag:s8], $0x0  }
0x24: {  	s3 =	sadd.s32 $0x88, s3;
	s6 =	simm.s32 @!p1 $0x1082;
	[sflag:s4] =	ssyncset.s32 $0xFFFFF086  }
0x25: {  	[simem:s6], [sflag:s4] =	dma.local [hbm:s3], $0xF7A  }
0x26: {  	[smem:$0x3F8C] =	sst s1;
	(tag) =	ssettag s2;
	_ =	strace s9  }
0x27: {  	s1 =	sld [smem:$0x3F9C]  }
0x28: {  	s2 =	sld [smem:$0x3F9D]  }
0x29: {  	s4 =	sld [smem:$0x3F9F]  }
0x2a: {  	p0 =	seq.s32 s5, $0x0;
	s5 =	sld [smem:$0x3FA0]  }
0x2b: {  	s6 =	sld [smem:$0x3FA1]  }
0x2c: {  	s7 =	sld [smem:$0x3FA2]  }
0x2d: {  	s3 =	simm.s32 $0x108;
	s8 =	sld [smem:$0x3FA3]  }
0x2e: {  	s3 =	simm.s32 @!p0 $0x1082;
	s9 =	sld [smem:$0x3FA4]  }
0x2f: {  	lr =	sadd.s32 s0, s3;
	s0 =	sld [smem:$0x3F9B]  }
0x30: {  	s3 =	sld [smem:$0x3F9E]  }
0x31: {  	[smem:$0x3FA7] =	sst s10  }
0x32: {  	s10 =	sld [smem:$0x3FA5];
	_ =	sdelay $0x3  }
0x33: {  	p0 =	seq.s32 s10, $0x1;
	s10 =	sld [smem:$0x3FA7];
	_ =	sdelay $0x3  }
0x34: {  	[smem:$0x3FA7] =	sst s10  }
0x35: {  	s10 =	sld [smem:$0x3FA6];
	_ =	sdelay $0x3  }
0x36: {  	p1 =	seq.s32 s10, $0x1;
	s10 =	sld [smem:$0x3FA7];
	_ =	sdelay $0x3  }
0x37: {  	[smem:$0x3FA7] =	sst s10  }
0x38: {  	s10 =	sld [smem:$0x3FA8]  }
0x39: {  	_ = 	snop;
	(pc) =	sbr.ind lr, $3  }
0x3a: {  	_ = 	snop  }
0x3b: {  	_ = 	snop  }
0x3c: {  	p2 =	seq.s32 s10, $0x1;
	s10 =	sld [smem:$0x3FA7]  }
0x3d: {  	_ =	shalt  }
0x3e: {  	_ =	shalt  }
0x3f: {  	_ =	shalt  }
0x40: {  	_ =	shalt  }
0x41: {  	_ =	shalt  }
0x42: {  	_ =	shalt  }
0x43: {  	_ =	shalt  }
0x44: {  	_ =	shalt  }
0x45: {  	_ =	shalt  }
0x46: {  	_ =	shalt  }
0x47: {  	_ =	shalt  }
0x48: {  	_ =	shalt  }
0x49: {  	_ =	shalt  }
0x4a: {  	_ =	shalt  }
0x4b: {  	_ =	shalt  }
0x4c: {  	_ =	shalt  }
0x4d: {  	_ =	shalt  }
0x4e: {  	_ =	shalt  }
0x4f: {  	_ =	shalt  }
0x50: {  	_ =	shalt  }
0x51: {  	_ =	shalt  }
0x52: {  	_ =	shalt  }
0x53: {  	_ =	shalt  }
0x54: {  	_ =	shalt  }
0x55: {  	_ =	shalt  }
0x56: {  	_ =	shalt  }
0x57: {  	_ =	shalt  }
0x58: {  	_ =	shalt  }
0x59: {  	_ =	shalt  }
0x5a: {  	_ =	shalt  }
0x5b: {  	_ =	shalt  }
0x5c: {  	_ =	shalt  }
0x5d: {  	_ =	shalt  }
0x5e: {  	_ =	shalt  }
0x5f: {  	_ =	shalt  }
0x60: {  	_ =	shalt  }
0x61: {  	_ =	shalt  }
0x62: {  	_ =	shalt  }
0x63: {  	_ =	shalt  }
0x64: {  	_ =	shalt  }
0x65: {  	_ =	shalt  }
0x66: {  	_ =	shalt  }
0x67: {  	_ =	shalt  }
0x68: {  	_ =	shalt  }
0x69: {  	_ =	shalt  }
0x6a: {  	_ =	shalt  }
0x6b: {  	_ =	shalt  }
0x6c: {  	_ =	shalt  }
0x6d: {  	_ =	shalt  }
0x6e: {  	_ =	shalt  }
0x6f: {  	_ =	shalt  }
0x70: {  	_ =	shalt  }
0x71: {  	_ =	shalt  }
0x72: {  	_ =	shalt  }
0x73: {  	_ =	shalt  }
0x74: {  	_ =	shalt  }
0x75: {  	_ =	shalt  }
0x76: {  	_ =	shalt  }
0x77: {  	_ =	shalt  }
0x78: {  	_ =	shalt  }
0x79: {  	_ =	shalt  }
0x7a: {  	_ =	shalt  }
0x7b: {  	_ =	shalt  }
0x7c: {  	_ =	shalt  }
0x7d: {  	_ =	shalt  }
0x7e: {  	_ =	shalt  }
0x7f: {  	_ =	shalt  }
0x80: {  	_ =	shalt  }
0x81: {  	_ =	shalt  }
0x82: {  	_ =	shalt  }
0x83: {  	_ =	shalt  }
0x84: {  	_ =	shalt  }
0x85: {  	_ =	shalt  }
0x86: {  	_ =	shalt  }
0x87: {  	_ =	shalt  }
.Lfunc_end0:
.L_simem_size_0:
called_computation.2_lowered:
.L_overlay_start_0:
0x88: {  	s2 =	sld [smem:$0x3FD9]  }
0x89: {  	s3 =	sld [smem:$0x3FFE];
	_ =	sdelay $0x1  }
0x8a: {  	s1 =	srdreg.scid  }
0x8b: {  	s0 =	sand.u32 $0x1, s1  }
0x8c: {  	s17 =	sshll.u32 s0, $0xA;
	s2 =	sadd.s32 s3, s2  }
0x8d: {  	s2 =	sadd.s32 s2, s17  }
0x8e: {  	[smem:$0x3FB3] =	sst s2  }
0x8f: {  	_ = 	snop  }
0x90: {  	s2 =	sld [smem:$0x3FD0];
	(tm) =	ssettm $0x1  }
0x91: {  	s18 =	sld [smem:$0x3FFB];
	_ =	sdelay $0x3  }
0x92: {  	_ =	strace s18  }
0x93: {  	s3 =	sld [smem:$0x3FFC];
	_ =	sdelay $0x3  }
0x94: {  	_ =	strace s3  }
0x95: {  	s3 =	sld [smem:$0x3FFD];
	_ =	sdelay $0x3  }
0x96: {  	_ =	strace s3  }
0x97: {  	_ =	strace $0x8FFFFFFF  }
0x98: {  	s19 =	sld [smem:$0x3FDB];
	_ =	sdelay $0x1  }
0x99: {  	s4 =	simm.s32 $_scs_section_size  }
0x9a: {  	s5 =	simm.s32 $_size__tile_overlayer_lowered;
	s6 =	simm.s32 $_tile_overlayer_lowered  }
0x9b: {  	s22 =	simm.s32 $0x1BFF;
	s21 =	sshll.u32 s6, $0x1;
	s3 =	sadd.s32 s4, s19  }
0x9c: {  	s7 =	simm.s32 $0x0;
	s20 =	sshll.u32 s5, $0x1;
	s5 =	sadd.s32 s21, s3  }
0x9d: {  	[timem:s7], [sflag:s22] =	dma.local [hbm:s5], s20  }
0x9e: {  	_ =	swait.ge [sflag:s22], s20  }
0x9f: {  	s4 =	ssub.s32 $0x0, s20;
	[sflag:s22] =	ssyncset.done $0x0  }
0xa0: {  	[sflag:s22] =	ssyncadd.s32 s4;
	_ =	sdelay $0x1  }
0xa1: {  	s23 =	simm.s32 $0x1B8B  }
0xa2: {  	_ =	swait.ge [sflag:s23], $0x1  }
0xa3: {  	[sflag:s23] =	ssyncset.done $0x0  }
0xa4: {  	s25 =	simm.s32 $0x1B8E;
	s24 =	sld [smem:$0x3FFE];
	[sflag:s23] =	ssyncadd.s32 $0xFFFFFFFF  }
0xa5: {  	s26 =	simm.s32 $execute0_lowered;
	[smem:$0x3FD2] =	sst s25  }
0xa6: {  	s5 =	sshll.u32 s26, $0x1;
	_ =	strace $0x8000004C;
	[dreg:$0x1] =	wrdreg $0xFFFFFFFF  }
0xa7: {  	s28 =	simm.s32 $_size_execute0_lowered;
	s3 =	sadd.s32 s3, s5;
	[dreg:$0x0] =	wrdreg $0x0  }
0xa8: {  	s5 =	sshll.u32 s28, $0x1;
	[dreg:$0x2] =	wrdreg s3  }
0xa9: {  	[dreg:$0x3] =	wrdreg s5  }
0xaa: {  	[dreg:$0x4] =	wrdreg $0xC0  }
0xab: {  	_ =	task [dreg:s7], $0x5FFFF  }
0xac: {  	[dreg:$0x1] =	wrdreg $0xFFFFFFFF  }
0xad: {  	[dreg:$0x0] =	wrdreg $0x60  }
0xae: {  	[dreg:$0x2] =	wrdreg s2  }
0xaf: {  	[dreg:$0x3] =	wrdreg s24  }
0xb0: {  	[dreg:$0x4] =	wrdreg $0x0  }
0xb1: {  	[dreg:$0x5] =	wrdreg $0x9  }
0xb2: {  	_ =	task.clear_ibuf [dreg:s7], $0x6FFFF;
	_ =	strace $0x9000004C  }
0xb3: {  	s29 =	simm.s32 $0x9;
	_ =	strace $0x8000004E  }
0xb4: {  	_ =	swait.ge [sflag:s29], $0x1  }
0xb5: {  	[sflag:s29] =	ssyncadd.s32 $0xFFFFFFFF  }
0xb6: {  	_ =	strace $0x9000004E  }
0xb7: {  	_ =	sfence  }
0xb8: {  	s30 =	sld [smem:$0x0];
	_ =	sdelay $0x2  }
0xb9: {  	s31 =	sshll.u32 s1, $0xD;
	s1 =	sshrl.u32 s1, $0x2  }
0xba: {  	s3 =	sand.u32 $0x4000, s31;
	s1 =	sadd.s32 s1, s30  }
0xbb: {  	s0 =	sor.u32 s3, s0;
	s1 =	sshll.u32 s1, $0x11  }
0xbc: {  	s0 =	sor.u32 s1, s0  }
0xbd: {  	s0 =	sadd.s32 $0x8F2B, s0  }
0xbe: {  	[sflag:s0] =	ssyncadd.remote.s32 $0x1  }
0xbf: {  	_ =	sfence.sel $0xFFFF  }
0xc0: {  	[dreg:$0x0] =	wrdreg $0xFFFFFFFF;
	(pc) =	sbr.abs _section_cstart, $3  }
0xc1: {  	[dreg:$0x1] =	wrdreg $0xFFFFFFFF  }
0xc2: {  	_ =	task.clear_ibuf [dreg:s7], $0x2FFFF;
	_ =	strace $0x9FFFFFFF  }
0xc3: {  	(tm) =	ssettm $0x7FFFFFFF  }
tec
execute0_lowered:
.L_overlay_start_1:
0x0: {  	(tag) =	ssettag $0x1  }
0x1: {  	s1 =	rddreg [dreg:$0x0]  }
0x2: {  	s0 =	rddreg [dreg:$0x1];
	s13 =	stileid.u32  }
0x3: {  	s3 =	rddreg [dreg:$0x2];
	s5 =	smul.u32 $0x13880, s13  }
0x4: {  	s2 =	srdreg.scid;
	s10 =	smul.u32 $0x4E200, s13  }
0x5: {  	s4 =	simm.s32 $0x0;
	s28 =	simm.s32 $0x13880;
	s12 =	smul.u32 $0x7D, s13  }
0x6: {  	s29 =	simm.s32 $0x139C0;
	s2 =	sand.u32 $0x1, s2;
	s21 =	smul.u32 $0x27100, s13  }
0x7: {  	s30 =	simm.s32 $0x13920;
	s31 =	simm.s32 $0x161C0;
	s6 =	smul.u32 $0x138800, s2  }
0x8: {  	[smem:$0x7FF] =	sst s4;
	s7 =	sadd.s32 $0x4C00, s0;
	s8 =	smul.u32 $0x7D0, s2  }
0x9: {  	s9 =	sadd.s32 $0x66800, s0;
	s11 =	ssub.s32 $0x2, s2;
	s19 =	smul.u32 $0x271000, s2  }
0xa: {  	_ =	strace $0x8000004D;
	s2 =	smul.u32 $0x4E20, s2;
	s23 =	sshrl.u32 s11, $0x1  }
0xb: {  	s10 =	sshrl.u32 s10, $0x2;
	s6 =	sadd.s32 s5, s6;
	s8 =	sadd.s32 s12, s8  }
0xc: {  	s10 =	sadd.s32 s10, s3;
	s5 =	sadd.s32 s5, s3;
	s2 =	sadd.s32 s2, s7  }
0xd: {  	s12 =	simm.s32 $0x6;
	s6 =	sshrl.u32 s6, $0x3;
	s24 =	sadd.s32 $0x2800, s10  }
0xe: {  	s25 =	smul.u32 $0xA, s8;
	s26 =	sadd.s32 $0x5000, s10;
	[dreg:$0x4] =	wrdreg s24  }
0xf: {  	s14 =	sadd.s32 $0x7800, s10;
	s15 =	smul.u32 $0x500, s8;
	[dreg:$0x5] =	wrdreg s26  }
0x10: {  	s16 =	sadd.s32 $0xC800, s10;
	s8 =	smul.u32 $0x50, s8;
	[dreg:$0x6] =	wrdreg s14  }
0x11: {  	s17 =	sadd.s32 $0xF000, s10;
	s0 =	sadd.s32 s6, s0;
	[dreg:$0x8] =	wrdreg s16  }
0x12: {  	s6 =	ssub.s32 s11, s23;
	s14 =	sadd.s32 $0xA000, s10;
	[dreg:$0x9] =	wrdreg s17  }
0x13: {  	s10 =	sadd.s32 $0x11800, s10;
	s23 =	smul.u32 $0x4E2, s13;
	[dreg:$0x7] =	wrdreg s14  }
0x14: {  	s16 =	simm.s32 $0x8;
	s13 =	simm.s32 $0x0;
	[dreg:$0xa] =	wrdreg s10  }
0x15: {  	s18 =	sadd.s32 s7, s25;
	s15 =	sadd.s32 s9, s15;
	s8 =	sadd.s32 $0x50, s8  }
0x16: {  	s0 =	sadd.s32 $0x18600, s0;
	s22 =	smax.u32 s6, $0x1;
	s25 =	sadd.s32 s19, s9  }
0x17: {  	s6 =	simm.s32 $0x1B1C0;
	s10 =	simm.s32 $0x7;
	[dreg:$0xe] =	wrdreg s0  }
0x18: {  	s20 =	sshrl.u32 s8, $0x3;
	s8 =	sshll.u32 s8, $0x4;
	[dreg:$0xf] =	wrdreg s22  }
0x19: {  	[dreg:$0xb] =	wrdreg s18;
	s24 =	sadd.s32 $0x4D8, s18;
	s26 =	sadd.s32 $0x26C00, s15  }
0x1a: {  	s21 =	sadd.s32 s21, s25;
	s0 =	sadd.s32 s23, s2;
	s23 =	simm.s32 $0x189C0  }
0x1b: {  	s25 =	simm.s32 $0x50;
	s2 =	simm.s32 $0x2;
	s11 =	sadd.s32 s7, s20  }
0x1c: {  	s8 =	sadd.s32 s9, s8;
	[dreg:$0x10] =	wrdreg s24;
	s20 =	smov.u32 s15  }
0x1d: {  	[dreg:$0x11] =	wrdreg s26;
	s22 =	sadd.s32 $0x1E, s0;
	s24 =	simm.s32 $0x9  }
0x1e: {  	s26 =	simm.s32 $0x4E200;
	s0 =	simm.s32 $0x1;
	s7 =	simm.s32 $0x3  }
0x1f: {  	s9 =	simm.s32 $0x138D0;
	s15 =	simm.s32 $0x13970;
	[dreg:$0xc] =	wrdreg s11  }
0x20: {  	v0 =	vimm.f32 $0.0e+00;
	[dreg:$0xd] =	wrdreg s8;
	s8 =	simm.s32 $0x5;
	s11 =	simm.s32 $0x4  }
.LBB2_1:
0x21: {  	s14 =	simm.s32 $0x0;
	s17 =	simm.s32 $0x200  }
.LBB2_2:
0x22: {  	p0 =	sne.s32 s17, $0x9E00;
	[tilespmem:s14+$0x18A30] =	vst v0  }
0x23: {  	[tilespmem:s14+$0x189C0] =	vst v0  }
0x24: {  	[tilespmem:s14+$0x189D0] =	vst v0  }
.Ltmp0:
0x25: {  	[tilespmem:s14+$0x189E0] =	vst v0;
	(pc) =	sbr.rel @p0 .LBB2_2-.Ltmp0, $4  }
0x26: {  	[tilespmem:s14+$0x189F0] =	vst v0  }
0x27: {  	[tilespmem:s14+$0x18A00] =	vst v0  }
0x28: {  	[tilespmem:s14+$0x18A10] =	vst v0  }
0x29: {  	[tilespmem:s14+$0x18A20] =	vst v0;
	s14 =	sshra.s32 s17, $0x2;
	s17 =	sadd.s32 $0x200, s17  }
0x2a: {  	[tilespmem:s14+$0x18A30] =	vst v0  }
0x2b: {  	[tilespmem:s14+$0x189C0] =	vst v0  }
0x2c: {  	[tilespmem:s14+$0x189D0] =	vst v0  }
0x2d: {  	[tilespmem:s14+$0x189E0] =	vst v0  }
0x2e: {  	[tilespmem:s14+$0x189F0] =	vst v0  }
0x2f: {  	[tilespmem:s14+$0x18A00] =	vst v0  }
0x30: {  	[tilespmem:s14+$0x18A10] =	vst v0  }
0x31: {  	[tilespmem:s14+$0x18A20] =	vst v0  }
0x32: {  	[spmem:s5] =	stream.linear.scatter [tilespmem:s23], [sflag:$0x9], $0x2800, $0x38;
	[tilespmem:$0x1D9C0] =	vst v63  }
0x33: {  	_ =	swait.ge [sflag:s24], $0x2800  }
0x34: {  	[sflag:s24] =	ssyncset.done $0x0  }
0x35: {  	s19 =	rddreg [dreg:$0x4];
	[sflag:s24] =	ssyncadd.s32 $0xFFFFD800  }
0x36: {  	[spmem:s19] =	stream.linear.scatter [tilespmem:s23], [sflag:$0x9], $0x2800, $0x38;
	[tilespmem:$0x1D9C0] =	vst v63  }
0x37: {  	_ =	swait.ge [sflag:s24], $0x2800  }
0x38: {  	[sflag:s24] =	ssyncset.done $0x0  }
0x39: {  	s17 =	rddreg [dreg:$0x5];
	[sflag:s24] =	ssyncadd.s32 $0xFFFFD800  }
0x3a: {  	[spmem:s17] =	stream.linear.scatter [tilespmem:s23], [sflag:$0x9], $0x2800, $0x38;
	[tilespmem:$0x1D9C0] =	vst v63  }
0x3b: {  	_ =	swait.ge [sflag:s24], $0x2800  }
0x3c: {  	[sflag:s24] =	ssyncset.done $0x0  }
0x3d: {  	s18 =	rddreg [dreg:$0x6];
	[sflag:s24] =	ssyncadd.s32 $0xFFFFD800  }
0x3e: {  	[spmem:s18] =	stream.linear.scatter [tilespmem:s23], [sflag:$0x9], $0x2800, $0x38;
	[tilespmem:$0x1D9C0] =	vst v63  }
0x3f: {  	_ =	swait.ge [sflag:s24], $0x2800  }
0x40: {  	[sflag:s24] =	ssyncset.done $0x0  }
0x41: {  	s19 =	rddreg [dreg:$0x7];
	[sflag:s24] =	ssyncadd.s32 $0xFFFFD800  }
0x42: {  	[spmem:s19] =	stream.linear.scatter [tilespmem:s23], [sflag:$0x9], $0x2800, $0x38;
	[tilespmem:$0x1D9C0] =	vst v63  }
0x43: {  	_ =	swait.ge [sflag:s24], $0x2800  }
0x44: {  	[sflag:s24] =	ssyncset.done $0x0  }
0x45: {  	s17 =	rddreg [dreg:$0x8];
	[sflag:s24] =	ssyncadd.s32 $0xFFFFD800  }
0x46: {  	[spmem:s17] =	stream.linear.scatter [tilespmem:s23], [sflag:$0x9], $0x2800, $0x38;
	[tilespmem:$0x1D9C0] =	vst v63  }
0x47: {  	_ =	swait.ge [sflag:s24], $0x2800  }
0x48: {  	[sflag:s24] =	ssyncset.done $0x0  }
0x49: {  	s18 =	rddreg [dreg:$0x9];
	[sflag:s24] =	ssyncadd.s32 $0xFFFFD800  }
0x4a: {  	[spmem:s18] =	stream.linear.scatter [tilespmem:s23], [sflag:$0x9], $0x2800, $0x38;
	[tilespmem:$0x1D9C0] =	vst v63  }
0x4b: {  	_ =	swait.ge [sflag:s24], $0x2800  }
0x4c: {  	[sflag:s24] =	ssyncset.done $0x0  }
0x4d: {  	s19 =	rddreg [dreg:$0xa];
	[sflag:s24] =	ssyncadd.s32 $0xFFFFD800  }
0x4e: {  	[spmem:s19] =	stream.linear.scatter [tilespmem:s23], [sflag:$0x9], $0x2080, $0x38;
	[tilespmem:$0x1D9C0] =	vst v63  }
0x4f: {  	_ =	swait.ge [sflag:s24], $0x2080  }
0x50: {  	[sflag:s24] =	ssyncset.done $0x0  }
0x51: {  	[sflag:s24] =	ssyncadd.s32 $0xFFFFDF80  }
0x52: {  	[bflag:$0x0] =	sbarrier.arrive $0xFFFF  }
0x53: {  	s17 =	rddreg [dreg:$0xb]  }
0x54: {  	[tilespmem:s28], [sflag:$0x1] =	stream.strided.gather [hbm4b:s17+s25], $0xA0, s26, s25, $0x38;
	[tilespmem:$0x1D9C0] =	vst v63  }
0x55: {  	s18 =	simm.s32 $0x0  }
0x56: {  	[tilespmem:s29], [sflag:$0x3] =	stream.linear.gather [hbm4b:s20+s18], $0x2800, $0x38;
	[tilespmem:$0x1D9C0] =	vst v63  }
0x57: {  	s17 =	rddreg [dreg:$0xc]  }
0x58: {  	[tilespmem:s30], [sflag:$0x2] =	stream.strided.gather [hbm4b:s17+s25], $0xA0, s26, s25, $0x38;
	[tilespmem:$0x1D9C0] =	vst v63  }
0x59: {  	s19 =	rddreg [dreg:$0xd]  }
0x5a: {  	[tilespmem:s31], [sflag:$0x4] =	stream.linear.gather [hbm4b:s19+s18], $0x2800, $0x38;
	[tilespmem:$0x1D9C0] =	vst v63  }
0x5b: {  	_ =	swait.ge [sflag:s0], $0xA0  }
0x5c: {  	[sflag:s0] =	ssyncset.done $0x0  }
0x5d: {  	[sflag:s0] =	ssyncadd.s32 $0xFFFFFF60  }
0x5e: {  	[tilespmem:s23], [sflag:$0x5] =	stream.indirect.gather [hbm4b:s1+s25], $0x80, s28, s25, $0xb8;
	[tilespmem:$0x1D9C0] =	vst v63  }
0x5f: {  	_ =	swait.ge [sflag:s2], $0xA0  }
0x60: {  	[sflag:s2] =	ssyncset.done $0x0  }
0x61: {  	[sflag:s2] =	ssyncadd.s32 $0xFFFFFF60  }
0x62: {  	[tilespmem:s6], [sflag:$0x6] =	stream.indirect.gather [hbm4b:s1+s25], $0x80, s30, s25, $0xb8;
	[tilespmem:$0x1D9C0] =	vst v63  }
0x63: {  	_ =	swait.ge [sflag:s7], $0x2800  }
0x64: {  	[sflag:s7] =	ssyncset.done $0x0  }
0x65: {  	[sflag:s7] =	ssyncadd.s32 $0xFFFFD800  }
0x66: {  	_ =	swait.ge [sflag:s8], $0x2800  }
0x67: {  	[sflag:s8] =	ssyncset.done $0x0  }
0x68: {  	[sflag:s8] =	ssyncadd.s32 $0xFFFFD800  }
0x69: {  	[spmem:s3] =	stream.indirect.scatter.add.f32 [tilespmem:s23], [sflag:$0x7], $0x80, s9, s25, $0xb8;
	[tilespmem:$0x1D9C0] =	vst v63  }
0x6a: {  	_ =	swait.ge [sflag:s10], $0x2800  }
0x6b: {  	[sflag:s10] =	ssyncset.done $0x0  }
0x6c: {  	s17 =	sadd.s32 $0xFFFFFFF6, s22;
	s18 =	sadd.s32 $0x0, s21;
	[sflag:s10] =	ssyncadd.s32 $0xFFFFD800  }
0x6d: {  	[tilespmem:s28], [sflag:$0x1] =	stream.strided.gather [hbm4b:s17+s25], $0xA0, s26, s25, $0x38;
	[tilespmem:$0x1D9C0] =	vst v63  }
0x6e: {  	s19 =	sadd.s32 $0xA00, s18  }
0x6f: {  	[tilespmem:s29], [sflag:$0x3] =	stream.linear.gather [hbm4b:s19+s4], $0x2800, $0x38;
	[tilespmem:$0x1D9C0] =	vst v63  }
0x70: {  	_ =	swait.ge [sflag:s0], $0xA0  }
0x71: {  	[sflag:s0] =	ssyncset.done $0x0  }
0x72: {  	[sflag:s0] =	ssyncadd.s32 $0xFFFFFF60  }
0x73: {  	[tilespmem:s23], [sflag:$0x5] =	stream.indirect.gather [hbm4b:s1+s25], $0x80, s28, s25, $0xb8;
	[tilespmem:$0x1D9C0] =	vst v63  }
0x74: {  	_ =	swait.ge [sflag:s11], $0x2800  }
0x75: {  	[sflag:s11] =	ssyncset.done $0x0  }
0x76: {  	[sflag:s11] =	ssyncadd.s32 $0xFFFFD800  }
0x77: {  	_ =	swait.ge [sflag:s12], $0x2800  }
0x78: {  	[sflag:s12] =	ssyncset.done $0x0  }
0x79: {  	[sflag:s12] =	ssyncadd.s32 $0xFFFFD800  }
0x7a: {  	[spmem:s3] =	stream.indirect.scatter.add.f32 [tilespmem:s6], [sflag:$0x8], $0x80, s15, s25, $0xb8;
	[tilespmem:$0x1D9C0] =	vst v63  }
0x7b: {  	_ =	swait.ge [sflag:s16], $0x2800  }
0x7c: {  	s14 =	sadd.s32 $0x14, s22;
	[sflag:s16] =	ssyncset.done $0x0  }
0x7d: {  	s18 =	sadd.s32 $0xF00, s18;
	s17 =	simm.s32 $0xA00;
	[sflag:s16] =	ssyncadd.s32 $0xFFFFD800  }
0x7e: {  	[tilespmem:s30], [sflag:$0x2] =	stream.strided.gather [hbm4b:s22+s25], $0xA0, s26, s25, $0x38;
	[tilespmem:$0x1D9C0] =	vst v63  }
.LBB2_4:
0x7f: {  	[tilespmem:s31], [sflag:$0x4] =	stream.linear.gather [hbm4b:s18+s4], $0x2800, $0x38;
	[tilespmem:$0x1D9C0] =	vst v63  }
0x80: {  	s18 =	smov.u32 s17  }
0x81: {  	p0 =	sne.s32 s17, $0x25800;
	s17 =	sadd.s32 $0xA00, s17;
	_ =	swait.ge [sflag:s2], $0xA0  }
0x82: {  	[sflag:s2] =	ssyncset.done $0x0  }
0x83: {  	[sflag:s2] =	ssyncadd.s32 $0xFFFFFF60  }
0x84: {  	[tilespmem:s6], [sflag:$0x6] =	stream.indirect.gather [hbm4b:s1+s25], $0x80, s30, s25, $0xb8;
	[tilespmem:$0x1D9C0] =	vst v63  }
0x85: {  	_ =	swait.ge [sflag:s7], $0x2800  }
0x86: {  	[sflag:s7] =	ssyncset.done $0x0  }
0x87: {  	[sflag:s7] =	ssyncadd.s32 $0xFFFFD800  }
0x88: {  	_ =	swait.ge [sflag:s8], $0x2800  }
0x89: {  	[sflag:s8] =	ssyncset.done $0x0  }
0x8a: {  	[sflag:s8] =	ssyncadd.s32 $0xFFFFD800  }
0x8b: {  	[spmem:s3] =	stream.indirect.scatter.add.f32 [tilespmem:s23], [sflag:$0x7], $0x80, s9, s25, $0xb8;
	[tilespmem:$0x1D9C0] =	vst v63  }
0x8c: {  	_ =	swait.ge [sflag:s10], $0x2800  }
0x8d: {  	[sflag:s10] =	ssyncset.done $0x0  }
0x8e: {  	s19 =	sadd.s32 $0xFFFFFFF6, s14;
	s18 =	sadd.s32 s18, s21;
	[sflag:s10] =	ssyncadd.s32 $0xFFFFD800  }
0x8f: {  	[tilespmem:s28], [sflag:$0x1] =	stream.strided.gather [hbm4b:s19+s25], $0xA0, s26, s25, $0x38;
	[tilespmem:$0x1D9C0] =	vst v63  }
0x90: {  	s19 =	sadd.s32 $0xA00, s18  }
0x91: {  	[tilespmem:s29], [sflag:$0x3] =	stream.linear.gather [hbm4b:s19+s4], $0x2800, $0x38;
	[tilespmem:$0x1D9C0] =	vst v63  }
0x92: {  	_ =	swait.ge [sflag:s0], $0xA0  }
0x93: {  	[sflag:s0] =	ssyncset.done $0x0  }
0x94: {  	[sflag:s0] =	ssyncadd.s32 $0xFFFFFF60  }
0x95: {  	[tilespmem:s23], [sflag:$0x5] =	stream.indirect.gather [hbm4b:s1+s25], $0x80, s28, s25, $0xb8;
	[tilespmem:$0x1D9C0] =	vst v63  }
0x96: {  	_ =	swait.ge [sflag:s11], $0x2800  }
0x97: {  	[sflag:s11] =	ssyncset.done $0x0  }
0x98: {  	[sflag:s11] =	ssyncadd.s32 $0xFFFFD800  }
0x99: {  	_ =	swait.ge [sflag:s12], $0x2800  }
0x9a: {  	[sflag:s12] =	ssyncset.done $0x0  }
0x9b: {  	[sflag:s12] =	ssyncadd.s32 $0xFFFFD800  }
0x9c: {  	[spmem:s3] =	stream.indirect.scatter.add.f32 [tilespmem:s6], [sflag:$0x8], $0x80, s15, s25, $0xb8;
	[tilespmem:$0x1D9C0] =	vst v63  }
.Ltmp1:
0x9d: {  	_ =	swait.ge [sflag:s16], $0x2800;
	(pc) =	sbr.rel @p0 .LBB2_4-.Ltmp1, $4  }
0x9e: {  	[sflag:s16] =	ssyncset.done $0x0  }
0x9f: {  	[sflag:s16] =	ssyncadd.s32 $0xFFFFD800  }
0xa0: {  	[tilespmem:s30], [sflag:$0x2] =	stream.strided.gather [hbm4b:s14+s25], $0xA0, s26, s25, $0x38;
	[tilespmem:$0x1D9C0] =	vst v63  }
0xa1: {  	s18 =	sadd.s32 $0xF00, s18;
	s14 =	sadd.s32 $0x14, s14  }
0xa2: {  	[tilespmem:s31], [sflag:$0x4] =	stream.linear.gather [hbm4b:s18+s4], $0x2800, $0x38;
	[tilespmem:$0x1D9C0] =	vst v63  }
0xa3: {  	_ =	swait.ge [sflag:s2], $0xA0  }
0xa4: {  	[sflag:s2] =	ssyncset.done $0x0  }
0xa5: {  	[sflag:s2] =	ssyncadd.s32 $0xFFFFFF60  }
0xa6: {  	[tilespmem:s6], [sflag:$0x6] =	stream.indirect.gather [hbm4b:s1+s25], $0x80, s30, s25, $0xb8;
	[tilespmem:$0x1D9C0] =	vst v63  }
0xa7: {  	_ =	swait.ge [sflag:s7], $0x2800  }
0xa8: {  	[sflag:s7] =	ssyncset.done $0x0  }
0xa9: {  	[sflag:s7] =	ssyncadd.s32 $0xFFFFD800  }
0xaa: {  	_ =	swait.ge [sflag:s8], $0x2800  }
0xab: {  	[sflag:s8] =	ssyncset.done $0x0  }
0xac: {  	[sflag:s8] =	ssyncadd.s32 $0xFFFFD800  }
0xad: {  	[spmem:s3] =	stream.indirect.scatter.add.f32 [tilespmem:s23], [sflag:$0x7], $0x80, s9, s25, $0xb8;
	[tilespmem:$0x1D9C0] =	vst v63  }
0xae: {  	_ =	swait.ge [sflag:s10], $0x2800  }
0xaf: {  	[sflag:s10] =	ssyncset.done $0x0  }
0xb0: {  	s14 =	rddreg [dreg:$0x10];
	[sflag:s10] =	ssyncadd.s32 $0xFFFFD800  }
0xb1: {  	[tilespmem:s28], [sflag:$0x1] =	stream.strided.gather [hbm4b:s14+s25], $0xA0, s26, s25, $0x38;
	[tilespmem:$0x1D9C0] =	vst v63  }
0xb2: {  	s17 =	rddreg [dreg:$0x11]  }
0xb3: {  	[tilespmem:s29], [sflag:$0x3] =	stream.linear.gather [hbm4b:s17+s4], $0x2800, $0x38;
	[tilespmem:$0x1D9C0] =	vst v63  }
0xb4: {  	_ =	swait.ge [sflag:s0], $0xA0  }
0xb5: {  	[sflag:s0] =	ssyncset.done $0x0  }
0xb6: {  	[sflag:s0] =	ssyncadd.s32 $0xFFFFFF60  }
0xb7: {  	[tilespmem:s23], [sflag:$0x5] =	stream.indirect.gather [hbm4b:s1+s25], $0x80, s28, s25, $0xb8;
	[tilespmem:$0x1D9C0] =	vst v63  }
0xb8: {  	_ =	swait.ge [sflag:s11], $0x2800  }
0xb9: {  	[sflag:s11] =	ssyncset.done $0x0  }
0xba: {  	[sflag:s11] =	ssyncadd.s32 $0xFFFFD800  }
0xbb: {  	_ =	swait.ge [sflag:s12], $0x2800  }
0xbc: {  	[sflag:s12] =	ssyncset.done $0x0  }
0xbd: {  	[sflag:s12] =	ssyncadd.s32 $0xFFFFD800  }
0xbe: {  	[spmem:s3] =	stream.indirect.scatter.add.f32 [tilespmem:s6], [sflag:$0x8], $0x80, s15, s25, $0xb8;
	[tilespmem:$0x1D9C0] =	vst v63  }
0xbf: {  	_ =	swait.ge [sflag:s16], $0x2800  }
0xc0: {  	[sflag:s16] =	ssyncset.done $0x0  }
0xc1: {  	[sflag:s16] =	ssyncadd.s32 $0xFFFFD800  }
0xc2: {  	_ =	swait.ge [sflag:s7], $0x2800  }
0xc3: {  	[sflag:s7] =	ssyncset.done $0x0  }
0xc4: {  	[sflag:s7] =	ssyncadd.s32 $0xFFFFD800  }
0xc5: {  	_ =	swait.ge [sflag:s8], $0x2800  }
0xc6: {  	[sflag:s8] =	ssyncset.done $0x0  }
0xc7: {  	[sflag:s8] =	ssyncadd.s32 $0xFFFFD800  }
0xc8: {  	[spmem:s3] =	stream.indirect.scatter.add.f32 [tilespmem:s23], [sflag:$0x7], $0x80, s9, s25, $0xb8;
	[tilespmem:$0x1D9C0] =	vst v63  }
0xc9: {  	_ =	swait.ge [sflag:s10], $0x2800  }
0xca: {  	[sflag:s10] =	ssyncset.done $0x0  }
0xcb: {  	s18 =	stileid.u32;
	[sflag:s10] =	ssyncadd.s32 $0xFFFFD800  }
0xcc: {  	s14 =	sshll.u32 s18, $0x6;
	[bflag:$0x0] =	sbarrier.arrive $0xFFFF  }
0xcd: {  	s14 =	sor.u32 $0x1C09, s14;
	s17 =	sshrl.u32 s5, $0x3;
	s19 =	rddreg [dreg:$0xe]  }
0xce: {  	[hbm:s19], [sflag:s14] =	dma.local [spmem:s17], $0x2710  }
0xcf: {  	_ =	swait.ge [sflag:s24], $0x2710  }
0xd0: {  	s13 =	sadd.s32 $0x1, s13;
	s19 =	rddreg [dreg:$0xf]  }
0xd1: {  	p0 =	sne.s32 s13, s19  }
.Ltmp2:
0xd2: {  	_ = 	snop;
	(pc) =	sbr.rel @p0 .LBB2_1-.Ltmp2, $3  }
0xd3: {  	_ =	sdelay $0x1  }
0xd4: {  	[sflag:s24] =	ssyncset.done $0x0  }
0xd5: {  	[sflag:s24] =	ssyncadd.s32 $0xFFFFD8F0  }
0xd6: {  	_ =	sfence.sel $0x180000  }
0xd7: {  	[bflag:$0x0] =	sbarrier.arrive $0xFFFF  }
0xd8: {  	_ =	strace $0x9000004D  }
0xd9: {  	s0 =	stileid.u32;
	[bflag:$0x2] =	sbarrier.arrive $0xFFFF  }
0xda: {  	p0 =	sne.s32 s0, $0x0;
	s0 =	rddreg [dreg:$0x3]  }
0xdb: {  	s0 =	sadd.s32 @!p0 $0x100000, s0  }
0xdc: {  	[sflag:s0] =	ssyncadd.tile.s32 @!p0 $0x1;
	_ =	shalt  }
.Lfunc_end2:
_tile_overlayer_lowered:
.L_overlay_start_2:
0xdd: {  	(tag) =	ssettag $0x2  }
0xde: {  	s0 =	rddreg [dreg:$0x0];
	s2 =	stileid.u32  }
0xdf: {  	s1 =	rddreg [dreg:$0x1];
	p0 =	sne.s32 s2, $0x0  }
0xe0: {  	s3 =	rddreg [dreg:$0x2];
	[bflag:$0x3] =	sbarrier.arrive $0xFFFF;
	s2 =	simm.s32 @!p0 $0x1C09  }
0xe1: {  	[timem:s3], [sflag:s2] =	dma.local @!p0 [hbm:s0], s1  }
0xe2: {  	s0 =	simm.s32 @!p0 $0x9  }
0xe3: {  	_ =	swait.ge @!p0 [sflag:s0], s1  }
0xe4: {  	s1 =	ssub.s32 @!p0 $0x0, s1;
	[sflag:s0] =	ssyncset.done @!p0 $0x0  }
0xe5: {  	[sflag:s0] =	ssyncadd.s32 @!p0 s1  }
0xe6: {  	[bflag:$0x3] =	sbarrier.arrive $0xFFFF  }
0xe7: {  	_ =	shalt  }

</sc_bundles>
